<compile_context>
chip_gen: v7x
topology: tpu7x:2x2x1
jax: 0.10.2.dev20260603
libtpu: 0.0.44.dev20260713+nightly
codegen_flags: <defaults>
</compile_context>

<pallas_src>
import jax
import jax.numpy as jnp
from jax import lax
from jax.experimental import pallas as pl
from jax.experimental.pallas import tpu as pltpu
from jax.experimental.pallas import tpu_sc as plsc

N = 106496
N_QUANTILES = 1000
N_TOKENS = 4
D = 128

_info = plsc.get_sparse_core_info()
_NC, _NS, _L = _info.num_cores, _info.num_subcores, _info.num_lanes
_NW = _NC * _NS
_BPW = N // _NW
_CHUNK = 128
_NCHUNK = _BPW // _CHUNK
_NBUF = 4
_LA = 3


def _body(vals_hbm, inds_hbm, table_hbm, out_hbm,
          vals_v, inds_v, idx_v, rows_v, gsems, wsems):
    wid = lax.axis_index("s") * _NC + lax.axis_index("c")
    base = wid * _BPW

    pltpu.sync_copy(vals_hbm.at[pl.ds(base, _BPW)], vals_v)
    pltpu.sync_copy(inds_hbm.at[pl.ds(base, _BPW)], inds_v)

    def compute_vec(i, _):
        off = i * _L
        v = vals_v[pl.ds(off, _L)]
        ind = inds_v[pl.ds(off, _L)]
        v = jnp.minimum(jnp.maximum(v, 0.0), 1.0)
        q = (v * jnp.float32(N_QUANTILES)).astype(jnp.int32) + N_TOKENS
        q = jnp.minimum(q, N_QUANTILES + N_TOKENS - 1)
        idx_v[pl.ds(off, _L)] = jnp.where(ind == 0, q, ind)
        return 0

    lax.fori_loop(0, _BPW // _L, compute_vec, 0)

    def start_gather(j):
        b = j % _NBUF
        return pltpu.async_copy(
            table_hbm.at[idx_v.at[pl.ds(j * _CHUNK, _CHUNK)]],
            rows_v.at[b], gsems.at[b])

    def start_write(j):
        b = j % _NBUF
        return pltpu.async_copy(
            rows_v.at[b], out_hbm.at[pl.ds(base + j * _CHUNK, _CHUNK)],
            wsems.at[b])

    writes = [None] * _NCHUNK
    gathers = [None] * _NCHUNK
    for t in range(_NCHUNK + _LA):
        if t < _NCHUNK:
            if t >= _NBUF:
                writes[t - _NBUF].wait()
            gathers[t] = start_gather(t)
        if t >= _LA:
            j = t - _LA
            gathers[j].wait()
            writes[j] = start_write(j)
    for j in range(_NCHUNK - _NBUF, _NCHUNK):
        writes[j].wait()


def kernel(values, indicators, table):
    mesh = plsc.VectorSubcoreMesh(core_axis_name="c", subcore_axis_name="s")
    run = pl.kernel(
        _body,
        mesh=mesh,
        out_type=jax.ShapeDtypeStruct((N, D), jnp.float32),
        scratch_types=[
            pltpu.VMEM((_BPW,), jnp.float32),
            pltpu.VMEM((_BPW,), jnp.int32),
            pltpu.VMEM((_BPW,), jnp.int32),
            pltpu.VMEM((_NBUF, _CHUNK, D), jnp.float32),
            pltpu.SemaphoreType.DMA((_NBUF,)),
            pltpu.SemaphoreType.DMA((_NBUF,)),
        ],
    )
    return run(values, indicators, table)

# --- scband reference (transcript-rebuilt; emitter-appended) ---
"""Pipeline reference for scband-static-quantile-field-embedder-41583873360423 (READ-ONLY COPY).

The authoritative reference and input builder live on the scoring server;
editing this copy changes nothing except your own understanding.
"""

import jax, jax.numpy as jnp
import numpy as np

N = 106496
N_QUANTILES = 1000
N_TOKENS = 4  # assumed Tokens enum size; Tokens.VAL == 0 (implied by values*indicators==0 assert)
D_FIELD = 16
N_DYNAMIC = 8
D = D_FIELD * N_DYNAMIC


def setup_inputs(seed: int = 0) -> dict:
    key = jax.random.key(seed)
    k1, k2, k3 = jax.random.split(key, 3)
    indicators = jax.random.randint(k1, (N,), 0, N_TOKENS, dtype=jnp.int32)
    values = jax.random.uniform(k2, (N,), dtype=jnp.float32)
    # values must be 0 wherever indicator != VAL(=0), and values in [0, 1)
    values = values * (indicators == 0).astype(jnp.float32)
    values = jnp.clip(values, 0.0, 0.999999)
    table = jax.random.normal(k3, (N_QUANTILES + N_TOKENS, D), dtype=jnp.float32) * 0.02
    return {"values": values, "indicators": indicators, "table": table}


def reference(values, indicators, table):
    # eval mode: jitter = zeros_like(values)
    jittered = jnp.clip(values, 0.0, 1.0)
    quantiles = jnp.floor(jittered * N_QUANTILES).astype(jnp.int32) + N_TOKENS
    # masked_scatter with same-shape source where indicators == Tokens.VAL -> elementwise select
    lookup = jnp.where(indicators == 0, quantiles, indicators)
    # embedding lookup (row gather)
    return jnp.take(table, lookup, axis=0)

if __name__ == "__main__":
    import jax
    _d = setup_inputs()
    print(jax.jit(kernel)(*tuple(_d.values())))

</pallas_src>

<mosaic_0001>
#map = affine_map<(d0, d1) -> (0)>
#map1 = affine_map<(d0, d1) -> (0, 0)>
module attributes {stable_mosaic.version = 14 : i64} {
  func.func @_body(%arg0: i32, %arg1: i32, %arg2: memref<106496xf32, #tpu.memory_space<hbm>>, %arg3: memref<106496xi32, #tpu.memory_space<hbm>>, %arg4: memref<1004x128xf32, #tpu.memory_space<hbm>>, %arg5: memref<106496x128xf32, #tpu.memory_space<hbm>>, %arg6: memref<3328xf32, #tpu.memory_space<vmem>>, %arg7: memref<3328xi32, #tpu.memory_space<vmem>>, %arg8: memref<3328xi32, #tpu.memory_space<vmem>>, %arg9: memref<4x128x128xf32, #tpu.memory_space<vmem>>, %arg10: memref<4x!tpu.dma_semaphore, #tpu.memory_space<semaphore_mem>>, %arg11: memref<4x!tpu.dma_semaphore, #tpu.memory_space<semaphore_mem>>) attributes {dimension_semantics = [#tpu.dimension_semantics<core_parallel>, #tpu.dimension_semantics<subcore_parallel>], iteration_bounds = array<i64: 2, 16>, scalar_prefetch = 0 : i64, scratch_operands = 6 : i64, tpu.core_type = #tpu.core_type<sc_vector_subcore>, window_params = [{transform_indices = #map}, {transform_indices = #map}, {transform_indices = #map1}, {transform_indices = #map1}]} {
    %mul3A = arith.constant 2 : i32
    %mul3A_0 = arith.muli %arg1, %mul3A : i32
    %add3A = arith.addi %mul3A_0, %arg0 : i32
    %mul3A_1 = arith.constant 3328 : i32
    %mul3A_2 = arith.muli %add3A, %mul3A_1 : i32
    "tpu.region"() ({
      %run_scoped3A = tpu.sem_alloc : memref<!tpu.dma_semaphore, #tpu.memory_space<semaphore_mem>>
      %dma_start3A_1567 = tpu.memref_slice %arg2[%mul3A_2] : memref<106496xf32, #tpu.memory_space<hbm>> -> memref<3328xf32, #tpu.memory_space<hbm>>
      %dma_start3A_1568 = tpu.memref_slice %arg2[%mul3A_2] : memref<106496xf32, #tpu.memory_space<hbm>> -> memref<3328xf32, #tpu.memory_space<hbm>>
      tpu.enqueue_dma source(%dma_start3A_1568 : memref<3328xf32, #tpu.memory_space<hbm>>) target(%arg6 : memref<3328xf32, #tpu.memory_space<vmem>>) target_semaphore(%run_scoped3A : memref<!tpu.dma_semaphore, #tpu.memory_space<semaphore_mem>>)
      %dma_wait3A_1569 = tpu.memref_slice %arg2[%mul3A_2] : memref<106496xf32, #tpu.memory_space<hbm>> -> memref<3328xf32, #tpu.memory_space<hbm>>
      %dma_wait3A_1570 = tpu.memref_slice %arg2[%mul3A_2] : memref<106496xf32, #tpu.memory_space<hbm>> -> memref<3328xf32, #tpu.memory_space<hbm>>
      tpu.wait_dma2 semaphore(%run_scoped3A : memref<!tpu.dma_semaphore, #tpu.memory_space<semaphore_mem>>) src(%dma_wait3A_1570 : memref<3328xf32, #tpu.memory_space<hbm>>) dst(%arg6 : memref<3328xf32, #tpu.memory_space<vmem>>)
      tpu.yield
    }) : () -> ()
    "tpu.region"() ({
      %run_scoped3A = tpu.sem_alloc : memref<!tpu.dma_semaphore, #tpu.memory_space<semaphore_mem>>
      %dma_start3A_1567 = tpu.memref_slice %arg3[%mul3A_2] : memref<106496xi32, #tpu.memory_space<hbm>> -> memref<3328xi32, #tpu.memory_space<hbm>>
      %dma_start3A_1568 = tpu.memref_slice %arg3[%mul3A_2] : memref<106496xi32, #tpu.memory_space<hbm>> -> memref<3328xi32, #tpu.memory_space<hbm>>
      tpu.enqueue_dma source(%dma_start3A_1568 : memref<3328xi32, #tpu.memory_space<hbm>>) target(%arg7 : memref<3328xi32, #tpu.memory_space<vmem>>) target_semaphore(%run_scoped3A : memref<!tpu.dma_semaphore, #tpu.memory_space<semaphore_mem>>)
      %dma_wait3A_1569 = tpu.memref_slice %arg3[%mul3A_2] : memref<106496xi32, #tpu.memory_space<hbm>> -> memref<3328xi32, #tpu.memory_space<hbm>>
      %dma_wait3A_1570 = tpu.memref_slice %arg3[%mul3A_2] : memref<106496xi32, #tpu.memory_space<hbm>> -> memref<3328xi32, #tpu.memory_space<hbm>>
      tpu.wait_dma2 semaphore(%run_scoped3A : memref<!tpu.dma_semaphore, #tpu.memory_space<semaphore_mem>>) src(%dma_wait3A_1570 : memref<3328xi32, #tpu.memory_space<hbm>>) dst(%arg7 : memref<3328xi32, #tpu.memory_space<vmem>>)
      tpu.yield
    }) : () -> ()
    %scan3A = arith.constant 0 : i32
    %scan3A_3 = arith.constant 0 : i32
    %scan3A_4 = arith.constant 208 : i32
    %scan3A_5 = arith.addi %scan3A_3, %scan3A_4 : i32
    %scan3A_6 = arith.constant 1 : i32
    %scan3A_7 = scf.for %scan3A_1567 = %scan3A_3 to %scan3A_5 step %scan3A_6 iter_args(%scan3A_1568 = %scan3A) -> (i32)  : i32 {
      %mul3A_1569 = arith.constant 16 : i32
      %mul3A_1570 = arith.muli %scan3A_1567, %mul3A_1569 : i32
      %get3A = arith.index_cast %mul3A_1570 : i32 to index
      %get3A_1571 = tpu.vector_load %arg6[%get3A] {strides = array<i32>} : memref<3328xf32, #tpu.memory_space<vmem>>, vector<16xf32>,
      %get3A_1572 = vector.shape_cast %get3A_1571 : vector<16xf32> to vector<16xf32>
      %get3A_1573 = arith.index_cast %mul3A_1570 : i32 to index
      %get3A_1574 = tpu.vector_load %arg7[%get3A_1573] {strides = array<i32>} : memref<3328xi32, #tpu.memory_space<vmem>>, vector<16xi32>,
      %get3A_1575 = vector.shape_cast %get3A_1574 : vector<16xi32> to vector<16xi32>
      %max3A = arith.constant 0.000000e+00 : f32
      %max3A_1576 = vector.broadcast %max3A : f32 to vector<16xf32>
      %max3A_1577 = arith.maximumf %get3A_1572, %max3A_1576 : vector<16xf32>
      %min3A = arith.constant 1.000000e+00 : f32
      %min3A_1578 = vector.broadcast %min3A : f32 to vector<16xf32>
      %min3A_1579 = arith.minimumf %max3A_1577, %min3A_1578 : vector<16xf32>
      %mul3A_1580 = arith.constant 1.000000e+03 : f32
      %mul3A_1581 = vector.broadcast %mul3A_1580 : f32 to vector<16xf32>
      %mul3A_1582 = arith.mulf %min3A_1579, %mul3A_1581 : vector<16xf32>
      %convert_element_type3A = arith.fptosi %mul3A_1582 : vector<16xf32> to vector<16xi32>
      %add3A_1583 = arith.constant 4 : i32
      %add3A_1584 = vector.broadcast %add3A_1583 : i32 to vector<16xi32>
      %add3A_1585 = arith.addi %convert_element_type3A, %add3A_1584 : vector<16xi32>
      %min3A_1586 = arith.constant 1003 : i32
      %min3A_1587 = vector.broadcast %min3A_1586 : i32 to vector<16xi32>
      %min3A_1588 = arith.minsi %add3A_1585, %min3A_1587 : vector<16xi32>
      %eq3A = arith.constant 0 : i32
      %eq3A_1589 = vector.broadcast %eq3A : i32 to vector<16xi32>
      %eq3A_1590 = arith.cmpi eq, %get3A_1575, %eq3A_1589 : vector<16xi32>
      %select_n3A = arith.select %eq3A_1590, %min3A_1588, %get3A_1575 : vector<16xi1>, vector<16xi32>
      %swap3A = arith.index_cast %mul3A_1570 : i32 to index
      %swap3A_1591 = tpu.vector_load %arg8[%swap3A] {strides = array<i32>} : memref<3328xi32, #tpu.memory_space<vmem>>, vector<16xi32>,
      %swap3A_1592 = vector.shape_cast %swap3A_1591 : vector<16xi32> to vector<16xi32>
      %swap3A_1593 = vector.shape_cast %select_n3A : vector<16xi32> to vector<16xi32>
      tpu.vector_store %arg8[%swap3A], %swap3A_1593 {strides = array<i32>} : memref<3328xi32, #tpu.memory_space<vmem>>, vector<16xi32>,
      %scan3A_1594 = arith.constant 0 : i32
      scf.yield %scan3A_1594 : i32
    }
    %scan3A_8 = arith.constant 208 : i32
    %dma_start3A = arith.constant 0 : i32
    %dma_start3A_9 = arith.constant 0 : i32
    %dma_start3A_10 = arith.constant 0 : i32
    %dma_start3A_11 = arith.constant 0 : i32
    %dma_start3A_12 = tpu.memref_slice %arg9[%dma_start3A, %dma_start3A_10, %dma_start3A_11] : memref<4x128x128xf32, #tpu.memory_space<vmem>> -> memref<1x128x128xf32, #tpu.memory_space<vmem>>
    %dma_start3A_13 = tpu.memref_squeeze %dma_start3A_12 : memref<1x128x128xf32, #tpu.memory_space<vmem>> -> memref<128x128xf32, #tpu.memory_space<vmem>>
    %dma_start3A_14 = arith.constant 0 : i32
    %dma_start3A_15 = tpu.memref_slice %arg8[%dma_start3A_14] : memref<3328xi32, #tpu.memory_space<vmem>> -> memref<128xi32, #tpu.memory_space<vmem>>
    %dma_start3A_16 = arith.constant 0 : i32
    %dma_start3A_17 = arith.constant 0 : i32
    %dma_start3A_18 = tpu.memref_slice %arg4[%dma_start3A_16, %dma_start3A_17] : memref<1004x128xf32, #tpu.memory_space<hbm>> -> memref<1004x128xf32, #tpu.memory_space<hbm>>
    %dma_start3A_19 = tpu.memref_slice %arg10[%dma_start3A_9] : memref<4x!tpu.dma_semaphore, #tpu.memory_space<semaphore_mem>> -> memref<1x!tpu.dma_semaphore, #tpu.memory_space<semaphore_mem>>
    %dma_start3A_20 = tpu.memref_squeeze %dma_start3A_19 : memref<1x!tpu.dma_semaphore, #tpu.memory_space<semaphore_mem>> -> memref<!tpu.dma_semaphore, #tpu.memory_space<semaphore_mem>>
    tpu.enqueue_indirect_dma source(%dma_start3A_18 : memref<1004x128xf32, #tpu.memory_space<hbm>>) target(%dma_start3A_13 : memref<128x128xf32, #tpu.memory_space<vmem>>) offsets(%dma_start3A_15 : memref<128xi32, #tpu.memory_space<vmem>>) semaphore(%dma_start3A_20 : memref<!tpu.dma_semaphore, #tpu.memory_space<semaphore_mem>>)
    %dma_start3A_21 = arith.constant 1 : i32
    %dma_start3A_22 = arith.constant 1 : i32
    %dma_start3A_23 = arith.constant 0 : i32
    %dma_start3A_24 = arith.constant 0 : i32
    %dma_start3A_25 = tpu.memref_slice %arg9[%dma_start3A_21, %dma_start3A_23, %dma_start3A_24] : memref<4x128x128xf32, #tpu.memory_space<vmem>> -> memref<1x128x128xf32, #tpu.memory_space<vmem>>
    %dma_start3A_26 = tpu.memref_squeeze %dma_start3A_25 : memref<1x128x128xf32, #tpu.memory_space<vmem>> -> memref<128x128xf32, #tpu.memory_space<vmem>>
    %dma_start3A_27 = arith.constant 128 : i32
    %dma_start3A_28 = tpu.memref_slice %arg8[%dma_start3A_27] : memref<3328xi32, #tpu.memory_space<vmem>> -> memref<128xi32, #tpu.memory_space<vmem>>
    %dma_start3A_29 = arith.constant 0 : i32
    %dma_start3A_30 = arith.constant 0 : i32
    %dma_start3A_31 = tpu.memref_slice %arg4[%dma_start3A_29, %dma_start3A_30] : memref<1004x128xf32, #tpu.memory_space<hbm>> -> memref<1004x128xf32, #tpu.memory_space<hbm>>
    %dma_start3A_32 = tpu.memref_slice %arg10[%dma_start3A_22] : memref<4x!tpu.dma_semaphore, #tpu.memory_space<semaphore_mem>> -> memref<1x!tpu.dma_semaphore, #tpu.memory_space<semaphore_mem>>
    %dma_start3A_33 = tpu.memref_squeeze %dma_start3A_32 : memref<1x!tpu.dma_semaphore, #tpu.memory_space<semaphore_mem>> -> memref<!tpu.dma_semaphore, #tpu.memory_space<semaphore_mem>>
    tpu.enqueue_indirect_dma source(%dma_start3A_31 : memref<1004x128xf32, #tpu.memory_space<hbm>>) target(%dma_start3A_26 : memref<128x128xf32, #tpu.memory_space<vmem>>) offsets(%dma_start3A_28 : memref<128xi32, #tpu.memory_space<vmem>>) semaphore(%dma_start3A_33 : memref<!tpu.dma_semaphore, #tpu.memory_space<semaphore_mem>>)
    %dma_start3A_34 = arith.constant 2 : i32
    %dma_start3A_35 = arith.constant 2 : i32
    %dma_start3A_36 = arith.constant 0 : i32
    %dma_start3A_37 = arith.constant 0 : i32
    %dma_start3A_38 = tpu.memref_slice %arg9[%dma_start3A_34, %dma_start3A_36, %dma_start3A_37] : memref<4x128x128xf32, #tpu.memory_space<vmem>> -> memref<1x128x128xf32, #tpu.memory_space<vmem>>
    %dma_start3A_39 = tpu.memref_squeeze %dma_start3A_38 : memref<1x128x128xf32, #tpu.memory_space<vmem>> -> memref<128x128xf32, #tpu.memory_space<vmem>>
    %dma_start3A_40 = arith.constant 256 : i32
    %dma_start3A_41 = tpu.memref_slice %arg8[%dma_start3A_40] : memref<3328xi32, #tpu.memory_space<vmem>> -> memref<128xi32, #tpu.memory_space<vmem>>
    %dma_start3A_42 = arith.constant 0 : i32
    %dma_start3A_43 = arith.constant 0 : i32
    %dma_start3A_44 = tpu.memref_slice %arg4[%dma_start3A_42, %dma_start3A_43] : memref<1004x128xf32, #tpu.memory_space<hbm>> -> memref<1004x128xf32, #tpu.memory_space<hbm>>
    %dma_start3A_45 = tpu.memref_slice %arg10[%dma_start3A_35] : memref<4x!tpu.dma_semaphore, #tpu.memory_space<semaphore_mem>> -> memref<1x!tpu.dma_semaphore, #tpu.memory_space<semaphore_mem>>
    %dma_start3A_46 = tpu.memref_squeeze %dma_start3A_45 : memref<1x!tpu.dma_semaphore, #tpu.memory_space<semaphore_mem>> -> memref<!tpu.dma_semaphore, #tpu.memory_space<semaphore_mem>>
    tpu.enqueue_indirect_dma source(%dma_start3A_44 : memref<1004x128xf32, #tpu.memory_space<hbm>>) target(%dma_start3A_39 : memref<128x128xf32, #tpu.memory_space<vmem>>) offsets(%dma_start3A_41 : memref<128xi32, #tpu.memory_space<vmem>>) semaphore(%dma_start3A_46 : memref<!tpu.dma_semaphore, #tpu.memory_space<semaphore_mem>>)
    %dma_start3A_47 = arith.constant 3 : i32
    %dma_start3A_48 = arith.constant 3 : i32
    %dma_start3A_49 = arith.constant 0 : i32
    %dma_start3A_50 = arith.constant 0 : i32
    %dma_start3A_51 = tpu.memref_slice %arg9[%dma_start3A_47, %dma_start3A_49, %dma_start3A_50] : memref<4x128x128xf32, #tpu.memory_space<vmem>> -> memref<1x128x128xf32, #tpu.memory_space<vmem>>
    %dma_start3A_52 = tpu.memref_squeeze %dma_start3A_51 : memref<1x128x128xf32, #tpu.memory_space<vmem>> -> memref<128x128xf32, #tpu.memory_space<vmem>>
    %dma_start3A_53 = arith.constant 384 : i32
    %dma_start3A_54 = tpu.memref_slice %arg8[%dma_start3A_53] : memref<3328xi32, #tpu.memory_space<vmem>> -> memref<128xi32, #tpu.memory_space<vmem>>
    %dma_start3A_55 = arith.constant 0 : i32
    %dma_start3A_56 = arith.constant 0 : i32
    %dma_start3A_57 = tpu.memref_slice %arg4[%dma_start3A_55, %dma_start3A_56] : memref<1004x128xf32, #tpu.memory_space<hbm>> -> memref<1004x128xf32, #tpu.memory_space<hbm>>
    %dma_start3A_58 = tpu.memref_slice %arg10[%dma_start3A_48] : memref<4x!tpu.dma_semaphore, #tpu.memory_space<semaphore_mem>> -> memref<1x!tpu.dma_semaphore, #tpu.memory_space<semaphore_mem>>
    %dma_start3A_59 = tpu.memref_squeeze %dma_start3A_58 : memref<1x!tpu.dma_semaphore, #tpu.memory_space<semaphore_mem>> -> memref<!tpu.dma_semaphore, #tpu.memory_space<semaphore_mem>>
    tpu.enqueue_indirect_dma source(%dma_start3A_57 : memref<1004x128xf32, #tpu.memory_space<hbm>>) target(%dma_start3A_52 : memref<128x128xf32, #tpu.memory_space<vmem>>) offsets(%dma_start3A_54 : memref<128xi32, #tpu.memory_space<vmem>>) semaphore(%dma_start3A_59 : memref<!tpu.dma_semaphore, #tpu.memory_space<semaphore_mem>>)
    %dma_wait3A = arith.constant 0 : i32
    %dma_wait3A_60 = arith.constant 0 : i32
    %dma_wait3A_61 = arith.constant 0 : i32
    %dma_wait3A_62 = arith.constant 0 : i32
    %dma_wait3A_63 = tpu.memref_slice %arg9[%dma_wait3A, %dma_wait3A_61, %dma_wait3A_62] : memref<4x128x128xf32, #tpu.memory_space<vmem>> -> memref<1x128x128xf32, #tpu.memory_space<vmem>>
    %dma_wait3A_64 = tpu.memref_squeeze %dma_wait3A_63 : memref<1x128x128xf32, #tpu.memory_space<vmem>> -> memref<128x128xf32, #tpu.memory_space<vmem>>
    %dma_wait3A_65 = arith.constant 0 : i32
    %dma_wait3A_66 = tpu.memref_slice %arg8[%dma_wait3A_65] : memref<3328xi32, #tpu.memory_space<vmem>> -> memref<128xi32, #tpu.memory_space<vmem>>
    %dma_wait3A_67 = arith.constant 0 : i32
    %dma_wait3A_68 = arith.constant 0 : i32
    %dma_wait3A_69 = tpu.memref_slice %arg4[%dma_wait3A_67, %dma_wait3A_68] : memref<1004x128xf32, #tpu.memory_space<hbm>> -> memref<1004x128xf32, #tpu.memory_space<hbm>>
    %dma_wait3A_70 = tpu.memref_slice %arg10[%dma_wait3A_60] : memref<4x!tpu.dma_semaphore, #tpu.memory_space<semaphore_mem>> -> memref<1x!tpu.dma_semaphore, #tpu.memory_space<semaphore_mem>>
    %dma_wait3A_71 = tpu.memref_squeeze %dma_wait3A_70 : memref<1x!tpu.dma_semaphore, #tpu.memory_space<semaphore_mem>> -> memref<!tpu.dma_semaphore, #tpu.memory_space<semaphore_mem>>
    tpu.wait_indirect_dma semaphore(%dma_wait3A_71 : memref<!tpu.dma_semaphore, #tpu.memory_space<semaphore_mem>>) src(%dma_wait3A_69 : memref<1004x128xf32, #tpu.memory_space<hbm>>) dst(%dma_wait3A_64 : memref<128x128xf32, #tpu.memory_space<vmem>>)
    %add3A_72 = arith.constant 0 : i32
    %add3A_73 = arith.addi %mul3A_2, %add3A_72 : i32
    %dma_start3A_74 = arith.constant 0 : i32
    %dma_start3A_75 = arith.constant 0 : i32
    %dma_start3A_76 = arith.constant 0 : i32
    %dma_start3A_77 = arith.constant 0 : i32
    %dma_start3A_78 = tpu.memref_slice %arg9[%dma_start3A_74, %dma_start3A_76, %dma_start3A_77] : memref<4x128x128xf32, #tpu.memory_space<vmem>> -> memref<1x128x128xf32, #tpu.memory_space<vmem>>
    %dma_start3A_79 = tpu.memref_squeeze %dma_start3A_78 : memref<1x128x128xf32, #tpu.memory_space<vmem>> -> memref<128x128xf32, #tpu.memory_space<vmem>>
    %dma_start3A_80 = arith.constant 0 : i32
    %dma_start3A_81 = tpu.memref_slice %arg5[%add3A_73, %dma_start3A_80] : memref<106496x128xf32, #tpu.memory_space<hbm>> -> memref<128x128xf32, #tpu.memory_space<hbm>>
    %dma_start3A_82 = tpu.memref_slice %arg11[%dma_start3A_75] : memref<4x!tpu.dma_semaphore, #tpu.memory_space<semaphore_mem>> -> memref<1x!tpu.dma_semaphore, #tpu.memory_space<semaphore_mem>>
    %dma_start3A_83 = tpu.memref_squeeze %dma_start3A_82 : memref<1x!tpu.dma_semaphore, #tpu.memory_space<semaphore_mem>> -> memref<!tpu.dma_semaphore, #tpu.memory_space<semaphore_mem>>
    %dma_start3A_84 = arith.constant 0 : i32
    %dma_start3A_85 = tpu.memref_slice %arg5[%add3A_73, %dma_start3A_84] : memref<106496x128xf32, #tpu.memory_space<hbm>> -> memref<128x128xf32, #tpu.memory_space<hbm>>
    %dma_start3A_86 = arith.constant 0 : i32
    %dma_start3A_87 = arith.constant 0 : i32
    %dma_start3A_88 = tpu.memref_slice %arg9[%dma_start3A_74, %dma_start3A_86, %dma_start3A_87] : memref<4x128x128xf32, #tpu.memory_space<vmem>> -> memref<1x128x128xf32, #tpu.memory_space<vmem>>
    %dma_start3A_89 = tpu.memref_squeeze %dma_start3A_88 : memref<1x128x128xf32, #tpu.memory_space<vmem>> -> memref<128x128xf32, #tpu.memory_space<vmem>>
    tpu.enqueue_dma source(%dma_start3A_89 : memref<128x128xf32, #tpu.memory_space<vmem>>) target(%dma_start3A_85 : memref<128x128xf32, #tpu.memory_space<hbm>>) target_semaphore(%dma_start3A_83 : memref<!tpu.dma_semaphore, #tpu.memory_space<semaphore_mem>>)
    %dma_wait3A_90 = arith.constant 0 : i32
    %dma_wait3A_91 = arith.constant 0 : i32
    %dma_wait3A_92 = arith.constant 0 : i32
    %dma_wait3A_93 = arith.constant 0 : i32
    %dma_wait3A_94 = tpu.memref_slice %arg9[%dma_wait3A_90, %dma_wait3A_92, %dma_wait3A_93] : memref<4x128x128xf32, #tpu.memory_space<vmem>> -> memref<1x128x128xf32, #tpu.memory_space<vmem>>
    %dma_wait3A_95 = tpu.memref_squeeze %dma_wait3A_94 : memref<1x128x128xf32, #tpu.memory_space<vmem>> -> memref<128x128xf32, #tpu.memory_space<vmem>>
    %dma_wait3A_96 = arith.constant 0 : i32
    %dma_wait3A_97 = tpu.memref_slice %arg5[%add3A_73, %dma_wait3A_96] : memref<106496x128xf32, #tpu.memory_space<hbm>> -> memref<128x128xf32, #tpu.memory_space<hbm>>
    %dma_wait3A_98 = tpu.memref_slice %arg11[%dma_wait3A_91] : memref<4x!tpu.dma_semaphore, #tpu.memory_space<semaphore_mem>> -> memref<1x!tpu.dma_semaphore, #tpu.memory_space<semaphore_mem>>
    %dma_wait3A_99 = tpu.memref_squeeze %dma_wait3A_98 : memref<1x!tpu.dma_semaphore, #tpu.memory_space<semaphore_mem>> -> memref<!tpu.dma_semaphore, #tpu.memory_space<semaphore_mem>>
    %dma_wait3A_100 = arith.constant 0 : i32
    %dma_wait3A_101 = tpu.memref_slice %arg5[%add3A_73, %dma_wait3A_100] : memref<106496x128xf32, #tpu.memory_space<hbm>> -> memref<128x128xf32, #tpu.memory_space<hbm>>
    %dma_wait3A_102 = arith.constant 0 : i32
    %dma_wait3A_103 = arith.constant 0 : i32
    %dma_wait3A_104 = tpu.memref_slice %arg9[%dma_wait3A_90, %dma_wait3A_102, %dma_wait3A_103] : memref<4x128x128xf32, #tpu.memory_space<vmem>> -> memref<1x128x128xf32, #tpu.memory_space<vmem>>
    %dma_wait3A_105 = tpu.memref_squeeze %dma_wait3A_104 : memref<1x128x128xf32, #tpu.memory_space<vmem>> -> memref<128x128xf32, #tpu.memory_space<vmem>>
    tpu.wait_dma2 semaphore(%dma_wait3A_99 : memref<!tpu.dma_semaphore, #tpu.memory_space<semaphore_mem>>) src(%dma_wait3A_105 : memref<128x128xf32, #tpu.memory_space<vmem>>) dst(%dma_wait3A_101 : memref<128x128xf32, #tpu.memory_space<hbm>>)
    %dma_start3A_106 = arith.constant 0 : i32
    %dma_start3A_107 = arith.constant 0 : i32
    %dma_start3A_108 = arith.constant 0 : i32
    %dma_start3A_109 = arith.constant 0 : i32
    %dma_start3A_110 = tpu.memref_slice %arg9[%dma_start3A_106, %dma_start3A_108, %dma_start3A_109] : memref<4x128x128xf32, #tpu.memory_space<vmem>> -> memref<1x128x128xf32, #tpu.memory_space<vmem>>
    %dma_start3A_111 = tpu.memref_squeeze %dma_start3A_110 : memref<1x128x128xf32, #tpu.memory_space<vmem>> -> memref<128x128xf32, #tpu.memory_space<vmem>>
    %dma_start3A_112 = arith.constant 512 : i32
    %dma_start3A_113 = tpu.memref_slice %arg8[%dma_start3A_112] : memref<3328xi32, #tpu.memory_space<vmem>> -> memref<128xi32, #tpu.memory_space<vmem>>
    %dma_start3A_114 = arith.constant 0 : i32
    %dma_start3A_115 = arith.constant 0 : i32
    %dma_start3A_116 = tpu.memref_slice %arg4[%dma_start3A_114, %dma_start3A_115] : memref<1004x128xf32, #tpu.memory_space<hbm>> -> memref<1004x128xf32, #tpu.memory_space<hbm>>
    %dma_start3A_117 = tpu.memref_slice %arg10[%dma_start3A_107] : memref<4x!tpu.dma_semaphore, #tpu.memory_space<semaphore_mem>> -> memref<1x!tpu.dma_semaphore, #tpu.memory_space<semaphore_mem>>
    %dma_start3A_118 = tpu.memref_squeeze %dma_start3A_117 : memref<1x!tpu.dma_semaphore, #tpu.memory_space<semaphore_mem>> -> memref<!tpu.dma_semaphore, #tpu.memory_space<semaphore_mem>>
    tpu.enqueue_indirect_dma source(%dma_start3A_116 : memref<1004x128xf32, #tpu.memory_space<hbm>>) target(%dma_start3A_111 : memref<128x128xf32, #tpu.memory_space<vmem>>) offsets(%dma_start3A_113 : memref<128xi32, #tpu.memory_space<vmem>>) semaphore(%dma_start3A_118 : memref<!tpu.dma_semaphore, #tpu.memory_space<semaphore_mem>>)
    %dma_wait3A_119 = arith.constant 1 : i32
    %dma_wait3A_120 = arith.constant 1 : i32
    %dma_wait3A_121 = arith.constant 0 : i32
    %dma_wait3A_122 = arith.constant 0 : i32
    %dma_wait3A_123 = tpu.memref_slice %arg9[%dma_wait3A_119, %dma_wait3A_121, %dma_wait3A_122] : memref<4x128x128xf32, #tpu.memory_space<vmem>> -> memref<1x128x128xf32, #tpu.memory_space<vmem>>
    %dma_wait3A_124 = tpu.memref_squeeze %dma_wait3A_123 : memref<1x128x128xf32, #tpu.memory_space<vmem>> -> memref<128x128xf32, #tpu.memory_space<vmem>>
    %dma_wait3A_125 = arith.constant 128 : i32
    %dma_wait3A_126 = tpu.memref_slice %arg8[%dma_wait3A_125] : memref<3328xi32, #tpu.memory_space<vmem>> -> memref<128xi32, #tpu.memory_space<vmem>>
    %dma_wait3A_127 = arith.constant 0 : i32
    %dma_wait3A_128 = arith.constant 0 : i32
    %dma_wait3A_129 = tpu.memref_slice %arg4[%dma_wait3A_127, %dma_wait3A_128] : memref<1004x128xf32, #tpu.memory_space<hbm>> -> memref<1004x128xf32, #tpu.memory_space<hbm>>
    %dma_wait3A_130 = tpu.memref_slice %arg10[%dma_wait3A_120] : memref<4x!tpu.dma_semaphore, #tpu.memory_space<semaphore_mem>> -> memref<1x!tpu.dma_semaphore, #tpu.memory_space<semaphore_mem>>
    %dma_wait3A_131 = tpu.memref_squeeze %dma_wait3A_130 : memref<1x!tpu.dma_semaphore, #tpu.memory_space<semaphore_mem>> -> memref<!tpu.dma_semaphore, #tpu.memory_space<semaphore_mem>>
    tpu.wait_indirect_dma semaphore(%dma_wait3A_131 : memref<!tpu.dma_semaphore, #tpu.memory_space<semaphore_mem>>) src(%dma_wait3A_129 : memref<1004x128xf32, #tpu.memory_space<hbm>>) dst(%dma_wait3A_124 : memref<128x128xf32, #tpu.memory_space<vmem>>)
    %add3A_132 = arith.constant 128 : i32
    %add3A_133 = arith.addi %mul3A_2, %add3A_132 : i32
    %dma_start3A_134 = arith.constant 1 : i32
    %dma_start3A_135 = arith.constant 1 : i32
    %dma_start3A_136 = arith.constant 0 : i32
    %dma_start3A_137 = arith.constant 0 : i32
    %dma_start3A_138 = tpu.memref_slice %arg9[%dma_start3A_134, %dma_start3A_136, %dma_start3A_137] : memref<4x128x128xf32, #tpu.memory_space<vmem>> -> memref<1x128x128xf32, #tpu.memory_space<vmem>>
    %dma_start3A_139 = tpu.memref_squeeze %dma_start3A_138 : memref<1x128x128xf32, #tpu.memory_space<vmem>> -> memref<128x128xf32, #tpu.memory_space<vmem>>
    %dma_start3A_140 = arith.constant 0 : i32
    %dma_start3A_141 = tpu.memref_slice %arg5[%add3A_133, %dma_start3A_140] : memref<106496x128xf32, #tpu.memory_space<hbm>> -> memref<128x128xf32, #tpu.memory_space<hbm>>
    %dma_start3A_142 = tpu.memref_slice %arg11[%dma_start3A_135] : memref<4x!tpu.dma_semaphore, #tpu.memory_space<semaphore_mem>> -> memref<1x!tpu.dma_semaphore, #tpu.memory_space<semaphore_mem>>
    %dma_start3A_143 = tpu.memref_squeeze %dma_start3A_142 : memref<1x!tpu.dma_semaphore, #tpu.memory_space<semaphore_mem>> -> memref<!tpu.dma_semaphore, #tpu.memory_space<semaphore_mem>>
    %dma_start3A_144 = arith.constant 0 : i32
    %dma_start3A_145 = tpu.memref_slice %arg5[%add3A_133, %dma_start3A_144] : memref<106496x128xf32, #tpu.memory_space<hbm>> -> memref<128x128xf32, #tpu.memory_space<hbm>>
    %dma_start3A_146 = arith.constant 0 : i32
    %dma_start3A_147 = arith.constant 0 : i32
    %dma_start3A_148 = tpu.memref_slice %arg9[%dma_start3A_134, %dma_start3A_146, %dma_start3A_147] : memref<4x128x128xf32, #tpu.memory_space<vmem>> -> memref<1x128x128xf32, #tpu.memory_space<vmem>>
    %dma_start3A_149 = tpu.memref_squeeze %dma_start3A_148 : memref<1x128x128xf32, #tpu.memory_space<vmem>> -> memref<128x128xf32, #tpu.memory_space<vmem>>
    tpu.enqueue_dma source(%dma_start3A_149 : memref<128x128xf32, #tpu.memory_space<vmem>>) target(%dma_start3A_145 : memref<128x128xf32, #tpu.memory_space<hbm>>) target_semaphore(%dma_start3A_143 : memref<!tpu.dma_semaphore, #tpu.memory_space<semaphore_mem>>)
    %dma_wait3A_150 = arith.constant 1 : i32
    %dma_wait3A_151 = arith.constant 1 : i32
    %dma_wait3A_152 = arith.constant 0 : i32
    %dma_wait3A_153 = arith.constant 0 : i32
    %dma_wait3A_154 = tpu.memref_slice %arg9[%dma_wait3A_150, %dma_wait3A_152, %dma_wait3A_153] : memref<4x128x128xf32, #tpu.memory_space<vmem>> -> memref<1x128x128xf32, #tpu.memory_space<vmem>>
    %dma_wait3A_155 = tpu.memref_squeeze %dma_wait3A_154 : memref<1x128x128xf32, #tpu.memory_space<vmem>> -> memref<128x128xf32, #tpu.memory_space<vmem>>
    %dma_wait3A_156 = arith.constant 0 : i32
    %dma_wait3A_157 = tpu.memref_slice %arg5[%add3A_133, %dma_wait3A_156] : memref<106496x128xf32, #tpu.memory_space<hbm>> -> memref<128x128xf32, #tpu.memory_space<hbm>>
    %dma_wait3A_158 = tpu.memref_slice %arg11[%dma_wait3A_151] : memref<4x!tpu.dma_semaphore, #tpu.memory_space<semaphore_mem>> -> memref<1x!tpu.dma_semaphore, #tpu.memory_space<semaphore_mem>>
    %dma_wait3A_159 = tpu.memref_squeeze %dma_wait3A_158 : memref<1x!tpu.dma_semaphore, #tpu.memory_space<semaphore_mem>> -> memref<!tpu.dma_semaphore, #tpu.memory_space<semaphore_mem>>
    %dma_wait3A_160 = arith.constant 0 : i32
    %dma_wait3A_161 = tpu.memref_slice %arg5[%add3A_133, %dma_wait3A_160] : memref<106496x128xf32, #tpu.memory_space<hbm>> -> memref<128x128xf32, #tpu.memory_space<hbm>>
    %dma_wait3A_162 = arith.constant 0 : i32
    %dma_wait3A_163 = arith.constant 0 : i32
    %dma_wait3A_164 = tpu.memref_slice %arg9[%dma_wait3A_150, %dma_wait3A_162, %dma_wait3A_163] : memref<4x128x128xf32, #tpu.memory_space<vmem>> -> memref<1x128x128xf32, #tpu.memory_space<vmem>>
    %dma_wait3A_165 = tpu.memref_squeeze %dma_wait3A_164 : memref<1x128x128xf32, #tpu.memory_space<vmem>> -> memref<128x128xf32, #tpu.memory_space<vmem>>
    tpu.wait_dma2 semaphore(%dma_wait3A_159 : memref<!tpu.dma_semaphore, #tpu.memory_space<semaphore_mem>>) src(%dma_wait3A_165 : memref<128x128xf32, #tpu.memory_space<vmem>>) dst(%dma_wait3A_161 : memref<128x128xf32, #tpu.memory_space<hbm>>)
    %dma_start3A_166 = arith.constant 1 : i32
    %dma_start3A_167 = arith.constant 1 : i32
    %dma_start3A_168 = arith.constant 0 : i32
    %dma_start3A_169 = arith.constant 0 : i32
    %dma_start3A_170 = tpu.memref_slice %arg9[%dma_start3A_166, %dma_start3A_168, %dma_start3A_169] : memref<4x128x128xf32, #tpu.memory_space<vmem>> -> memref<1x128x128xf32, #tpu.memory_space<vmem>>
    %dma_start3A_171 = tpu.memref_squeeze %dma_start3A_170 : memref<1x128x128xf32, #tpu.memory_space<vmem>> -> memref<128x128xf32, #tpu.memory_space<vmem>>
    %dma_start3A_172 = arith.constant 640 : i32
    %dma_start3A_173 = tpu.memref_slice %arg8[%dma_start3A_172] : memref<3328xi32, #tpu.memory_space<vmem>> -> memref<128xi32, #tpu.memory_space<vmem>>
    %dma_start3A_174 = arith.constant 0 : i32
    %dma_start3A_175 = arith.constant 0 : i32
    %dma_start3A_176 = tpu.memref_slice %arg4[%dma_start3A_174, %dma_start3A_175] : memref<1004x128xf32, #tpu.memory_space<hbm>> -> memref<1004x128xf32, #tpu.memory_space<hbm>>
    %dma_start3A_177 = tpu.memref_slice %arg10[%dma_start3A_167] : memref<4x!tpu.dma_semaphore, #tpu.memory_space<semaphore_mem>> -> memref<1x!tpu.dma_semaphore, #tpu.memory_space<semaphore_mem>>
    %dma_start3A_178 = tpu.memref_squeeze %dma_start3A_177 : memref<1x!tpu.dma_semaphore, #tpu.memory_space<semaphore_mem>> -> memref<!tpu.dma_semaphore, #tpu.memory_space<semaphore_mem>>
    tpu.enqueue_indirect_dma source(%dma_start3A_176 : memref<1004x128xf32, #tpu.memory_space<hbm>>) target(%dma_start3A_171 : memref<128x128xf32, #tpu.memory_space<vmem>>) offsets(%dma_start3A_173 : memref<128xi32, #tpu.memory_space<vmem>>) semaphore(%dma_start3A_178 : memref<!tpu.dma_semaphore, #tpu.memory_space<semaphore_mem>>)
    %dma_wait3A_179 = arith.constant 2 : i32
    %dma_wait3A_180 = arith.constant 2 : i32
    %dma_wait3A_181 = arith.constant 0 : i32
    %dma_wait3A_182 = arith.constant 0 : i32
    %dma_wait3A_183 = tpu.memref_slice %arg9[%dma_wait3A_179, %dma_wait3A_181, %dma_wait3A_182] : memref<4x128x128xf32, #tpu.memory_space<vmem>> -> memref<1x128x128xf32, #tpu.memory_space<vmem>>
    %dma_wait3A_184 = tpu.memref_squeeze %dma_wait3A_183 : memref<1x128x128xf32, #tpu.memory_space<vmem>> -> memref<128x128xf32, #tpu.memory_space<vmem>>
    %dma_wait3A_185 = arith.constant 256 : i32
    %dma_wait3A_186 = tpu.memref_slice %arg8[%dma_wait3A_185] : memref<3328xi32, #tpu.memory_space<vmem>> -> memref<128xi32, #tpu.memory_space<vmem>>
    %dma_wait3A_187 = arith.constant 0 : i32
    %dma_wait3A_188 = arith.constant 0 : i32
    %dma_wait3A_189 = tpu.memref_slice %arg4[%dma_wait3A_187, %dma_wait3A_188] : memref<1004x128xf32, #tpu.memory_space<hbm>> -> memref<1004x128xf32, #tpu.memory_space<hbm>>
    %dma_wait3A_190 = tpu.memref_slice %arg10[%dma_wait3A_180] : memref<4x!tpu.dma_semaphore, #tpu.memory_space<semaphore_mem>> -> memref<1x!tpu.dma_semaphore, #tpu.memory_space<semaphore_mem>>
    %dma_wait3A_191 = tpu.memref_squeeze %dma_wait3A_190 : memref<1x!tpu.dma_semaphore, #tpu.memory_space<semaphore_mem>> -> memref<!tpu.dma_semaphore, #tpu.memory_space<semaphore_mem>>
    tpu.wait_indirect_dma semaphore(%dma_wait3A_191 : memref<!tpu.dma_semaphore, #tpu.memory_space<semaphore_mem>>) src(%dma_wait3A_189 : memref<1004x128xf32, #tpu.memory_space<hbm>>) dst(%dma_wait3A_184 : memref<128x128xf32, #tpu.memory_space<vmem>>)
    %add3A_192 = arith.constant 256 : i32
    %add3A_193 = arith.addi %mul3A_2, %add3A_192 : i32
    %dma_start3A_194 = arith.constant 2 : i32
    %dma_start3A_195 = arith.constant 2 : i32
    %dma_start3A_196 = arith.constant 0 : i32
    %dma_start3A_197 = arith.constant 0 : i32
    %dma_start3A_198 = tpu.memref_slice %arg9[%dma_start3A_194, %dma_start3A_196, %dma_start3A_197] : memref<4x128x128xf32, #tpu.memory_space<vmem>> -> memref<1x128x128xf32, #tpu.memory_space<vmem>>
    %dma_start3A_199 = tpu.memref_squeeze %dma_start3A_198 : memref<1x128x128xf32, #tpu.memory_space<vmem>> -> memref<128x128xf32, #tpu.memory_space<vmem>>
    %dma_start3A_200 = arith.constant 0 : i32
    %dma_start3A_201 = tpu.memref_slice %arg5[%add3A_193, %dma_start3A_200] : memref<106496x128xf32, #tpu.memory_space<hbm>> -> memref<128x128xf32, #tpu.memory_space<hbm>>
    %dma_start3A_202 = tpu.memref_slice %arg11[%dma_start3A_195] : memref<4x!tpu.dma_semaphore, #tpu.memory_space<semaphore_mem>> -> memref<1x!tpu.dma_semaphore, #tpu.memory_space<semaphore_mem>>
    %dma_start3A_203 = tpu.memref_squeeze %dma_start3A_202 : memref<1x!tpu.dma_semaphore, #tpu.memory_space<semaphore_mem>> -> memref<!tpu.dma_semaphore, #tpu.memory_space<semaphore_mem>>
    %dma_start3A_204 = arith.constant 0 : i32
    %dma_start3A_205 = tpu.memref_slice %arg5[%add3A_193, %dma_start3A_204] : memref<106496x128xf32, #tpu.memory_space<hbm>> -> memref<128x128xf32, #tpu.memory_space<hbm>>
    %dma_start3A_206 = arith.constant 0 : i32
    %dma_start3A_207 = arith.constant 0 : i32
    %dma_start3A_208 = tpu.memref_slice %arg9[%dma_start3A_194, %dma_start3A_206, %dma_start3A_207] : memref<4x128x128xf32, #tpu.memory_space<vmem>> -> memref<1x128x128xf32, #tpu.memory_space<vmem>>
    %dma_start3A_209 = tpu.memref_squeeze %dma_start3A_208 : memref<1x128x128xf32, #tpu.memory_space<vmem>> -> memref<128x128xf32, #tpu.memory_space<vmem>>
    tpu.enqueue_dma source(%dma_start3A_209 : memref<128x128xf32, #tpu.memory_space<vmem>>) target(%dma_start3A_205 : memref<128x128xf32, #tpu.memory_space<hbm>>) target_semaphore(%dma_start3A_203 : memref<!tpu.dma_semaphore, #tpu.memory_space<semaphore_mem>>)
    %dma_wait3A_210 = arith.constant 2 : i32
    %dma_wait3A_211 = arith.constant 2 : i32
    %dma_wait3A_212 = arith.constant 0 : i32
    %dma_wait3A_213 = arith.constant 0 : i32
    %dma_wait3A_214 = tpu.memref_slice %arg9[%dma_wait3A_210, %dma_wait3A_212, %dma_wait3A_213] : memref<4x128x128xf32, #tpu.memory_space<vmem>> -> memref<1x128x128xf32, #tpu.memory_space<vmem>>
    %dma_wait3A_215 = tpu.memref_squeeze %dma_wait3A_214 : memref<1x128x128xf32, #tpu.memory_space<vmem>> -> memref<128x128xf32, #tpu.memory_space<vmem>>
    %dma_wait3A_216 = arith.constant 0 : i32
    %dma_wait3A_217 = tpu.memref_slice %arg5[%add3A_193, %dma_wait3A_216] : memref<106496x128xf32, #tpu.memory_space<hbm>> -> memref<128x128xf32, #tpu.memory_space<hbm>>
    %dma_wait3A_218 = tpu.memref_slice %arg11[%dma_wait3A_211] : memref<4x!tpu.dma_semaphore, #tpu.memory_space<semaphore_mem>> -> memref<1x!tpu.dma_semaphore, #tpu.memory_space<semaphore_mem>>
    %dma_wait3A_219 = tpu.memref_squeeze %dma_wait3A_218 : memref<1x!tpu.dma_semaphore, #tpu.memory_space<semaphore_mem>> -> memref<!tpu.dma_semaphore, #tpu.memory_space<semaphore_mem>>
    %dma_wait3A_220 = arith.constant 0 : i32
    %dma_wait3A_221 = tpu.memref_slice %arg5[%add3A_193, %dma_wait3A_220] : memref<106496x128xf32, #tpu.memory_space<hbm>> -> memref<128x128xf32, #tpu.memory_space<hbm>>
    %dma_wait3A_222 = arith.constant 0 : i32
    %dma_wait3A_223 = arith.constant 0 : i32
    %dma_wait3A_224 = tpu.memref_slice %arg9[%dma_wait3A_210, %dma_wait3A_222, %dma_wait3A_223] : memref<4x128x128xf32, #tpu.memory_space<vmem>> -> memref<1x128x128xf32, #tpu.memory_space<vmem>>
    %dma_wait3A_225 = tpu.memref_squeeze %dma_wait3A_224 : memref<1x128x128xf32, #tpu.memory_space<vmem>> -> memref<128x128xf32, #tpu.memory_space<vmem>>
    tpu.wait_dma2 semaphore(%dma_wait3A_219 : memref<!tpu.dma_semaphore, #tpu.memory_space<semaphore_mem>>) src(%dma_wait3A_225 : memref<128x128xf32, #tpu.memory_space<vmem>>) dst(%dma_wait3A_221 : memref<128x128xf32, #tpu.memory_space<hbm>>)
    %dma_start3A_226 = arith.constant 2 : i32
    %dma_start3A_227 = arith.constant 2 : i32
    %dma_start3A_228 = arith.constant 0 : i32
    %dma_start3A_229 = arith.constant 0 : i32
    %dma_start3A_230 = tpu.memref_slice %arg9[%dma_start3A_226, %dma_start3A_228, %dma_start3A_229] : memref<4x128x128xf32, #tpu.memory_space<vmem>> -> memref<1x128x128xf32, #tpu.memory_space<vmem>>
    %dma_start3A_231 = tpu.memref_squeeze %dma_start3A_230 : memref<1x128x128xf32, #tpu.memory_space<vmem>> -> memref<128x128xf32, #tpu.memory_space<vmem>>
    %dma_start3A_232 = arith.constant 768 : i32
    %dma_start3A_233 = tpu.memref_slice %arg8[%dma_start3A_232] : memref<3328xi32, #tpu.memory_space<vmem>> -> memref<128xi32, #tpu.memory_space<vmem>>
    %dma_start3A_234 = arith.constant 0 : i32
    %dma_start3A_235 = arith.constant 0 : i32
    %dma_start3A_236 = tpu.memref_slice %arg4[%dma_start3A_234, %dma_start3A_235] : memref<1004x128xf32, #tpu.memory_space<hbm>> -> memref<1004x128xf32, #tpu.memory_space<hbm>>
    %dma_start3A_237 = tpu.memref_slice %arg10[%dma_start3A_227] : memref<4x!tpu.dma_semaphore, #tpu.memory_space<semaphore_mem>> -> memref<1x!tpu.dma_semaphore, #tpu.memory_space<semaphore_mem>>
    %dma_start3A_238 = tpu.memref_squeeze %dma_start3A_237 : memref<1x!tpu.dma_semaphore, #tpu.memory_space<semaphore_mem>> -> memref<!tpu.dma_semaphore, #tpu.memory_space<semaphore_mem>>
    tpu.enqueue_indirect_dma source(%dma_start3A_236 : memref<1004x128xf32, #tpu.memory_space<hbm>>) target(%dma_start3A_231 : memref<128x128xf32, #tpu.memory_space<vmem>>) offsets(%dma_start3A_233 : memref<128xi32, #tpu.memory_space<vmem>>) semaphore(%dma_start3A_238 : memref<!tpu.dma_semaphore, #tpu.memory_space<semaphore_mem>>)
    %dma_wait3A_239 = arith.constant 3 : i32
    %dma_wait3A_240 = arith.constant 3 : i32
    %dma_wait3A_241 = arith.constant 0 : i32
    %dma_wait3A_242 = arith.constant 0 : i32
    %dma_wait3A_243 = tpu.memref_slice %arg9[%dma_wait3A_239, %dma_wait3A_241, %dma_wait3A_242] : memref<4x128x128xf32, #tpu.memory_space<vmem>> -> memref<1x128x128xf32, #tpu.memory_space<vmem>>
    %dma_wait3A_244 = tpu.memref_squeeze %dma_wait3A_243 : memref<1x128x128xf32, #tpu.memory_space<vmem>> -> memref<128x128xf32, #tpu.memory_space<vmem>>
    %dma_wait3A_245 = arith.constant 384 : i32
    %dma_wait3A_246 = tpu.memref_slice %arg8[%dma_wait3A_245] : memref<3328xi32, #tpu.memory_space<vmem>> -> memref<128xi32, #tpu.memory_space<vmem>>
    %dma_wait3A_247 = arith.constant 0 : i32
    %dma_wait3A_248 = arith.constant 0 : i32
    %dma_wait3A_249 = tpu.memref_slice %arg4[%dma_wait3A_247, %dma_wait3A_248] : memref<1004x128xf32, #tpu.memory_space<hbm>> -> memref<1004x128xf32, #tpu.memory_space<hbm>>
    %dma_wait3A_250 = tpu.memref_slice %arg10[%dma_wait3A_240] : memref<4x!tpu.dma_semaphore, #tpu.memory_space<semaphore_mem>> -> memref<1x!tpu.dma_semaphore, #tpu.memory_space<semaphore_mem>>
    %dma_wait3A_251 = tpu.memref_squeeze %dma_wait3A_250 : memref<1x!tpu.dma_semaphore, #tpu.memory_space<semaphore_mem>> -> memref<!tpu.dma_semaphore, #tpu.memory_space<semaphore_mem>>
    tpu.wait_indirect_dma semaphore(%dma_wait3A_251 : memref<!tpu.dma_semaphore, #tpu.memory_space<semaphore_mem>>) src(%dma_wait3A_249 : memref<1004x128xf32, #tpu.memory_space<hbm>>) dst(%dma_wait3A_244 : memref<128x128xf32, #tpu.memory_space<vmem>>)
    %add3A_252 = arith.constant 384 : i32
    %add3A_253 = arith.addi %mul3A_2, %add3A_252 : i32
    %dma_start3A_254 = arith.constant 3 : i32
    %dma_start3A_255 = arith.constant 3 : i32
    %dma_start3A_256 = arith.constant 0 : i32
    %dma_start3A_257 = arith.constant 0 : i32
    %dma_start3A_258 = tpu.memref_slice %arg9[%dma_start3A_254, %dma_start3A_256, %dma_start3A_257] : memref<4x128x128xf32, #tpu.memory_space<vmem>> -> memref<1x128x128xf32, #tpu.memory_space<vmem>>
    %dma_start3A_259 = tpu.memref_squeeze %dma_start3A_258 : memref<1x128x128xf32, #tpu.memory_space<vmem>> -> memref<128x128xf32, #tpu.memory_space<vmem>>
    %dma_start3A_260 = arith.constant 0 : i32
    %dma_start3A_261 = tpu.memref_slice %arg5[%add3A_253, %dma_start3A_260] : memref<106496x128xf32, #tpu.memory_space<hbm>> -> memref<128x128xf32, #tpu.memory_space<hbm>>
    %dma_start3A_262 = tpu.memref_slice %arg11[%dma_start3A_255] : memref<4x!tpu.dma_semaphore, #tpu.memory_space<semaphore_mem>> -> memref<1x!tpu.dma_semaphore, #tpu.memory_space<semaphore_mem>>
    %dma_start3A_263 = tpu.memref_squeeze %dma_start3A_262 : memref<1x!tpu.dma_semaphore, #tpu.memory_space<semaphore_mem>> -> memref<!tpu.dma_semaphore, #tpu.memory_space<semaphore_mem>>
    %dma_start3A_264 = arith.constant 0 : i32
    %dma_start3A_265 = tpu.memref_slice %arg5[%add3A_253, %dma_start3A_264] : memref<106496x128xf32, #tpu.memory_space<hbm>> -> memref<128x128xf32, #tpu.memory_space<hbm>>
    %dma_start3A_266 = arith.constant 0 : i32
    %dma_start3A_267 = arith.constant 0 : i32
    %dma_start3A_268 = tpu.memref_slice %arg9[%dma_start3A_254, %dma_start3A_266, %dma_start3A_267] : memref<4x128x128xf32, #tpu.memory_space<vmem>> -> memref<1x128x128xf32, #tpu.memory_space<vmem>>
    %dma_start3A_269 = tpu.memref_squeeze %dma_start3A_268 : memref<1x128x128xf32, #tpu.memory_space<vmem>> -> memref<128x128xf32, #tpu.memory_space<vmem>>
    tpu.enqueue_dma source(%dma_start3A_269 : memref<128x128xf32, #tpu.memory_space<vmem>>) target(%dma_start3A_265 : memref<128x128xf32, #tpu.memory_space<hbm>>) target_semaphore(%dma_start3A_263 : memref<!tpu.dma_semaphore, #tpu.memory_space<semaphore_mem>>)
    %dma_wait3A_270 = arith.constant 3 : i32
    %dma_wait3A_271 = arith.constant 3 : i32
    %dma_wait3A_272 = arith.constant 0 : i32
    %dma_wait3A_273 = arith.constant 0 : i32
    %dma_wait3A_274 = tpu.memref_slice %arg9[%dma_wait3A_270, %dma_wait3A_272, %dma_wait3A_273] : memref<4x128x128xf32, #tpu.memory_space<vmem>> -> memref<1x128x128xf32, #tpu.memory_space<vmem>>
    %dma_wait3A_275 = tpu.memref_squeeze %dma_wait3A_274 : memref<1x128x128xf32, #tpu.memory_space<vmem>> -> memref<128x128xf32, #tpu.memory_space<vmem>>
    %dma_wait3A_276 = arith.constant 0 : i32
    %dma_wait3A_277 = tpu.memref_slice %arg5[%add3A_253, %dma_wait3A_276] : memref<106496x128xf32, #tpu.memory_space<hbm>> -> memref<128x128xf32, #tpu.memory_space<hbm>>
    %dma_wait3A_278 = tpu.memref_slice %arg11[%dma_wait3A_271] : memref<4x!tpu.dma_semaphore, #tpu.memory_space<semaphore_mem>> -> memref<1x!tpu.dma_semaphore, #tpu.memory_space<semaphore_mem>>
    %dma_wait3A_279 = tpu.memref_squeeze %dma_wait3A_278 : memref<1x!tpu.dma_semaphore, #tpu.memory_space<semaphore_mem>> -> memref<!tpu.dma_semaphore, #tpu.memory_space<semaphore_mem>>
    %dma_wait3A_280 = arith.constant 0 : i32
    %dma_wait3A_281 = tpu.memref_slice %arg5[%add3A_253, %dma_wait3A_280] : memref<106496x128xf32, #tpu.memory_space<hbm>> -> memref<128x128xf32, #tpu.memory_space<hbm>>
    %dma_wait3A_282 = arith.constant 0 : i32
    %dma_wait3A_283 = arith.constant 0 : i32
    %dma_wait3A_284 = tpu.memref_slice %arg9[%dma_wait3A_270, %dma_wait3A_282, %dma_wait3A_283] : memref<4x128x128xf32, #tpu.memory_space<vmem>> -> memref<1x128x128xf32, #tpu.memory_space<vmem>>
    %dma_wait3A_285 = tpu.memref_squeeze %dma_wait3A_284 : memref<1x128x128xf32, #tpu.memory_space<vmem>> -> memref<128x128xf32, #tpu.memory_space<vmem>>
    tpu.wait_dma2 semaphore(%dma_wait3A_279 : memref<!tpu.dma_semaphore, #tpu.memory_space<semaphore_mem>>) src(%dma_wait3A_285 : memref<128x128xf32, #tpu.memory_space<vmem>>) dst(%dma_wait3A_281 : memref<128x128xf32, #tpu.memory_space<hbm>>)
    %dma_start3A_286 = arith.constant 3 : i32
    %dma_start3A_287 = arith.constant 3 : i32
    %dma_start3A_288 = arith.constant 0 : i32
    %dma_start3A_289 = arith.constant 0 : i32
    %dma_start3A_290 = tpu.memref_slice %arg9[%dma_start3A_286, %dma_start3A_288, %dma_start3A_289] : memref<4x128x128xf32, #tpu.memory_space<vmem>> -> memref<1x128x128xf32, #tpu.memory_space<vmem>>
    %dma_start3A_291 = tpu.memref_squeeze %dma_start3A_290 : memref<1x128x128xf32, #tpu.memory_space<vmem>> -> memref<128x128xf32, #tpu.memory_space<vmem>>
    %dma_start3A_292 = arith.constant 896 : i32
    %dma_start3A_293 = tpu.memref_slice %arg8[%dma_start3A_292] : memref<3328xi32, #tpu.memory_space<vmem>> -> memref<128xi32, #tpu.memory_space<vmem>>
    %dma_start3A_294 = arith.constant 0 : i32
    %dma_start3A_295 = arith.constant 0 : i32
    %dma_start3A_296 = tpu.memref_slice %arg4[%dma_start3A_294, %dma_start3A_295] : memref<1004x128xf32, #tpu.memory_space<hbm>> -> memref<1004x128xf32, #tpu.memory_space<hbm>>
    %dma_start3A_297 = tpu.memref_slice %arg10[%dma_start3A_287] : memref<4x!tpu.dma_semaphore, #tpu.memory_space<semaphore_mem>> -> memref<1x!tpu.dma_semaphore, #tpu.memory_space<semaphore_mem>>
    %dma_start3A_298 = tpu.memref_squeeze %dma_start3A_297 : memref<1x!tpu.dma_semaphore, #tpu.memory_space<semaphore_mem>> -> memref<!tpu.dma_semaphore, #tpu.memory_space<semaphore_mem>>
    tpu.enqueue_indirect_dma source(%dma_start3A_296 : memref<1004x128xf32, #tpu.memory_space<hbm>>) target(%dma_start3A_291 : memref<128x128xf32, #tpu.memory_space<vmem>>) offsets(%dma_start3A_293 : memref<128xi32, #tpu.memory_space<vmem>>) semaphore(%dma_start3A_298 : memref<!tpu.dma_semaphore, #tpu.memory_space<semaphore_mem>>)
    %dma_wait3A_299 = arith.constant 0 : i32
    %dma_wait3A_300 = arith.constant 0 : i32
    %dma_wait3A_301 = arith.constant 0 : i32
    %dma_wait3A_302 = arith.constant 0 : i32
    %dma_wait3A_303 = tpu.memref_slice %arg9[%dma_wait3A_299, %dma_wait3A_301, %dma_wait3A_302] : memref<4x128x128xf32, #tpu.memory_space<vmem>> -> memref<1x128x128xf32, #tpu.memory_space<vmem>>
    %dma_wait3A_304 = tpu.memref_squeeze %dma_wait3A_303 : memref<1x128x128xf32, #tpu.memory_space<vmem>> -> memref<128x128xf32, #tpu.memory_space<vmem>>
    %dma_wait3A_305 = arith.constant 512 : i32
    %dma_wait3A_306 = tpu.memref_slice %arg8[%dma_wait3A_305] : memref<3328xi32, #tpu.memory_space<vmem>> -> memref<128xi32, #tpu.memory_space<vmem>>
    %dma_wait3A_307 = arith.constant 0 : i32
    %dma_wait3A_308 = arith.constant 0 : i32
    %dma_wait3A_309 = tpu.memref_slice %arg4[%dma_wait3A_307, %dma_wait3A_308] : memref<1004x128xf32, #tpu.memory_space<hbm>> -> memref<1004x128xf32, #tpu.memory_space<hbm>>
    %dma_wait3A_310 = tpu.memref_slice %arg10[%dma_wait3A_300] : memref<4x!tpu.dma_semaphore, #tpu.memory_space<semaphore_mem>> -> memref<1x!tpu.dma_semaphore, #tpu.memory_space<semaphore_mem>>
    %dma_wait3A_311 = tpu.memref_squeeze %dma_wait3A_310 : memref<1x!tpu.dma_semaphore, #tpu.memory_space<semaphore_mem>> -> memref<!tpu.dma_semaphore, #tpu.memory_space<semaphore_mem>>
    tpu.wait_indirect_dma semaphore(%dma_wait3A_311 : memref<!tpu.dma_semaphore, #tpu.memory_space<semaphore_mem>>) src(%dma_wait3A_309 : memref<1004x128xf32, #tpu.memory_space<hbm>>) dst(%dma_wait3A_304 : memref<128x128xf32, #tpu.memory_space<vmem>>)
    %add3A_312 = arith.constant 512 : i32
    %add3A_313 = arith.addi %mul3A_2, %add3A_312 : i32
    %dma_start3A_314 = arith.constant 0 : i32
    %dma_start3A_315 = arith.constant 0 : i32
    %dma_start3A_316 = arith.constant 0 : i32
    %dma_start3A_317 = arith.constant 0 : i32
    %dma_start3A_318 = tpu.memref_slice %arg9[%dma_start3A_314, %dma_start3A_316, %dma_start3A_317] : memref<4x128x128xf32, #tpu.memory_space<vmem>> -> memref<1x128x128xf32, #tpu.memory_space<vmem>>
    %dma_start3A_319 = tpu.memref_squeeze %dma_start3A_318 : memref<1x128x128xf32, #tpu.memory_space<vmem>> -> memref<128x128xf32, #tpu.memory_space<vmem>>
    %dma_start3A_320 = arith.constant 0 : i32
    %dma_start3A_321 = tpu.memref_slice %arg5[%add3A_313, %dma_start3A_320] : memref<106496x128xf32, #tpu.memory_space<hbm>> -> memref<128x128xf32, #tpu.memory_space<hbm>>
    %dma_start3A_322 = tpu.memref_slice %arg11[%dma_start3A_315] : memref<4x!tpu.dma_semaphore, #tpu.memory_space<semaphore_mem>> -> memref<1x!tpu.dma_semaphore, #tpu.memory_space<semaphore_mem>>
    %dma_start3A_323 = tpu.memref_squeeze %dma_start3A_322 : memref<1x!tpu.dma_semaphore, #tpu.memory_space<semaphore_mem>> -> memref<!tpu.dma_semaphore, #tpu.memory_space<semaphore_mem>>
    %dma_start3A_324 = arith.constant 0 : i32
    %dma_start3A_325 = tpu.memref_slice %arg5[%add3A_313, %dma_start3A_324] : memref<106496x128xf32, #tpu.memory_space<hbm>> -> memref<128x128xf32, #tpu.memory_space<hbm>>
    %dma_start3A_326 = arith.constant 0 : i32
    %dma_start3A_327 = arith.constant 0 : i32
    %dma_start3A_328 = tpu.memref_slice %arg9[%dma_start3A_314, %dma_start3A_326, %dma_start3A_327] : memref<4x128x128xf32, #tpu.memory_space<vmem>> -> memref<1x128x128xf32, #tpu.memory_space<vmem>>
    %dma_start3A_329 = tpu.memref_squeeze %dma_start3A_328 : memref<1x128x128xf32, #tpu.memory_space<vmem>> -> memref<128x128xf32, #tpu.memory_space<vmem>>
    tpu.enqueue_dma source(%dma_start3A_329 : memref<128x128xf32, #tpu.memory_space<vmem>>) target(%dma_start3A_325 : memref<128x128xf32, #tpu.memory_space<hbm>>) target_semaphore(%dma_start3A_323 : memref<!tpu.dma_semaphore, #tpu.memory_space<semaphore_mem>>)
    %dma_wait3A_330 = arith.constant 0 : i32
    %dma_wait3A_331 = arith.constant 0 : i32
    %dma_wait3A_332 = arith.constant 0 : i32
    %dma_wait3A_333 = arith.constant 0 : i32
    %dma_wait3A_334 = tpu.memref_slice %arg9[%dma_wait3A_330, %dma_wait3A_332, %dma_wait3A_333] : memref<4x128x128xf32, #tpu.memory_space<vmem>> -> memref<1x128x128xf32, #tpu.memory_space<vmem>>
    %dma_wait3A_335 = tpu.memref_squeeze %dma_wait3A_334 : memref<1x128x128xf32, #tpu.memory_space<vmem>> -> memref<128x128xf32, #tpu.memory_space<vmem>>
    %dma_wait3A_336 = arith.constant 0 : i32
    %dma_wait3A_337 = tpu.memref_slice %arg5[%add3A_313, %dma_wait3A_336] : memref<106496x128xf32, #tpu.memory_space<hbm>> -> memref<128x128xf32, #tpu.memory_space<hbm>>
    %dma_wait3A_338 = tpu.memref_slice %arg11[%dma_wait3A_331] : memref<4x!tpu.dma_semaphore, #tpu.memory_space<semaphore_mem>> -> memref<1x!tpu.dma_semaphore, #tpu.memory_space<semaphore_mem>>
    %dma_wait3A_339 = tpu.memref_squeeze %dma_wait3A_338 : memref<1x!tpu.dma_semaphore, #tpu.memory_space<semaphore_mem>> -> memref<!tpu.dma_semaphore, #tpu.memory_space<semaphore_mem>>
    %dma_wait3A_340 = arith.constant 0 : i32
    %dma_wait3A_341 = tpu.memref_slice %arg5[%add3A_313, %dma_wait3A_340] : memref<106496x128xf32, #tpu.memory_space<hbm>> -> memref<128x128xf32, #tpu.memory_space<hbm>>
    %dma_wait3A_342 = arith.constant 0 : i32
    %dma_wait3A_343 = arith.constant 0 : i32
    %dma_wait3A_344 = tpu.memref_slice %arg9[%dma_wait3A_330, %dma_wait3A_342, %dma_wait3A_343] : memref<4x128x128xf32, #tpu.memory_space<vmem>> -> memref<1x128x128xf32, #tpu.memory_space<vmem>>
    %dma_wait3A_345 = tpu.memref_squeeze %dma_wait3A_344 : memref<1x128x128xf32, #tpu.memory_space<vmem>> -> memref<128x128xf32, #tpu.memory_space<vmem>>
    tpu.wait_dma2 semaphore(%dma_wait3A_339 : memref<!tpu.dma_semaphore, #tpu.memory_space<semaphore_mem>>) src(%dma_wait3A_345 : memref<128x128xf32, #tpu.memory_space<vmem>>) dst(%dma_wait3A_341 : memref<128x128xf32, #tpu.memory_space<hbm>>)
    %dma_start3A_346 = arith.constant 0 : i32
    %dma_start3A_347 = arith.constant 0 : i32
    %dma_start3A_348 = arith.constant 0 : i32
    %dma_start3A_349 = arith.constant 0 : i32
    %dma_start3A_350 = tpu.memref_slice %arg9[%dma_start3A_346, %dma_start3A_348, %dma_start3A_349] : memref<4x128x128xf32, #tpu.memory_space<vmem>> -> memref<1x128x128xf32, #tpu.memory_space<vmem>>
    %dma_start3A_351 = tpu.memref_squeeze %dma_start3A_350 : memref<1x128x128xf32, #tpu.memory_space<vmem>> -> memref<128x128xf32, #tpu.memory_space<vmem>>
    %dma_start3A_352 = arith.constant 1024 : i32
    %dma_start3A_353 = tpu.memref_slice %arg8[%dma_start3A_352] : memref<3328xi32, #tpu.memory_space<vmem>> -> memref<128xi32, #tpu.memory_space<vmem>>
    %dma_start3A_354 = arith.constant 0 : i32
    %dma_start3A_355 = arith.constant 0 : i32
    %dma_start3A_356 = tpu.memref_slice %arg4[%dma_start3A_354, %dma_start3A_355] : memref<1004x128xf32, #tpu.memory_space<hbm>> -> memref<1004x128xf32, #tpu.memory_space<hbm>>
    %dma_start3A_357 = tpu.memref_slice %arg10[%dma_start3A_347] : memref<4x!tpu.dma_semaphore, #tpu.memory_space<semaphore_mem>> -> memref<1x!tpu.dma_semaphore, #tpu.memory_space<semaphore_mem>>
    %dma_start3A_358 = tpu.memref_squeeze %dma_start3A_357 : memref<1x!tpu.dma_semaphore, #tpu.memory_space<semaphore_mem>> -> memref<!tpu.dma_semaphore, #tpu.memory_space<semaphore_mem>>
    tpu.enqueue_indirect_dma source(%dma_start3A_356 : memref<1004x128xf32, #tpu.memory_space<hbm>>) target(%dma_start3A_351 : memref<128x128xf32, #tpu.memory_space<vmem>>) offsets(%dma_start3A_353 : memref<128xi32, #tpu.memory_space<vmem>>) semaphore(%dma_start3A_358 : memref<!tpu.dma_semaphore, #tpu.memory_space<semaphore_mem>>)
    %dma_wait3A_359 = arith.constant 1 : i32
    %dma_wait3A_360 = arith.constant 1 : i32
    %dma_wait3A_361 = arith.constant 0 : i32
    %dma_wait3A_362 = arith.constant 0 : i32
    %dma_wait3A_363 = tpu.memref_slice %arg9[%dma_wait3A_359, %dma_wait3A_361, %dma_wait3A_362] : memref<4x128x128xf32, #tpu.memory_space<vmem>> -> memref<1x128x128xf32, #tpu.memory_space<vmem>>
    %dma_wait3A_364 = tpu.memref_squeeze %dma_wait3A_363 : memref<1x128x128xf32, #tpu.memory_space<vmem>> -> memref<128x128xf32, #tpu.memory_space<vmem>>
    %dma_wait3A_365 = arith.constant 640 : i32
    %dma_wait3A_366 = tpu.memref_slice %arg8[%dma_wait3A_365] : memref<3328xi32, #tpu.memory_space<vmem>> -> memref<128xi32, #tpu.memory_space<vmem>>
    %dma_wait3A_367 = arith.constant 0 : i32
    %dma_wait3A_368 = arith.constant 0 : i32
    %dma_wait3A_369 = tpu.memref_slice %arg4[%dma_wait3A_367, %dma_wait3A_368] : memref<1004x128xf32, #tpu.memory_space<hbm>> -> memref<1004x128xf32, #tpu.memory_space<hbm>>
    %dma_wait3A_370 = tpu.memref_slice %arg10[%dma_wait3A_360] : memref<4x!tpu.dma_semaphore, #tpu.memory_space<semaphore_mem>> -> memref<1x!tpu.dma_semaphore, #tpu.memory_space<semaphore_mem>>
    %dma_wait3A_371 = tpu.memref_squeeze %dma_wait3A_370 : memref<1x!tpu.dma_semaphore, #tpu.memory_space<semaphore_mem>> -> memref<!tpu.dma_semaphore, #tpu.memory_space<semaphore_mem>>
    tpu.wait_indirect_dma semaphore(%dma_wait3A_371 : memref<!tpu.dma_semaphore, #tpu.memory_space<semaphore_mem>>) src(%dma_wait3A_369 : memref<1004x128xf32, #tpu.memory_space<hbm>>) dst(%dma_wait3A_364 : memref<128x128xf32, #tpu.memory_space<vmem>>)
    %add3A_372 = arith.constant 640 : i32
    %add3A_373 = arith.addi %mul3A_2, %add3A_372 : i32
    %dma_start3A_374 = arith.constant 1 : i32
    %dma_start3A_375 = arith.constant 1 : i32
    %dma_start3A_376 = arith.constant 0 : i32
    %dma_start3A_377 = arith.constant 0 : i32
    %dma_start3A_378 = tpu.memref_slice %arg9[%dma_start3A_374, %dma_start3A_376, %dma_start3A_377] : memref<4x128x128xf32, #tpu.memory_space<vmem>> -> memref<1x128x128xf32, #tpu.memory_space<vmem>>
    %dma_start3A_379 = tpu.memref_squeeze %dma_start3A_378 : memref<1x128x128xf32, #tpu.memory_space<vmem>> -> memref<128x128xf32, #tpu.memory_space<vmem>>
    %dma_start3A_380 = arith.constant 0 : i32
    %dma_start3A_381 = tpu.memref_slice %arg5[%add3A_373, %dma_start3A_380] : memref<106496x128xf32, #tpu.memory_space<hbm>> -> memref<128x128xf32, #tpu.memory_space<hbm>>
    %dma_start3A_382 = tpu.memref_slice %arg11[%dma_start3A_375] : memref<4x!tpu.dma_semaphore, #tpu.memory_space<semaphore_mem>> -> memref<1x!tpu.dma_semaphore, #tpu.memory_space<semaphore_mem>>
    %dma_start3A_383 = tpu.memref_squeeze %dma_start3A_382 : memref<1x!tpu.dma_semaphore, #tpu.memory_space<semaphore_mem>> -> memref<!tpu.dma_semaphore, #tpu.memory_space<semaphore_mem>>
    %dma_start3A_384 = arith.constant 0 : i32
    %dma_start3A_385 = tpu.memref_slice %arg5[%add3A_373, %dma_start3A_384] : memref<106496x128xf32, #tpu.memory_space<hbm>> -> memref<128x128xf32, #tpu.memory_space<hbm>>
    %dma_start3A_386 = arith.constant 0 : i32
    %dma_start3A_387 = arith.constant 0 : i32
    %dma_start3A_388 = tpu.memref_slice %arg9[%dma_start3A_374, %dma_start3A_386, %dma_start3A_387] : memref<4x128x128xf32, #tpu.memory_space<vmem>> -> memref<1x128x128xf32, #tpu.memory_space<vmem>>
    %dma_start3A_389 = tpu.memref_squeeze %dma_start3A_388 : memref<1x128x128xf32, #tpu.memory_space<vmem>> -> memref<128x128xf32, #tpu.memory_space<vmem>>
    tpu.enqueue_dma source(%dma_start3A_389 : memref<128x128xf32, #tpu.memory_space<vmem>>) target(%dma_start3A_385 : memref<128x128xf32, #tpu.memory_space<hbm>>) target_semaphore(%dma_start3A_383 : memref<!tpu.dma_semaphore, #tpu.memory_space<semaphore_mem>>)
    %dma_wait3A_390 = arith.constant 1 : i32
    %dma_wait3A_391 = arith.constant 1 : i32
    %dma_wait3A_392 = arith.constant 0 : i32
    %dma_wait3A_393 = arith.constant 0 : i32
    %dma_wait3A_394 = tpu.memref_slice %arg9[%dma_wait3A_390, %dma_wait3A_392, %dma_wait3A_393] : memref<4x128x128xf32, #tpu.memory_space<vmem>> -> memref<1x128x128xf32, #tpu.memory_space<vmem>>
    %dma_wait3A_395 = tpu.memref_squeeze %dma_wait3A_394 : memref<1x128x128xf32, #tpu.memory_space<vmem>> -> memref<128x128xf32, #tpu.memory_space<vmem>>
    %dma_wait3A_396 = arith.constant 0 : i32
    %dma_wait3A_397 = tpu.memref_slice %arg5[%add3A_373, %dma_wait3A_396] : memref<106496x128xf32, #tpu.memory_space<hbm>> -> memref<128x128xf32, #tpu.memory_space<hbm>>
    %dma_wait3A_398 = tpu.memref_slice %arg11[%dma_wait3A_391] : memref<4x!tpu.dma_semaphore, #tpu.memory_space<semaphore_mem>> -> memref<1x!tpu.dma_semaphore, #tpu.memory_space<semaphore_mem>>
    %dma_wait3A_399 = tpu.memref_squeeze %dma_wait3A_398 : memref<1x!tpu.dma_semaphore, #tpu.memory_space<semaphore_mem>> -> memref<!tpu.dma_semaphore, #tpu.memory_space<semaphore_mem>>
    %dma_wait3A_400 = arith.constant 0 : i32
    %dma_wait3A_401 = tpu.memref_slice %arg5[%add3A_373, %dma_wait3A_400] : memref<106496x128xf32, #tpu.memory_space<hbm>> -> memref<128x128xf32, #tpu.memory_space<hbm>>
    %dma_wait3A_402 = arith.constant 0 : i32
    %dma_wait3A_403 = arith.constant 0 : i32
    %dma_wait3A_404 = tpu.memref_slice %arg9[%dma_wait3A_390, %dma_wait3A_402, %dma_wait3A_403] : memref<4x128x128xf32, #tpu.memory_space<vmem>> -> memref<1x128x128xf32, #tpu.memory_space<vmem>>
    %dma_wait3A_405 = tpu.memref_squeeze %dma_wait3A_404 : memref<1x128x128xf32, #tpu.memory_space<vmem>> -> memref<128x128xf32, #tpu.memory_space<vmem>>
    tpu.wait_dma2 semaphore(%dma_wait3A_399 : memref<!tpu.dma_semaphore, #tpu.memory_space<semaphore_mem>>) src(%dma_wait3A_405 : memref<128x128xf32, #tpu.memory_space<vmem>>) dst(%dma_wait3A_401 : memref<128x128xf32, #tpu.memory_space<hbm>>)
    %dma_start3A_406 = arith.constant 1 : i32
    %dma_start3A_407 = arith.constant 1 : i32
    %dma_start3A_408 = arith.constant 0 : i32
    %dma_start3A_409 = arith.constant 0 : i32
    %dma_start3A_410 = tpu.memref_slice %arg9[%dma_start3A_406, %dma_start3A_408, %dma_start3A_409] : memref<4x128x128xf32, #tpu.memory_space<vmem>> -> memref<1x128x128xf32, #tpu.memory_space<vmem>>
    %dma_start3A_411 = tpu.memref_squeeze %dma_start3A_410 : memref<1x128x128xf32, #tpu.memory_space<vmem>> -> memref<128x128xf32, #tpu.memory_space<vmem>>
    %dma_start3A_412 = arith.constant 1152 : i32
    %dma_start3A_413 = tpu.memref_slice %arg8[%dma_start3A_412] : memref<3328xi32, #tpu.memory_space<vmem>> -> memref<128xi32, #tpu.memory_space<vmem>>
    %dma_start3A_414 = arith.constant 0 : i32
    %dma_start3A_415 = arith.constant 0 : i32
    %dma_start3A_416 = tpu.memref_slice %arg4[%dma_start3A_414, %dma_start3A_415] : memref<1004x128xf32, #tpu.memory_space<hbm>> -> memref<1004x128xf32, #tpu.memory_space<hbm>>
    %dma_start3A_417 = tpu.memref_slice %arg10[%dma_start3A_407] : memref<4x!tpu.dma_semaphore, #tpu.memory_space<semaphore_mem>> -> memref<1x!tpu.dma_semaphore, #tpu.memory_space<semaphore_mem>>
    %dma_start3A_418 = tpu.memref_squeeze %dma_start3A_417 : memref<1x!tpu.dma_semaphore, #tpu.memory_space<semaphore_mem>> -> memref<!tpu.dma_semaphore, #tpu.memory_space<semaphore_mem>>
    tpu.enqueue_indirect_dma source(%dma_start3A_416 : memref<1004x128xf32, #tpu.memory_space<hbm>>) target(%dma_start3A_411 : memref<128x128xf32, #tpu.memory_space<vmem>>) offsets(%dma_start3A_413 : memref<128xi32, #tpu.memory_space<vmem>>) semaphore(%dma_start3A_418 : memref<!tpu.dma_semaphore, #tpu.memory_space<semaphore_mem>>)
    %dma_wait3A_419 = arith.constant 2 : i32
    %dma_wait3A_420 = arith.constant 2 : i32
    %dma_wait3A_421 = arith.constant 0 : i32
    %dma_wait3A_422 = arith.constant 0 : i32
    %dma_wait3A_423 = tpu.memref_slice %arg9[%dma_wait3A_419, %dma_wait3A_421, %dma_wait3A_422] : memref<4x128x128xf32, #tpu.memory_space<vmem>> -> memref<1x128x128xf32, #tpu.memory_space<vmem>>
    %dma_wait3A_424 = tpu.memref_squeeze %dma_wait3A_423 : memref<1x128x128xf32, #tpu.memory_space<vmem>> -> memref<128x128xf32, #tpu.memory_space<vmem>>
    %dma_wait3A_425 = arith.constant 768 : i32
    %dma_wait3A_426 = tpu.memref_slice %arg8[%dma_wait3A_425] : memref<3328xi32, #tpu.memory_space<vmem>> -> memref<128xi32, #tpu.memory_space<vmem>>
    %dma_wait3A_427 = arith.constant 0 : i32
    %dma_wait3A_428 = arith.constant 0 : i32
    %dma_wait3A_429 = tpu.memref_slice %arg4[%dma_wait3A_427, %dma_wait3A_428] : memref<1004x128xf32, #tpu.memory_space<hbm>> -> memref<1004x128xf32, #tpu.memory_space<hbm>>
    %dma_wait3A_430 = tpu.memref_slice %arg10[%dma_wait3A_420] : memref<4x!tpu.dma_semaphore, #tpu.memory_space<semaphore_mem>> -> memref<1x!tpu.dma_semaphore, #tpu.memory_space<semaphore_mem>>
    %dma_wait3A_431 = tpu.memref_squeeze %dma_wait3A_430 : memref<1x!tpu.dma_semaphore, #tpu.memory_space<semaphore_mem>> -> memref<!tpu.dma_semaphore, #tpu.memory_space<semaphore_mem>>
    tpu.wait_indirect_dma semaphore(%dma_wait3A_431 : memref<!tpu.dma_semaphore, #tpu.memory_space<semaphore_mem>>) src(%dma_wait3A_429 : memref<1004x128xf32, #tpu.memory_space<hbm>>) dst(%dma_wait3A_424 : memref<128x128xf32, #tpu.memory_space<vmem>>)
    %add3A_432 = arith.constant 768 : i32
    %add3A_433 = arith.addi %mul3A_2, %add3A_432 : i32
    %dma_start3A_434 = arith.constant 2 : i32
    %dma_start3A_435 = arith.constant 2 : i32
    %dma_start3A_436 = arith.constant 0 : i32
    %dma_start3A_437 = arith.constant 0 : i32
    %dma_start3A_438 = tpu.memref_slice %arg9[%dma_start3A_434, %dma_start3A_436, %dma_start3A_437] : memref<4x128x128xf32, #tpu.memory_space<vmem>> -> memref<1x128x128xf32, #tpu.memory_space<vmem>>
    %dma_start3A_439 = tpu.memref_squeeze %dma_start3A_438 : memref<1x128x128xf32, #tpu.memory_space<vmem>> -> memref<128x128xf32, #tpu.memory_space<vmem>>
    %dma_start3A_440 = arith.constant 0 : i32
    %dma_start3A_441 = tpu.memref_slice %arg5[%add3A_433, %dma_start3A_440] : memref<106496x128xf32, #tpu.memory_space<hbm>> -> memref<128x128xf32, #tpu.memory_space<hbm>>
    %dma_start3A_442 = tpu.memref_slice %arg11[%dma_start3A_435] : memref<4x!tpu.dma_semaphore, #tpu.memory_space<semaphore_mem>> -> memref<1x!tpu.dma_semaphore, #tpu.memory_space<semaphore_mem>>
    %dma_start3A_443 = tpu.memref_squeeze %dma_start3A_442 : memref<1x!tpu.dma_semaphore, #tpu.memory_space<semaphore_mem>> -> memref<!tpu.dma_semaphore, #tpu.memory_space<semaphore_mem>>
    %dma_start3A_444 = arith.constant 0 : i32
    %dma_start3A_445 = tpu.memref_slice %arg5[%add3A_433, %dma_start3A_444] : memref<106496x128xf32, #tpu.memory_space<hbm>> -> memref<128x128xf32, #tpu.memory_space<hbm>>
    %dma_start3A_446 = arith.constant 0 : i32
    %dma_start3A_447 = arith.constant 0 : i32
    %dma_start3A_448 = tpu.memref_slice %arg9[%dma_start3A_434, %dma_start3A_446, %dma_start3A_447] : memref<4x128x128xf32, #tpu.memory_space<vmem>> -> memref<1x128x128xf32, #tpu.memory_space<vmem>>
    %dma_start3A_449 = tpu.memref_squeeze %dma_start3A_448 : memref<1x128x128xf32, #tpu.memory_space<vmem>> -> memref<128x128xf32, #tpu.memory_space<vmem>>
    tpu.enqueue_dma source(%dma_start3A_449 : memref<128x128xf32, #tpu.memory_space<vmem>>) target(%dma_start3A_445 : memref<128x128xf32, #tpu.memory_space<hbm>>) target_semaphore(%dma_start3A_443 : memref<!tpu.dma_semaphore, #tpu.memory_space<semaphore_mem>>)
    %dma_wait3A_450 = arith.constant 2 : i32
    %dma_wait3A_451 = arith.constant 2 : i32
    %dma_wait3A_452 = arith.constant 0 : i32
    %dma_wait3A_453 = arith.constant 0 : i32
    %dma_wait3A_454 = tpu.memref_slice %arg9[%dma_wait3A_450, %dma_wait3A_452, %dma_wait3A_453] : memref<4x128x128xf32, #tpu.memory_space<vmem>> -> memref<1x128x128xf32, #tpu.memory_space<vmem>>
    %dma_wait3A_455 = tpu.memref_squeeze %dma_wait3A_454 : memref<1x128x128xf32, #tpu.memory_space<vmem>> -> memref<128x128xf32, #tpu.memory_space<vmem>>
    %dma_wait3A_456 = arith.constant 0 : i32
    %dma_wait3A_457 = tpu.memref_slice %arg5[%add3A_433, %dma_wait3A_456] : memref<106496x128xf32, #tpu.memory_space<hbm>> -> memref<128x128xf32, #tpu.memory_space<hbm>>
    %dma_wait3A_458 = tpu.memref_slice %arg11[%dma_wait3A_451] : memref<4x!tpu.dma_semaphore, #tpu.memory_space<semaphore_mem>> -> memref<1x!tpu.dma_semaphore, #tpu.memory_space<semaphore_mem>>
    %dma_wait3A_459 = tpu.memref_squeeze %dma_wait3A_458 : memref<1x!tpu.dma_semaphore, #tpu.memory_space<semaphore_mem>> -> memref<!tpu.dma_semaphore, #tpu.memory_space<semaphore_mem>>
    %dma_wait3A_460 = arith.constant 0 : i32
    %dma_wait3A_461 = tpu.memref_slice %arg5[%add3A_433, %dma_wait3A_460] : memref<106496x128xf32, #tpu.memory_space<hbm>> -> memref<128x128xf32, #tpu.memory_space<hbm>>
    %dma_wait3A_462 = arith.constant 0 : i32
    %dma_wait3A_463 = arith.constant 0 : i32
    %dma_wait3A_464 = tpu.memref_slice %arg9[%dma_wait3A_450, %dma_wait3A_462, %dma_wait3A_463] : memref<4x128x128xf32, #tpu.memory_space<vmem>> -> memref<1x128x128xf32, #tpu.memory_space<vmem>>
    %dma_wait3A_465 = tpu.memref_squeeze %dma_wait3A_464 : memref<1x128x128xf32, #tpu.memory_space<vmem>> -> memref<128x128xf32, #tpu.memory_space<vmem>>
    tpu.wait_dma2 semaphore(%dma_wait3A_459 : memref<!tpu.dma_semaphore, #tpu.memory_space<semaphore_mem>>) src(%dma_wait3A_465 : memref<128x128xf32, #tpu.memory_space<vmem>>) dst(%dma_wait3A_461 : memref<128x128xf32, #tpu.memory_space<hbm>>)
    %dma_start3A_466 = arith.constant 2 : i32
    %dma_start3A_467 = arith.constant 2 : i32
    %dma_start3A_468 = arith.constant 0 : i32
    %dma_start3A_469 = arith.constant 0 : i32
    %dma_start3A_470 = tpu.memref_slice %arg9[%dma_start3A_466, %dma_start3A_468, %dma_start3A_469] : memref<4x128x128xf32, #tpu.memory_space<vmem>> -> memref<1x128x128xf32, #tpu.memory_space<vmem>>
    %dma_start3A_471 = tpu.memref_squeeze %dma_start3A_470 : memref<1x128x128xf32, #tpu.memory_space<vmem>> -> memref<128x128xf32, #tpu.memory_space<vmem>>
    %dma_start3A_472 = arith.constant 1280 : i32
    %dma_start3A_473 = tpu.memref_slice %arg8[%dma_start3A_472] : memref<3328xi32, #tpu.memory_space<vmem>> -> memref<128xi32, #tpu.memory_space<vmem>>
    %dma_start3A_474 = arith.constant 0 : i32
    %dma_start3A_475 = arith.constant 0 : i32
    %dma_start3A_476 = tpu.memref_slice %arg4[%dma_start3A_474, %dma_start3A_475] : memref<1004x128xf32, #tpu.memory_space<hbm>> -> memref<1004x128xf32, #tpu.memory_space<hbm>>
    %dma_start3A_477 = tpu.memref_slice %arg10[%dma_start3A_467] : memref<4x!tpu.dma_semaphore, #tpu.memory_space<semaphore_mem>> -> memref<1x!tpu.dma_semaphore, #tpu.memory_space<semaphore_mem>>
    %dma_start3A_478 = tpu.memref_squeeze %dma_start3A_477 : memref<1x!tpu.dma_semaphore, #tpu.memory_space<semaphore_mem>> -> memref<!tpu.dma_semaphore, #tpu.memory_space<semaphore_mem>>
    tpu.enqueue_indirect_dma source(%dma_start3A_476 : memref<1004x128xf32, #tpu.memory_space<hbm>>) target(%dma_start3A_471 : memref<128x128xf32, #tpu.memory_space<vmem>>) offsets(%dma_start3A_473 : memref<128xi32, #tpu.memory_space<vmem>>) semaphore(%dma_start3A_478 : memref<!tpu.dma_semaphore, #tpu.memory_space<semaphore_mem>>)
    %dma_wait3A_479 = arith.constant 3 : i32
    %dma_wait3A_480 = arith.constant 3 : i32
    %dma_wait3A_481 = arith.constant 0 : i32
    %dma_wait3A_482 = arith.constant 0 : i32
    %dma_wait3A_483 = tpu.memref_slice %arg9[%dma_wait3A_479, %dma_wait3A_481, %dma_wait3A_482] : memref<4x128x128xf32, #tpu.memory_space<vmem>> -> memref<1x128x128xf32, #tpu.memory_space<vmem>>
    %dma_wait3A_484 = tpu.memref_squeeze %dma_wait3A_483 : memref<1x128x128xf32, #tpu.memory_space<vmem>> -> memref<128x128xf32, #tpu.memory_space<vmem>>
    %dma_wait3A_485 = arith.constant 896 : i32
    %dma_wait3A_486 = tpu.memref_slice %arg8[%dma_wait3A_485] : memref<3328xi32, #tpu.memory_space<vmem>> -> memref<128xi32, #tpu.memory_space<vmem>>
    %dma_wait3A_487 = arith.constant 0 : i32
    %dma_wait3A_488 = arith.constant 0 : i32
    %dma_wait3A_489 = tpu.memref_slice %arg4[%dma_wait3A_487, %dma_wait3A_488] : memref<1004x128xf32, #tpu.memory_space<hbm>> -> memref<1004x128xf32, #tpu.memory_space<hbm>>
    %dma_wait3A_490 = tpu.memref_slice %arg10[%dma_wait3A_480] : memref<4x!tpu.dma_semaphore, #tpu.memory_space<semaphore_mem>> -> memref<1x!tpu.dma_semaphore, #tpu.memory_space<semaphore_mem>>
    %dma_wait3A_491 = tpu.memref_squeeze %dma_wait3A_490 : memref<1x!tpu.dma_semaphore, #tpu.memory_space<semaphore_mem>> -> memref<!tpu.dma_semaphore, #tpu.memory_space<semaphore_mem>>
    tpu.wait_indirect_dma semaphore(%dma_wait3A_491 : memref<!tpu.dma_semaphore, #tpu.memory_space<semaphore_mem>>) src(%dma_wait3A_489 : memref<1004x128xf32, #tpu.memory_space<hbm>>) dst(%dma_wait3A_484 : memref<128x128xf32, #tpu.memory_space<vmem>>)
    %add3A_492 = arith.constant 896 : i32
    %add3A_493 = arith.addi %mul3A_2, %add3A_492 : i32
    %dma_start3A_494 = arith.constant 3 : i32
    %dma_start3A_495 = arith.constant 3 : i32
    %dma_start3A_496 = arith.constant 0 : i32
    %dma_start3A_497 = arith.constant 0 : i32
    %dma_start3A_498 = tpu.memref_slice %arg9[%dma_start3A_494, %dma_start3A_496, %dma_start3A_497] : memref<4x128x128xf32, #tpu.memory_space<vmem>> -> memref<1x128x128xf32, #tpu.memory_space<vmem>>
    %dma_start3A_499 = tpu.memref_squeeze %dma_start3A_498 : memref<1x128x128xf32, #tpu.memory_space<vmem>> -> memref<128x128xf32, #tpu.memory_space<vmem>>
    %dma_start3A_500 = arith.constant 0 : i32
    %dma_start3A_501 = tpu.memref_slice %arg5[%add3A_493, %dma_start3A_500] : memref<106496x128xf32, #tpu.memory_space<hbm>> -> memref<128x128xf32, #tpu.memory_space<hbm>>
    %dma_start3A_502 = tpu.memref_slice %arg11[%dma_start3A_495] : memref<4x!tpu.dma_semaphore, #tpu.memory_space<semaphore_mem>> -> memref<1x!tpu.dma_semaphore, #tpu.memory_space<semaphore_mem>>
    %dma_start3A_503 = tpu.memref_squeeze %dma_start3A_502 : memref<1x!tpu.dma_semaphore, #tpu.memory_space<semaphore_mem>> -> memref<!tpu.dma_semaphore, #tpu.memory_space<semaphore_mem>>
    %dma_start3A_504 = arith.constant 0 : i32
    %dma_start3A_505 = tpu.memref_slice %arg5[%add3A_493, %dma_start3A_504] : memref<106496x128xf32, #tpu.memory_space<hbm>> -> memref<128x128xf32, #tpu.memory_space<hbm>>
    %dma_start3A_506 = arith.constant 0 : i32
    %dma_start3A_507 = arith.constant 0 : i32
    %dma_start3A_508 = tpu.memref_slice %arg9[%dma_start3A_494, %dma_start3A_506, %dma_start3A_507] : memref<4x128x128xf32, #tpu.memory_space<vmem>> -> memref<1x128x128xf32, #tpu.memory_space<vmem>>
    %dma_start3A_509 = tpu.memref_squeeze %dma_start3A_508 : memref<1x128x128xf32, #tpu.memory_space<vmem>> -> memref<128x128xf32, #tpu.memory_space<vmem>>
    tpu.enqueue_dma source(%dma_start3A_509 : memref<128x128xf32, #tpu.memory_space<vmem>>) target(%dma_start3A_505 : memref<128x128xf32, #tpu.memory_space<hbm>>) target_semaphore(%dma_start3A_503 : memref<!tpu.dma_semaphore, #tpu.memory_space<semaphore_mem>>)
    %dma_wait3A_510 = arith.constant 3 : i32
    %dma_wait3A_511 = arith.constant 3 : i32
    %dma_wait3A_512 = arith.constant 0 : i32
    %dma_wait3A_513 = arith.constant 0 : i32
    %dma_wait3A_514 = tpu.memref_slice %arg9[%dma_wait3A_510, %dma_wait3A_512, %dma_wait3A_513] : memref<4x128x128xf32, #tpu.memory_space<vmem>> -> memref<1x128x128xf32, #tpu.memory_space<vmem>>
    %dma_wait3A_515 = tpu.memref_squeeze %dma_wait3A_514 : memref<1x128x128xf32, #tpu.memory_space<vmem>> -> memref<128x128xf32, #tpu.memory_space<vmem>>
    %dma_wait3A_516 = arith.constant 0 : i32
    %dma_wait3A_517 = tpu.memref_slice %arg5[%add3A_493, %dma_wait3A_516] : memref<106496x128xf32, #tpu.memory_space<hbm>> -> memref<128x128xf32, #tpu.memory_space<hbm>>
    %dma_wait3A_518 = tpu.memref_slice %arg11[%dma_wait3A_511] : memref<4x!tpu.dma_semaphore, #tpu.memory_space<semaphore_mem>> -> memref<1x!tpu.dma_semaphore, #tpu.memory_space<semaphore_mem>>
    %dma_wait3A_519 = tpu.memref_squeeze %dma_wait3A_518 : memref<1x!tpu.dma_semaphore, #tpu.memory_space<semaphore_mem>> -> memref<!tpu.dma_semaphore, #tpu.memory_space<semaphore_mem>>
    %dma_wait3A_520 = arith.constant 0 : i32
    %dma_wait3A_521 = tpu.memref_slice %arg5[%add3A_493, %dma_wait3A_520] : memref<106496x128xf32, #tpu.memory_space<hbm>> -> memref<128x128xf32, #tpu.memory_space<hbm>>
    %dma_wait3A_522 = arith.constant 0 : i32
    %dma_wait3A_523 = arith.constant 0 : i32
    %dma_wait3A_524 = tpu.memref_slice %arg9[%dma_wait3A_510, %dma_wait3A_522, %dma_wait3A_523] : memref<4x128x128xf32, #tpu.memory_space<vmem>> -> memref<1x128x128xf32, #tpu.memory_space<vmem>>
    %dma_wait3A_525 = tpu.memref_squeeze %dma_wait3A_524 : memref<1x128x128xf32, #tpu.memory_space<vmem>> -> memref<128x128xf32, #tpu.memory_space<vmem>>
    tpu.wait_dma2 semaphore(%dma_wait3A_519 : memref<!tpu.dma_semaphore, #tpu.memory_space<semaphore_mem>>) src(%dma_wait3A_525 : memref<128x128xf32, #tpu.memory_space<vmem>>) dst(%dma_wait3A_521 : memref<128x128xf32, #tpu.memory_space<hbm>>)
    %dma_start3A_526 = arith.constant 3 : i32
    %dma_start3A_527 = arith.constant 3 : i32
    %dma_start3A_528 = arith.constant 0 : i32
    %dma_start3A_529 = arith.constant 0 : i32
    %dma_start3A_530 = tpu.memref_slice %arg9[%dma_start3A_526, %dma_start3A_528, %dma_start3A_529] : memref<4x128x128xf32, #tpu.memory_space<vmem>> -> memref<1x128x128xf32, #tpu.memory_space<vmem>>
    %dma_start3A_531 = tpu.memref_squeeze %dma_start3A_530 : memref<1x128x128xf32, #tpu.memory_space<vmem>> -> memref<128x128xf32, #tpu.memory_space<vmem>>
    %dma_start3A_532 = arith.constant 1408 : i32
    %dma_start3A_533 = tpu.memref_slice %arg8[%dma_start3A_532] : memref<3328xi32, #tpu.memory_space<vmem>> -> memref<128xi32, #tpu.memory_space<vmem>>
    %dma_start3A_534 = arith.constant 0 : i32
    %dma_start3A_535 = arith.constant 0 : i32
    %dma_start3A_536 = tpu.memref_slice %arg4[%dma_start3A_534, %dma_start3A_535] : memref<1004x128xf32, #tpu.memory_space<hbm>> -> memref<1004x128xf32, #tpu.memory_space<hbm>>
    %dma_start3A_537 = tpu.memref_slice %arg10[%dma_start3A_527] : memref<4x!tpu.dma_semaphore, #tpu.memory_space<semaphore_mem>> -> memref<1x!tpu.dma_semaphore, #tpu.memory_space<semaphore_mem>>
    %dma_start3A_538 = tpu.memref_squeeze %dma_start3A_537 : memref<1x!tpu.dma_semaphore, #tpu.memory_space<semaphore_mem>> -> memref<!tpu.dma_semaphore, #tpu.memory_space<semaphore_mem>>
    tpu.enqueue_indirect_dma source(%dma_start3A_536 : memref<1004x128xf32, #tpu.memory_space<hbm>>) target(%dma_start3A_531 : memref<128x128xf32, #tpu.memory_space<vmem>>) offsets(%dma_start3A_533 : memref<128xi32, #tpu.memory_space<vmem>>) semaphore(%dma_start3A_538 : memref<!tpu.dma_semaphore, #tpu.memory_space<semaphore_mem>>)
    %dma_wait3A_539 = arith.constant 0 : i32
    %dma_wait3A_540 = arith.constant 0 : i32
    %dma_wait3A_541 = arith.constant 0 : i32
    %dma_wait3A_542 = arith.constant 0 : i32
    %dma_wait3A_543 = tpu.memref_slice %arg9[%dma_wait3A_539, %dma_wait3A_541, %dma_wait3A_542] : memref<4x128x128xf32, #tpu.memory_space<vmem>> -> memref<1x128x128xf32, #tpu.memory_space<vmem>>
    %dma_wait3A_544 = tpu.memref_squeeze %dma_wait3A_543 : memref<1x128x128xf32, #tpu.memory_space<vmem>> -> memref<128x128xf32, #tpu.memory_space<vmem>>
    %dma_wait3A_545 = arith.constant 1024 : i32
    %dma_wait3A_546 = tpu.memref_slice %arg8[%dma_wait3A_545] : memref<3328xi32, #tpu.memory_space<vmem>> -> memref<128xi32, #tpu.memory_space<vmem>>
    %dma_wait3A_547 = arith.constant 0 : i32
    %dma_wait3A_548 = arith.constant 0 : i32
    %dma_wait3A_549 = tpu.memref_slice %arg4[%dma_wait3A_547, %dma_wait3A_548] : memref<1004x128xf32, #tpu.memory_space<hbm>> -> memref<1004x128xf32, #tpu.memory_space<hbm>>
    %dma_wait3A_550 = tpu.memref_slice %arg10[%dma_wait3A_540] : memref<4x!tpu.dma_semaphore, #tpu.memory_space<semaphore_mem>> -> memref<1x!tpu.dma_semaphore, #tpu.memory_space<semaphore_mem>>
    %dma_wait3A_551 = tpu.memref_squeeze %dma_wait3A_550 : memref<1x!tpu.dma_semaphore, #tpu.memory_space<semaphore_mem>> -> memref<!tpu.dma_semaphore, #tpu.memory_space<semaphore_mem>>
    tpu.wait_indirect_dma semaphore(%dma_wait3A_551 : memref<!tpu.dma_semaphore, #tpu.memory_space<semaphore_mem>>) src(%dma_wait3A_549 : memref<1004x128xf32, #tpu.memory_space<hbm>>) dst(%dma_wait3A_544 : memref<128x128xf32, #tpu.memory_space<vmem>>)
    %add3A_552 = arith.constant 1024 : i32
    %add3A_553 = arith.addi %mul3A_2, %add3A_552 : i32
    %dma_start3A_554 = arith.constant 0 : i32
    %dma_start3A_555 = arith.constant 0 : i32
    %dma_start3A_556 = arith.constant 0 : i32
    %dma_start3A_557 = arith.constant 0 : i32
    %dma_start3A_558 = tpu.memref_slice %arg9[%dma_start3A_554, %dma_start3A_556, %dma_start3A_557] : memref<4x128x128xf32, #tpu.memory_space<vmem>> -> memref<1x128x128xf32, #tpu.memory_space<vmem>>
    %dma_start3A_559 = tpu.memref_squeeze %dma_start3A_558 : memref<1x128x128xf32, #tpu.memory_space<vmem>> -> memref<128x128xf32, #tpu.memory_space<vmem>>
    %dma_start3A_560 = arith.constant 0 : i32
    %dma_start3A_561 = tpu.memref_slice %arg5[%add3A_553, %dma_start3A_560] : memref<106496x128xf32, #tpu.memory_space<hbm>> -> memref<128x128xf32, #tpu.memory_space<hbm>>
    %dma_start3A_562 = tpu.memref_slice %arg11[%dma_start3A_555] : memref<4x!tpu.dma_semaphore, #tpu.memory_space<semaphore_mem>> -> memref<1x!tpu.dma_semaphore, #tpu.memory_space<semaphore_mem>>
    %dma_start3A_563 = tpu.memref_squeeze %dma_start3A_562 : memref<1x!tpu.dma_semaphore, #tpu.memory_space<semaphore_mem>> -> memref<!tpu.dma_semaphore, #tpu.memory_space<semaphore_mem>>
    %dma_start3A_564 = arith.constant 0 : i32
    %dma_start3A_565 = tpu.memref_slice %arg5[%add3A_553, %dma_start3A_564] : memref<106496x128xf32, #tpu.memory_space<hbm>> -> memref<128x128xf32, #tpu.memory_space<hbm>>
    %dma_start3A_566 = arith.constant 0 : i32
    %dma_start3A_567 = arith.constant 0 : i32
    %dma_start3A_568 = tpu.memref_slice %arg9[%dma_start3A_554, %dma_start3A_566, %dma_start3A_567] : memref<4x128x128xf32, #tpu.memory_space<vmem>> -> memref<1x128x128xf32, #tpu.memory_space<vmem>>
    %dma_start3A_569 = tpu.memref_squeeze %dma_start3A_568 : memref<1x128x128xf32, #tpu.memory_space<vmem>> -> memref<128x128xf32, #tpu.memory_space<vmem>>
    tpu.enqueue_dma source(%dma_start3A_569 : memref<128x128xf32, #tpu.memory_space<vmem>>) target(%dma_start3A_565 : memref<128x128xf32, #tpu.memory_space<hbm>>) target_semaphore(%dma_start3A_563 : memref<!tpu.dma_semaphore, #tpu.memory_space<semaphore_mem>>)
    %dma_wait3A_570 = arith.constant 0 : i32
    %dma_wait3A_571 = arith.constant 0 : i32
    %dma_wait3A_572 = arith.constant 0 : i32
    %dma_wait3A_573 = arith.constant 0 : i32
    %dma_wait3A_574 = tpu.memref_slice %arg9[%dma_wait3A_570, %dma_wait3A_572, %dma_wait3A_573] : memref<4x128x128xf32, #tpu.memory_space<vmem>> -> memref<1x128x128xf32, #tpu.memory_space<vmem>>
    %dma_wait3A_575 = tpu.memref_squeeze %dma_wait3A_574 : memref<1x128x128xf32, #tpu.memory_space<vmem>> -> memref<128x128xf32, #tpu.memory_space<vmem>>
    %dma_wait3A_576 = arith.constant 0 : i32
    %dma_wait3A_577 = tpu.memref_slice %arg5[%add3A_553, %dma_wait3A_576] : memref<106496x128xf32, #tpu.memory_space<hbm>> -> memref<128x128xf32, #tpu.memory_space<hbm>>
    %dma_wait3A_578 = tpu.memref_slice %arg11[%dma_wait3A_571] : memref<4x!tpu.dma_semaphore, #tpu.memory_space<semaphore_mem>> -> memref<1x!tpu.dma_semaphore, #tpu.memory_space<semaphore_mem>>
    %dma_wait3A_579 = tpu.memref_squeeze %dma_wait3A_578 : memref<1x!tpu.dma_semaphore, #tpu.memory_space<semaphore_mem>> -> memref<!tpu.dma_semaphore, #tpu.memory_space<semaphore_mem>>
    %dma_wait3A_580 = arith.constant 0 : i32
    %dma_wait3A_581 = tpu.memref_slice %arg5[%add3A_553, %dma_wait3A_580] : memref<106496x128xf32, #tpu.memory_space<hbm>> -> memref<128x128xf32, #tpu.memory_space<hbm>>
    %dma_wait3A_582 = arith.constant 0 : i32
    %dma_wait3A_583 = arith.constant 0 : i32
    %dma_wait3A_584 = tpu.memref_slice %arg9[%dma_wait3A_570, %dma_wait3A_582, %dma_wait3A_583] : memref<4x128x128xf32, #tpu.memory_space<vmem>> -> memref<1x128x128xf32, #tpu.memory_space<vmem>>
    %dma_wait3A_585 = tpu.memref_squeeze %dma_wait3A_584 : memref<1x128x128xf32, #tpu.memory_space<vmem>> -> memref<128x128xf32, #tpu.memory_space<vmem>>
    tpu.wait_dma2 semaphore(%dma_wait3A_579 : memref<!tpu.dma_semaphore, #tpu.memory_space<semaphore_mem>>) src(%dma_wait3A_585 : memref<128x128xf32, #tpu.memory_space<vmem>>) dst(%dma_wait3A_581 : memref<128x128xf32, #tpu.memory_space<hbm>>)
    %dma_start3A_586 = arith.constant 0 : i32
    %dma_start3A_587 = arith.constant 0 : i32
    %dma_start3A_588 = arith.constant 0 : i32
    %dma_start3A_589 = arith.constant 0 : i32
    %dma_start3A_590 = tpu.memref_slice %arg9[%dma_start3A_586, %dma_start3A_588, %dma_start3A_589] : memref<4x128x128xf32, #tpu.memory_space<vmem>> -> memref<1x128x128xf32, #tpu.memory_space<vmem>>
    %dma_start3A_591 = tpu.memref_squeeze %dma_start3A_590 : memref<1x128x128xf32, #tpu.memory_space<vmem>> -> memref<128x128xf32, #tpu.memory_space<vmem>>
    %dma_start3A_592 = arith.constant 1536 : i32
    %dma_start3A_593 = tpu.memref_slice %arg8[%dma_start3A_592] : memref<3328xi32, #tpu.memory_space<vmem>> -> memref<128xi32, #tpu.memory_space<vmem>>
    %dma_start3A_594 = arith.constant 0 : i32
    %dma_start3A_595 = arith.constant 0 : i32
    %dma_start3A_596 = tpu.memref_slice %arg4[%dma_start3A_594, %dma_start3A_595] : memref<1004x128xf32, #tpu.memory_space<hbm>> -> memref<1004x128xf32, #tpu.memory_space<hbm>>
    %dma_start3A_597 = tpu.memref_slice %arg10[%dma_start3A_587] : memref<4x!tpu.dma_semaphore, #tpu.memory_space<semaphore_mem>> -> memref<1x!tpu.dma_semaphore, #tpu.memory_space<semaphore_mem>>
    %dma_start3A_598 = tpu.memref_squeeze %dma_start3A_597 : memref<1x!tpu.dma_semaphore, #tpu.memory_space<semaphore_mem>> -> memref<!tpu.dma_semaphore, #tpu.memory_space<semaphore_mem>>
    tpu.enqueue_indirect_dma source(%dma_start3A_596 : memref<1004x128xf32, #tpu.memory_space<hbm>>) target(%dma_start3A_591 : memref<128x128xf32, #tpu.memory_space<vmem>>) offsets(%dma_start3A_593 : memref<128xi32, #tpu.memory_space<vmem>>) semaphore(%dma_start3A_598 : memref<!tpu.dma_semaphore, #tpu.memory_space<semaphore_mem>>)
    %dma_wait3A_599 = arith.constant 1 : i32
    %dma_wait3A_600 = arith.constant 1 : i32
    %dma_wait3A_601 = arith.constant 0 : i32
    %dma_wait3A_602 = arith.constant 0 : i32
    %dma_wait3A_603 = tpu.memref_slice %arg9[%dma_wait3A_599, %dma_wait3A_601, %dma_wait3A_602] : memref<4x128x128xf32, #tpu.memory_space<vmem>> -> memref<1x128x128xf32, #tpu.memory_space<vmem>>
    %dma_wait3A_604 = tpu.memref_squeeze %dma_wait3A_603 : memref<1x128x128xf32, #tpu.memory_space<vmem>> -> memref<128x128xf32, #tpu.memory_space<vmem>>
    %dma_wait3A_605 = arith.constant 1152 : i32
    %dma_wait3A_606 = tpu.memref_slice %arg8[%dma_wait3A_605] : memref<3328xi32, #tpu.memory_space<vmem>> -> memref<128xi32, #tpu.memory_space<vmem>>
    %dma_wait3A_607 = arith.constant 0 : i32
    %dma_wait3A_608 = arith.constant 0 : i32
    %dma_wait3A_609 = tpu.memref_slice %arg4[%dma_wait3A_607, %dma_wait3A_608] : memref<1004x128xf32, #tpu.memory_space<hbm>> -> memref<1004x128xf32, #tpu.memory_space<hbm>>
    %dma_wait3A_610 = tpu.memref_slice %arg10[%dma_wait3A_600] : memref<4x!tpu.dma_semaphore, #tpu.memory_space<semaphore_mem>> -> memref<1x!tpu.dma_semaphore, #tpu.memory_space<semaphore_mem>>
    %dma_wait3A_611 = tpu.memref_squeeze %dma_wait3A_610 : memref<1x!tpu.dma_semaphore, #tpu.memory_space<semaphore_mem>> -> memref<!tpu.dma_semaphore, #tpu.memory_space<semaphore_mem>>
    tpu.wait_indirect_dma semaphore(%dma_wait3A_611 : memref<!tpu.dma_semaphore, #tpu.memory_space<semaphore_mem>>) src(%dma_wait3A_609 : memref<1004x128xf32, #tpu.memory_space<hbm>>) dst(%dma_wait3A_604 : memref<128x128xf32, #tpu.memory_space<vmem>>)
    %add3A_612 = arith.constant 1152 : i32
    %add3A_613 = arith.addi %mul3A_2, %add3A_612 : i32
    %dma_start3A_614 = arith.constant 1 : i32
    %dma_start3A_615 = arith.constant 1 : i32
    %dma_start3A_616 = arith.constant 0 : i32
    %dma_start3A_617 = arith.constant 0 : i32
    %dma_start3A_618 = tpu.memref_slice %arg9[%dma_start3A_614, %dma_start3A_616, %dma_start3A_617] : memref<4x128x128xf32, #tpu.memory_space<vmem>> -> memref<1x128x128xf32, #tpu.memory_space<vmem>>
    %dma_start3A_619 = tpu.memref_squeeze %dma_start3A_618 : memref<1x128x128xf32, #tpu.memory_space<vmem>> -> memref<128x128xf32, #tpu.memory_space<vmem>>
    %dma_start3A_620 = arith.constant 0 : i32
    %dma_start3A_621 = tpu.memref_slice %arg5[%add3A_613, %dma_start3A_620] : memref<106496x128xf32, #tpu.memory_space<hbm>> -> memref<128x128xf32, #tpu.memory_space<hbm>>
    %dma_start3A_622 = tpu.memref_slice %arg11[%dma_start3A_615] : memref<4x!tpu.dma_semaphore, #tpu.memory_space<semaphore_mem>> -> memref<1x!tpu.dma_semaphore, #tpu.memory_space<semaphore_mem>>
    %dma_start3A_623 = tpu.memref_squeeze %dma_start3A_622 : memref<1x!tpu.dma_semaphore, #tpu.memory_space<semaphore_mem>> -> memref<!tpu.dma_semaphore, #tpu.memory_space<semaphore_mem>>
    %dma_start3A_624 = arith.constant 0 : i32
    %dma_start3A_625 = tpu.memref_slice %arg5[%add3A_613, %dma_start3A_624] : memref<106496x128xf32, #tpu.memory_space<hbm>> -> memref<128x128xf32, #tpu.memory_space<hbm>>
    %dma_start3A_626 = arith.constant 0 : i32
    %dma_start3A_627 = arith.constant 0 : i32
    %dma_start3A_628 = tpu.memref_slice %arg9[%dma_start3A_614, %dma_start3A_626, %dma_start3A_627] : memref<4x128x128xf32, #tpu.memory_space<vmem>> -> memref<1x128x128xf32, #tpu.memory_space<vmem>>
    %dma_start3A_629 = tpu.memref_squeeze %dma_start3A_628 : memref<1x128x128xf32, #tpu.memory_space<vmem>> -> memref<128x128xf32, #tpu.memory_space<vmem>>
    tpu.enqueue_dma source(%dma_start3A_629 : memref<128x128xf32, #tpu.memory_space<vmem>>) target(%dma_start3A_625 : memref<128x128xf32, #tpu.memory_space<hbm>>) target_semaphore(%dma_start3A_623 : memref<!tpu.dma_semaphore, #tpu.memory_space<semaphore_mem>>)
    %dma_wait3A_630 = arith.constant 1 : i32
    %dma_wait3A_631 = arith.constant 1 : i32
    %dma_wait3A_632 = arith.constant 0 : i32
    %dma_wait3A_633 = arith.constant 0 : i32
    %dma_wait3A_634 = tpu.memref_slice %arg9[%dma_wait3A_630, %dma_wait3A_632, %dma_wait3A_633] : memref<4x128x128xf32, #tpu.memory_space<vmem>> -> memref<1x128x128xf32, #tpu.memory_space<vmem>>
    %dma_wait3A_635 = tpu.memref_squeeze %dma_wait3A_634 : memref<1x128x128xf32, #tpu.memory_space<vmem>> -> memref<128x128xf32, #tpu.memory_space<vmem>>
    %dma_wait3A_636 = arith.constant 0 : i32
    %dma_wait3A_637 = tpu.memref_slice %arg5[%add3A_613, %dma_wait3A_636] : memref<106496x128xf32, #tpu.memory_space<hbm>> -> memref<128x128xf32, #tpu.memory_space<hbm>>
    %dma_wait3A_638 = tpu.memref_slice %arg11[%dma_wait3A_631] : memref<4x!tpu.dma_semaphore, #tpu.memory_space<semaphore_mem>> -> memref<1x!tpu.dma_semaphore, #tpu.memory_space<semaphore_mem>>
    %dma_wait3A_639 = tpu.memref_squeeze %dma_wait3A_638 : memref<1x!tpu.dma_semaphore, #tpu.memory_space<semaphore_mem>> -> memref<!tpu.dma_semaphore, #tpu.memory_space<semaphore_mem>>
    %dma_wait3A_640 = arith.constant 0 : i32
    %dma_wait3A_641 = tpu.memref_slice %arg5[%add3A_613, %dma_wait3A_640] : memref<106496x128xf32, #tpu.memory_space<hbm>> -> memref<128x128xf32, #tpu.memory_space<hbm>>
    %dma_wait3A_642 = arith.constant 0 : i32
    %dma_wait3A_643 = arith.constant 0 : i32
    %dma_wait3A_644 = tpu.memref_slice %arg9[%dma_wait3A_630, %dma_wait3A_642, %dma_wait3A_643] : memref<4x128x128xf32, #tpu.memory_space<vmem>> -> memref<1x128x128xf32, #tpu.memory_space<vmem>>
    %dma_wait3A_645 = tpu.memref_squeeze %dma_wait3A_644 : memref<1x128x128xf32, #tpu.memory_space<vmem>> -> memref<128x128xf32, #tpu.memory_space<vmem>>
    tpu.wait_dma2 semaphore(%dma_wait3A_639 : memref<!tpu.dma_semaphore, #tpu.memory_space<semaphore_mem>>) src(%dma_wait3A_645 : memref<128x128xf32, #tpu.memory_space<vmem>>) dst(%dma_wait3A_641 : memref<128x128xf32, #tpu.memory_space<hbm>>)
    %dma_start3A_646 = arith.constant 1 : i32
    %dma_start3A_647 = arith.constant 1 : i32
    %dma_start3A_648 = arith.constant 0 : i32
    %dma_start3A_649 = arith.constant 0 : i32
    %dma_start3A_650 = tpu.memref_slice %arg9[%dma_start3A_646, %dma_start3A_648, %dma_start3A_649] : memref<4x128x128xf32, #tpu.memory_space<vmem>> -> memref<1x128x128xf32, #tpu.memory_space<vmem>>
    %dma_start3A_651 = tpu.memref_squeeze %dma_start3A_650 : memref<1x128x128xf32, #tpu.memory_space<vmem>> -> memref<128x128xf32, #tpu.memory_space<vmem>>
    %dma_start3A_652 = arith.constant 1664 : i32
    %dma_start3A_653 = tpu.memref_slice %arg8[%dma_start3A_652] : memref<3328xi32, #tpu.memory_space<vmem>> -> memref<128xi32, #tpu.memory_space<vmem>>
    %dma_start3A_654 = arith.constant 0 : i32
    %dma_start3A_655 = arith.constant 0 : i32
    %dma_start3A_656 = tpu.memref_slice %arg4[%dma_start3A_654, %dma_start3A_655] : memref<1004x128xf32, #tpu.memory_space<hbm>> -> memref<1004x128xf32, #tpu.memory_space<hbm>>
    %dma_start3A_657 = tpu.memref_slice %arg10[%dma_start3A_647] : memref<4x!tpu.dma_semaphore, #tpu.memory_space<semaphore_mem>> -> memref<1x!tpu.dma_semaphore, #tpu.memory_space<semaphore_mem>>
    %dma_start3A_658 = tpu.memref_squeeze %dma_start3A_657 : memref<1x!tpu.dma_semaphore, #tpu.memory_space<semaphore_mem>> -> memref<!tpu.dma_semaphore, #tpu.memory_space<semaphore_mem>>
    tpu.enqueue_indirect_dma source(%dma_start3A_656 : memref<1004x128xf32, #tpu.memory_space<hbm>>) target(%dma_start3A_651 : memref<128x128xf32, #tpu.memory_space<vmem>>) offsets(%dma_start3A_653 : memref<128xi32, #tpu.memory_space<vmem>>) semaphore(%dma_start3A_658 : memref<!tpu.dma_semaphore, #tpu.memory_space<semaphore_mem>>)
    %dma_wait3A_659 = arith.constant 2 : i32
    %dma_wait3A_660 = arith.constant 2 : i32
    %dma_wait3A_661 = arith.constant 0 : i32
    %dma_wait3A_662 = arith.constant 0 : i32
    %dma_wait3A_663 = tpu.memref_slice %arg9[%dma_wait3A_659, %dma_wait3A_661, %dma_wait3A_662] : memref<4x128x128xf32, #tpu.memory_space<vmem>> -> memref<1x128x128xf32, #tpu.memory_space<vmem>>
    %dma_wait3A_664 = tpu.memref_squeeze %dma_wait3A_663 : memref<1x128x128xf32, #tpu.memory_space<vmem>> -> memref<128x128xf32, #tpu.memory_space<vmem>>
    %dma_wait3A_665 = arith.constant 1280 : i32
    %dma_wait3A_666 = tpu.memref_slice %arg8[%dma_wait3A_665] : memref<3328xi32, #tpu.memory_space<vmem>> -> memref<128xi32, #tpu.memory_space<vmem>>
    %dma_wait3A_667 = arith.constant 0 : i32
    %dma_wait3A_668 = arith.constant 0 : i32
    %dma_wait3A_669 = tpu.memref_slice %arg4[%dma_wait3A_667, %dma_wait3A_668] : memref<1004x128xf32, #tpu.memory_space<hbm>> -> memref<1004x128xf32, #tpu.memory_space<hbm>>
    %dma_wait3A_670 = tpu.memref_slice %arg10[%dma_wait3A_660] : memref<4x!tpu.dma_semaphore, #tpu.memory_space<semaphore_mem>> -> memref<1x!tpu.dma_semaphore, #tpu.memory_space<semaphore_mem>>
    %dma_wait3A_671 = tpu.memref_squeeze %dma_wait3A_670 : memref<1x!tpu.dma_semaphore, #tpu.memory_space<semaphore_mem>> -> memref<!tpu.dma_semaphore, #tpu.memory_space<semaphore_mem>>
    tpu.wait_indirect_dma semaphore(%dma_wait3A_671 : memref<!tpu.dma_semaphore, #tpu.memory_space<semaphore_mem>>) src(%dma_wait3A_669 : memref<1004x128xf32, #tpu.memory_space<hbm>>) dst(%dma_wait3A_664 : memref<128x128xf32, #tpu.memory_space<vmem>>)
    %add3A_672 = arith.constant 1280 : i32
    %add3A_673 = arith.addi %mul3A_2, %add3A_672 : i32
    %dma_start3A_674 = arith.constant 2 : i32
    %dma_start3A_675 = arith.constant 2 : i32
    %dma_start3A_676 = arith.constant 0 : i32
    %dma_start3A_677 = arith.constant 0 : i32
    %dma_start3A_678 = tpu.memref_slice %arg9[%dma_start3A_674, %dma_start3A_676, %dma_start3A_677] : memref<4x128x128xf32, #tpu.memory_space<vmem>> -> memref<1x128x128xf32, #tpu.memory_space<vmem>>
    %dma_start3A_679 = tpu.memref_squeeze %dma_start3A_678 : memref<1x128x128xf32, #tpu.memory_space<vmem>> -> memref<128x128xf32, #tpu.memory_space<vmem>>
    %dma_start3A_680 = arith.constant 0 : i32
    %dma_start3A_681 = tpu.memref_slice %arg5[%add3A_673, %dma_start3A_680] : memref<106496x128xf32, #tpu.memory_space<hbm>> -> memref<128x128xf32, #tpu.memory_space<hbm>>
    %dma_start3A_682 = tpu.memref_slice %arg11[%dma_start3A_675] : memref<4x!tpu.dma_semaphore, #tpu.memory_space<semaphore_mem>> -> memref<1x!tpu.dma_semaphore, #tpu.memory_space<semaphore_mem>>
    %dma_start3A_683 = tpu.memref_squeeze %dma_start3A_682 : memref<1x!tpu.dma_semaphore, #tpu.memory_space<semaphore_mem>> -> memref<!tpu.dma_semaphore, #tpu.memory_space<semaphore_mem>>
    %dma_start3A_684 = arith.constant 0 : i32
    %dma_start3A_685 = tpu.memref_slice %arg5[%add3A_673, %dma_start3A_684] : memref<106496x128xf32, #tpu.memory_space<hbm>> -> memref<128x128xf32, #tpu.memory_space<hbm>>
    %dma_start3A_686 = arith.constant 0 : i32
    %dma_start3A_687 = arith.constant 0 : i32
    %dma_start3A_688 = tpu.memref_slice %arg9[%dma_start3A_674, %dma_start3A_686, %dma_start3A_687] : memref<4x128x128xf32, #tpu.memory_space<vmem>> -> memref<1x128x128xf32, #tpu.memory_space<vmem>>
    %dma_start3A_689 = tpu.memref_squeeze %dma_start3A_688 : memref<1x128x128xf32, #tpu.memory_space<vmem>> -> memref<128x128xf32, #tpu.memory_space<vmem>>
    tpu.enqueue_dma source(%dma_start3A_689 : memref<128x128xf32, #tpu.memory_space<vmem>>) target(%dma_start3A_685 : memref<128x128xf32, #tpu.memory_space<hbm>>) target_semaphore(%dma_start3A_683 : memref<!tpu.dma_semaphore, #tpu.memory_space<semaphore_mem>>)
    %dma_wait3A_690 = arith.constant 2 : i32
    %dma_wait3A_691 = arith.constant 2 : i32
    %dma_wait3A_692 = arith.constant 0 : i32
    %dma_wait3A_693 = arith.constant 0 : i32
    %dma_wait3A_694 = tpu.memref_slice %arg9[%dma_wait3A_690, %dma_wait3A_692, %dma_wait3A_693] : memref<4x128x128xf32, #tpu.memory_space<vmem>> -> memref<1x128x128xf32, #tpu.memory_space<vmem>>
    %dma_wait3A_695 = tpu.memref_squeeze %dma_wait3A_694 : memref<1x128x128xf32, #tpu.memory_space<vmem>> -> memref<128x128xf32, #tpu.memory_space<vmem>>
    %dma_wait3A_696 = arith.constant 0 : i32
    %dma_wait3A_697 = tpu.memref_slice %arg5[%add3A_673, %dma_wait3A_696] : memref<106496x128xf32, #tpu.memory_space<hbm>> -> memref<128x128xf32, #tpu.memory_space<hbm>>
    %dma_wait3A_698 = tpu.memref_slice %arg11[%dma_wait3A_691] : memref<4x!tpu.dma_semaphore, #tpu.memory_space<semaphore_mem>> -> memref<1x!tpu.dma_semaphore, #tpu.memory_space<semaphore_mem>>
    %dma_wait3A_699 = tpu.memref_squeeze %dma_wait3A_698 : memref<1x!tpu.dma_semaphore, #tpu.memory_space<semaphore_mem>> -> memref<!tpu.dma_semaphore, #tpu.memory_space<semaphore_mem>>
    %dma_wait3A_700 = arith.constant 0 : i32
    %dma_wait3A_701 = tpu.memref_slice %arg5[%add3A_673, %dma_wait3A_700] : memref<106496x128xf32, #tpu.memory_space<hbm>> -> memref<128x128xf32, #tpu.memory_space<hbm>>
    %dma_wait3A_702 = arith.constant 0 : i32
    %dma_wait3A_703 = arith.constant 0 : i32
    %dma_wait3A_704 = tpu.memref_slice %arg9[%dma_wait3A_690, %dma_wait3A_702, %dma_wait3A_703] : memref<4x128x128xf32, #tpu.memory_space<vmem>> -> memref<1x128x128xf32, #tpu.memory_space<vmem>>
    %dma_wait3A_705 = tpu.memref_squeeze %dma_wait3A_704 : memref<1x128x128xf32, #tpu.memory_space<vmem>> -> memref<128x128xf32, #tpu.memory_space<vmem>>
    tpu.wait_dma2 semaphore(%dma_wait3A_699 : memref<!tpu.dma_semaphore, #tpu.memory_space<semaphore_mem>>) src(%dma_wait3A_705 : memref<128x128xf32, #tpu.memory_space<vmem>>) dst(%dma_wait3A_701 : memref<128x128xf32, #tpu.memory_space<hbm>>)
    %dma_start3A_706 = arith.constant 2 : i32
    %dma_start3A_707 = arith.constant 2 : i32
    %dma_start3A_708 = arith.constant 0 : i32
    %dma_start3A_709 = arith.constant 0 : i32
    %dma_start3A_710 = tpu.memref_slice %arg9[%dma_start3A_706, %dma_start3A_708, %dma_start3A_709] : memref<4x128x128xf32, #tpu.memory_space<vmem>> -> memref<1x128x128xf32, #tpu.memory_space<vmem>>
    %dma_start3A_711 = tpu.memref_squeeze %dma_start3A_710 : memref<1x128x128xf32, #tpu.memory_space<vmem>> -> memref<128x128xf32, #tpu.memory_space<vmem>>
    %dma_start3A_712 = arith.constant 1792 : i32
    %dma_start3A_713 = tpu.memref_slice %arg8[%dma_start3A_712] : memref<3328xi32, #tpu.memory_space<vmem>> -> memref<128xi32, #tpu.memory_space<vmem>>
    %dma_start3A_714 = arith.constant 0 : i32
    %dma_start3A_715 = arith.constant 0 : i32
    %dma_start3A_716 = tpu.memref_slice %arg4[%dma_start3A_714, %dma_start3A_715] : memref<1004x128xf32, #tpu.memory_space<hbm>> -> memref<1004x128xf32, #tpu.memory_space<hbm>>
    %dma_start3A_717 = tpu.memref_slice %arg10[%dma_start3A_707] : memref<4x!tpu.dma_semaphore, #tpu.memory_space<semaphore_mem>> -> memref<1x!tpu.dma_semaphore, #tpu.memory_space<semaphore_mem>>
    %dma_start3A_718 = tpu.memref_squeeze %dma_start3A_717 : memref<1x!tpu.dma_semaphore, #tpu.memory_space<semaphore_mem>> -> memref<!tpu.dma_semaphore, #tpu.memory_space<semaphore_mem>>
    tpu.enqueue_indirect_dma source(%dma_start3A_716 : memref<1004x128xf32, #tpu.memory_space<hbm>>) target(%dma_start3A_711 : memref<128x128xf32, #tpu.memory_space<vmem>>) offsets(%dma_start3A_713 : memref<128xi32, #tpu.memory_space<vmem>>) semaphore(%dma_start3A_718 : memref<!tpu.dma_semaphore, #tpu.memory_space<semaphore_mem>>)
    %dma_wait3A_719 = arith.constant 3 : i32
    %dma_wait3A_720 = arith.constant 3 : i32
    %dma_wait3A_721 = arith.constant 0 : i32
    %dma_wait3A_722 = arith.constant 0 : i32
    %dma_wait3A_723 = tpu.memref_slice %arg9[%dma_wait3A_719, %dma_wait3A_721, %dma_wait3A_722] : memref<4x128x128xf32, #tpu.memory_space<vmem>> -> memref<1x128x128xf32, #tpu.memory_space<vmem>>
    %dma_wait3A_724 = tpu.memref_squeeze %dma_wait3A_723 : memref<1x128x128xf32, #tpu.memory_space<vmem>> -> memref<128x128xf32, #tpu.memory_space<vmem>>
    %dma_wait3A_725 = arith.constant 1408 : i32
    %dma_wait3A_726 = tpu.memref_slice %arg8[%dma_wait3A_725] : memref<3328xi32, #tpu.memory_space<vmem>> -> memref<128xi32, #tpu.memory_space<vmem>>
    %dma_wait3A_727 = arith.constant 0 : i32
    %dma_wait3A_728 = arith.constant 0 : i32
    %dma_wait3A_729 = tpu.memref_slice %arg4[%dma_wait3A_727, %dma_wait3A_728] : memref<1004x128xf32, #tpu.memory_space<hbm>> -> memref<1004x128xf32, #tpu.memory_space<hbm>>
    %dma_wait3A_730 = tpu.memref_slice %arg10[%dma_wait3A_720] : memref<4x!tpu.dma_semaphore, #tpu.memory_space<semaphore_mem>> -> memref<1x!tpu.dma_semaphore, #tpu.memory_space<semaphore_mem>>
    %dma_wait3A_731 = tpu.memref_squeeze %dma_wait3A_730 : memref<1x!tpu.dma_semaphore, #tpu.memory_space<semaphore_mem>> -> memref<!tpu.dma_semaphore, #tpu.memory_space<semaphore_mem>>
    tpu.wait_indirect_dma semaphore(%dma_wait3A_731 : memref<!tpu.dma_semaphore, #tpu.memory_space<semaphore_mem>>) src(%dma_wait3A_729 : memref<1004x128xf32, #tpu.memory_space<hbm>>) dst(%dma_wait3A_724 : memref<128x128xf32, #tpu.memory_space<vmem>>)
    %add3A_732 = arith.constant 1408 : i32
    %add3A_733 = arith.addi %mul3A_2, %add3A_732 : i32
    %dma_start3A_734 = arith.constant 3 : i32
    %dma_start3A_735 = arith.constant 3 : i32
    %dma_start3A_736 = arith.constant 0 : i32
    %dma_start3A_737 = arith.constant 0 : i32
    %dma_start3A_738 = tpu.memref_slice %arg9[%dma_start3A_734, %dma_start3A_736, %dma_start3A_737] : memref<4x128x128xf32, #tpu.memory_space<vmem>> -> memref<1x128x128xf32, #tpu.memory_space<vmem>>
    %dma_start3A_739 = tpu.memref_squeeze %dma_start3A_738 : memref<1x128x128xf32, #tpu.memory_space<vmem>> -> memref<128x128xf32, #tpu.memory_space<vmem>>
    %dma_start3A_740 = arith.constant 0 : i32
    %dma_start3A_741 = tpu.memref_slice %arg5[%add3A_733, %dma_start3A_740] : memref<106496x128xf32, #tpu.memory_space<hbm>> -> memref<128x128xf32, #tpu.memory_space<hbm>>
    %dma_start3A_742 = tpu.memref_slice %arg11[%dma_start3A_735] : memref<4x!tpu.dma_semaphore, #tpu.memory_space<semaphore_mem>> -> memref<1x!tpu.dma_semaphore, #tpu.memory_space<semaphore_mem>>
    %dma_start3A_743 = tpu.memref_squeeze %dma_start3A_742 : memref<1x!tpu.dma_semaphore, #tpu.memory_space<semaphore_mem>> -> memref<!tpu.dma_semaphore, #tpu.memory_space<semaphore_mem>>
    %dma_start3A_744 = arith.constant 0 : i32
    %dma_start3A_745 = tpu.memref_slice %arg5[%add3A_733, %dma_start3A_744] : memref<106496x128xf32, #tpu.memory_space<hbm>> -> memref<128x128xf32, #tpu.memory_space<hbm>>
    %dma_start3A_746 = arith.constant 0 : i32
    %dma_start3A_747 = arith.constant 0 : i32
    %dma_start3A_748 = tpu.memref_slice %arg9[%dma_start3A_734, %dma_start3A_746, %dma_start3A_747] : memref<4x128x128xf32, #tpu.memory_space<vmem>> -> memref<1x128x128xf32, #tpu.memory_space<vmem>>
    %dma_start3A_749 = tpu.memref_squeeze %dma_start3A_748 : memref<1x128x128xf32, #tpu.memory_space<vmem>> -> memref<128x128xf32, #tpu.memory_space<vmem>>
    tpu.enqueue_dma source(%dma_start3A_749 : memref<128x128xf32, #tpu.memory_space<vmem>>) target(%dma_start3A_745 : memref<128x128xf32, #tpu.memory_space<hbm>>) target_semaphore(%dma_start3A_743 : memref<!tpu.dma_semaphore, #tpu.memory_space<semaphore_mem>>)
    %dma_wait3A_750 = arith.constant 3 : i32
    %dma_wait3A_751 = arith.constant 3 : i32
    %dma_wait3A_752 = arith.constant 0 : i32
    %dma_wait3A_753 = arith.constant 0 : i32
    %dma_wait3A_754 = tpu.memref_slice %arg9[%dma_wait3A_750, %dma_wait3A_752, %dma_wait3A_753] : memref<4x128x128xf32, #tpu.memory_space<vmem>> -> memref<1x128x128xf32, #tpu.memory_space<vmem>>
    %dma_wait3A_755 = tpu.memref_squeeze %dma_wait3A_754 : memref<1x128x128xf32, #tpu.memory_space<vmem>> -> memref<128x128xf32, #tpu.memory_space<vmem>>
    %dma_wait3A_756 = arith.constant 0 : i32
    %dma_wait3A_757 = tpu.memref_slice %arg5[%add3A_733, %dma_wait3A_756] : memref<106496x128xf32, #tpu.memory_space<hbm>> -> memref<128x128xf32, #tpu.memory_space<hbm>>
    %dma_wait3A_758 = tpu.memref_slice %arg11[%dma_wait3A_751] : memref<4x!tpu.dma_semaphore, #tpu.memory_space<semaphore_mem>> -> memref<1x!tpu.dma_semaphore, #tpu.memory_space<semaphore_mem>>
    %dma_wait3A_759 = tpu.memref_squeeze %dma_wait3A_758 : memref<1x!tpu.dma_semaphore, #tpu.memory_space<semaphore_mem>> -> memref<!tpu.dma_semaphore, #tpu.memory_space<semaphore_mem>>
    %dma_wait3A_760 = arith.constant 0 : i32
    %dma_wait3A_761 = tpu.memref_slice %arg5[%add3A_733, %dma_wait3A_760] : memref<106496x128xf32, #tpu.memory_space<hbm>> -> memref<128x128xf32, #tpu.memory_space<hbm>>
    %dma_wait3A_762 = arith.constant 0 : i32
    %dma_wait3A_763 = arith.constant 0 : i32
    %dma_wait3A_764 = tpu.memref_slice %arg9[%dma_wait3A_750, %dma_wait3A_762, %dma_wait3A_763] : memref<4x128x128xf32, #tpu.memory_space<vmem>> -> memref<1x128x128xf32, #tpu.memory_space<vmem>>
    %dma_wait3A_765 = tpu.memref_squeeze %dma_wait3A_764 : memref<1x128x128xf32, #tpu.memory_space<vmem>> -> memref<128x128xf32, #tpu.memory_space<vmem>>
    tpu.wait_dma2 semaphore(%dma_wait3A_759 : memref<!tpu.dma_semaphore, #tpu.memory_space<semaphore_mem>>) src(%dma_wait3A_765 : memref<128x128xf32, #tpu.memory_space<vmem>>) dst(%dma_wait3A_761 : memref<128x128xf32, #tpu.memory_space<hbm>>)
    %dma_start3A_766 = arith.constant 3 : i32
    %dma_start3A_767 = arith.constant 3 : i32
    %dma_start3A_768 = arith.constant 0 : i32
    %dma_start3A_769 = arith.constant 0 : i32
    %dma_start3A_770 = tpu.memref_slice %arg9[%dma_start3A_766, %dma_start3A_768, %dma_start3A_769] : memref<4x128x128xf32, #tpu.memory_space<vmem>> -> memref<1x128x128xf32, #tpu.memory_space<vmem>>
    %dma_start3A_771 = tpu.memref_squeeze %dma_start3A_770 : memref<1x128x128xf32, #tpu.memory_space<vmem>> -> memref<128x128xf32, #tpu.memory_space<vmem>>
    %dma_start3A_772 = arith.constant 1920 : i32
    %dma_start3A_773 = tpu.memref_slice %arg8[%dma_start3A_772] : memref<3328xi32, #tpu.memory_space<vmem>> -> memref<128xi32, #tpu.memory_space<vmem>>
    %dma_start3A_774 = arith.constant 0 : i32
    %dma_start3A_775 = arith.constant 0 : i32
    %dma_start3A_776 = tpu.memref_slice %arg4[%dma_start3A_774, %dma_start3A_775] : memref<1004x128xf32, #tpu.memory_space<hbm>> -> memref<1004x128xf32, #tpu.memory_space<hbm>>
    %dma_start3A_777 = tpu.memref_slice %arg10[%dma_start3A_767] : memref<4x!tpu.dma_semaphore, #tpu.memory_space<semaphore_mem>> -> memref<1x!tpu.dma_semaphore, #tpu.memory_space<semaphore_mem>>
    %dma_start3A_778 = tpu.memref_squeeze %dma_start3A_777 : memref<1x!tpu.dma_semaphore, #tpu.memory_space<semaphore_mem>> -> memref<!tpu.dma_semaphore, #tpu.memory_space<semaphore_mem>>
    tpu.enqueue_indirect_dma source(%dma_start3A_776 : memref<1004x128xf32, #tpu.memory_space<hbm>>) target(%dma_start3A_771 : memref<128x128xf32, #tpu.memory_space<vmem>>) offsets(%dma_start3A_773 : memref<128xi32, #tpu.memory_space<vmem>>) semaphore(%dma_start3A_778 : memref<!tpu.dma_semaphore, #tpu.memory_space<semaphore_mem>>)
    %dma_wait3A_779 = arith.constant 0 : i32
    %dma_wait3A_780 = arith.constant 0 : i32
    %dma_wait3A_781 = arith.constant 0 : i32
    %dma_wait3A_782 = arith.constant 0 : i32
    %dma_wait3A_783 = tpu.memref_slice %arg9[%dma_wait3A_779, %dma_wait3A_781, %dma_wait3A_782] : memref<4x128x128xf32, #tpu.memory_space<vmem>> -> memref<1x128x128xf32, #tpu.memory_space<vmem>>
    %dma_wait3A_784 = tpu.memref_squeeze %dma_wait3A_783 : memref<1x128x128xf32, #tpu.memory_space<vmem>> -> memref<128x128xf32, #tpu.memory_space<vmem>>
    %dma_wait3A_785 = arith.constant 1536 : i32
    %dma_wait3A_786 = tpu.memref_slice %arg8[%dma_wait3A_785] : memref<3328xi32, #tpu.memory_space<vmem>> -> memref<128xi32, #tpu.memory_space<vmem>>
    %dma_wait3A_787 = arith.constant 0 : i32
    %dma_wait3A_788 = arith.constant 0 : i32
    %dma_wait3A_789 = tpu.memref_slice %arg4[%dma_wait3A_787, %dma_wait3A_788] : memref<1004x128xf32, #tpu.memory_space<hbm>> -> memref<1004x128xf32, #tpu.memory_space<hbm>>
    %dma_wait3A_790 = tpu.memref_slice %arg10[%dma_wait3A_780] : memref<4x!tpu.dma_semaphore, #tpu.memory_space<semaphore_mem>> -> memref<1x!tpu.dma_semaphore, #tpu.memory_space<semaphore_mem>>
    %dma_wait3A_791 = tpu.memref_squeeze %dma_wait3A_790 : memref<1x!tpu.dma_semaphore, #tpu.memory_space<semaphore_mem>> -> memref<!tpu.dma_semaphore, #tpu.memory_space<semaphore_mem>>
    tpu.wait_indirect_dma semaphore(%dma_wait3A_791 : memref<!tpu.dma_semaphore, #tpu.memory_space<semaphore_mem>>) src(%dma_wait3A_789 : memref<1004x128xf32, #tpu.memory_space<hbm>>) dst(%dma_wait3A_784 : memref<128x128xf32, #tpu.memory_space<vmem>>)
    %add3A_792 = arith.constant 1536 : i32
    %add3A_793 = arith.addi %mul3A_2, %add3A_792 : i32
    %dma_start3A_794 = arith.constant 0 : i32
    %dma_start3A_795 = arith.constant 0 : i32
    %dma_start3A_796 = arith.constant 0 : i32
    %dma_start3A_797 = arith.constant 0 : i32
    %dma_start3A_798 = tpu.memref_slice %arg9[%dma_start3A_794, %dma_start3A_796, %dma_start3A_797] : memref<4x128x128xf32, #tpu.memory_space<vmem>> -> memref<1x128x128xf32, #tpu.memory_space<vmem>>
    %dma_start3A_799 = tpu.memref_squeeze %dma_start3A_798 : memref<1x128x128xf32, #tpu.memory_space<vmem>> -> memref<128x128xf32, #tpu.memory_space<vmem>>
    %dma_start3A_800 = arith.constant 0 : i32
    %dma_start3A_801 = tpu.memref_slice %arg5[%add3A_793, %dma_start3A_800] : memref<106496x128xf32, #tpu.memory_space<hbm>> -> memref<128x128xf32, #tpu.memory_space<hbm>>
    %dma_start3A_802 = tpu.memref_slice %arg11[%dma_start3A_795] : memref<4x!tpu.dma_semaphore, #tpu.memory_space<semaphore_mem>> -> memref<1x!tpu.dma_semaphore, #tpu.memory_space<semaphore_mem>>
    %dma_start3A_803 = tpu.memref_squeeze %dma_start3A_802 : memref<1x!tpu.dma_semaphore, #tpu.memory_space<semaphore_mem>> -> memref<!tpu.dma_semaphore, #tpu.memory_space<semaphore_mem>>
    %dma_start3A_804 = arith.constant 0 : i32
    %dma_start3A_805 = tpu.memref_slice %arg5[%add3A_793, %dma_start3A_804] : memref<106496x128xf32, #tpu.memory_space<hbm>> -> memref<128x128xf32, #tpu.memory_space<hbm>>
    %dma_start3A_806 = arith.constant 0 : i32
    %dma_start3A_807 = arith.constant 0 : i32
    %dma_start3A_808 = tpu.memref_slice %arg9[%dma_start3A_794, %dma_start3A_806, %dma_start3A_807] : memref<4x128x128xf32, #tpu.memory_space<vmem>> -> memref<1x128x128xf32, #tpu.memory_space<vmem>>
    %dma_start3A_809 = tpu.memref_squeeze %dma_start3A_808 : memref<1x128x128xf32, #tpu.memory_space<vmem>> -> memref<128x128xf32, #tpu.memory_space<vmem>>
    tpu.enqueue_dma source(%dma_start3A_809 : memref<128x128xf32, #tpu.memory_space<vmem>>) target(%dma_start3A_805 : memref<128x128xf32, #tpu.memory_space<hbm>>) target_semaphore(%dma_start3A_803 : memref<!tpu.dma_semaphore, #tpu.memory_space<semaphore_mem>>)
    %dma_wait3A_810 = arith.constant 0 : i32
    %dma_wait3A_811 = arith.constant 0 : i32
    %dma_wait3A_812 = arith.constant 0 : i32
    %dma_wait3A_813 = arith.constant 0 : i32
    %dma_wait3A_814 = tpu.memref_slice %arg9[%dma_wait3A_810, %dma_wait3A_812, %dma_wait3A_813] : memref<4x128x128xf32, #tpu.memory_space<vmem>> -> memref<1x128x128xf32, #tpu.memory_space<vmem>>
    %dma_wait3A_815 = tpu.memref_squeeze %dma_wait3A_814 : memref<1x128x128xf32, #tpu.memory_space<vmem>> -> memref<128x128xf32, #tpu.memory_space<vmem>>
    %dma_wait3A_816 = arith.constant 0 : i32
    %dma_wait3A_817 = tpu.memref_slice %arg5[%add3A_793, %dma_wait3A_816] : memref<106496x128xf32, #tpu.memory_space<hbm>> -> memref<128x128xf32, #tpu.memory_space<hbm>>
    %dma_wait3A_818 = tpu.memref_slice %arg11[%dma_wait3A_811] : memref<4x!tpu.dma_semaphore, #tpu.memory_space<semaphore_mem>> -> memref<1x!tpu.dma_semaphore, #tpu.memory_space<semaphore_mem>>
    %dma_wait3A_819 = tpu.memref_squeeze %dma_wait3A_818 : memref<1x!tpu.dma_semaphore, #tpu.memory_space<semaphore_mem>> -> memref<!tpu.dma_semaphore, #tpu.memory_space<semaphore_mem>>
    %dma_wait3A_820 = arith.constant 0 : i32
    %dma_wait3A_821 = tpu.memref_slice %arg5[%add3A_793, %dma_wait3A_820] : memref<106496x128xf32, #tpu.memory_space<hbm>> -> memref<128x128xf32, #tpu.memory_space<hbm>>
    %dma_wait3A_822 = arith.constant 0 : i32
    %dma_wait3A_823 = arith.constant 0 : i32
    %dma_wait3A_824 = tpu.memref_slice %arg9[%dma_wait3A_810, %dma_wait3A_822, %dma_wait3A_823] : memref<4x128x128xf32, #tpu.memory_space<vmem>> -> memref<1x128x128xf32, #tpu.memory_space<vmem>>
    %dma_wait3A_825 = tpu.memref_squeeze %dma_wait3A_824 : memref<1x128x128xf32, #tpu.memory_space<vmem>> -> memref<128x128xf32, #tpu.memory_space<vmem>>
    tpu.wait_dma2 semaphore(%dma_wait3A_819 : memref<!tpu.dma_semaphore, #tpu.memory_space<semaphore_mem>>) src(%dma_wait3A_825 : memref<128x128xf32, #tpu.memory_space<vmem>>) dst(%dma_wait3A_821 : memref<128x128xf32, #tpu.memory_space<hbm>>)
    %dma_start3A_826 = arith.constant 0 : i32
    %dma_start3A_827 = arith.constant 0 : i32
    %dma_start3A_828 = arith.constant 0 : i32
    %dma_start3A_829 = arith.constant 0 : i32
    %dma_start3A_830 = tpu.memref_slice %arg9[%dma_start3A_826, %dma_start3A_828, %dma_start3A_829] : memref<4x128x128xf32, #tpu.memory_space<vmem>> -> memref<1x128x128xf32, #tpu.memory_space<vmem>>
    %dma_start3A_831 = tpu.memref_squeeze %dma_start3A_830 : memref<1x128x128xf32, #tpu.memory_space<vmem>> -> memref<128x128xf32, #tpu.memory_space<vmem>>
    %dma_start3A_832 = arith.constant 2048 : i32
    %dma_start3A_833 = tpu.memref_slice %arg8[%dma_start3A_832] : memref<3328xi32, #tpu.memory_space<vmem>> -> memref<128xi32, #tpu.memory_space<vmem>>
    %dma_start3A_834 = arith.constant 0 : i32
    %dma_start3A_835 = arith.constant 0 : i32
    %dma_start3A_836 = tpu.memref_slice %arg4[%dma_start3A_834, %dma_start3A_835] : memref<1004x128xf32, #tpu.memory_space<hbm>> -> memref<1004x128xf32, #tpu.memory_space<hbm>>
    %dma_start3A_837 = tpu.memref_slice %arg10[%dma_start3A_827] : memref<4x!tpu.dma_semaphore, #tpu.memory_space<semaphore_mem>> -> memref<1x!tpu.dma_semaphore, #tpu.memory_space<semaphore_mem>>
    %dma_start3A_838 = tpu.memref_squeeze %dma_start3A_837 : memref<1x!tpu.dma_semaphore, #tpu.memory_space<semaphore_mem>> -> memref<!tpu.dma_semaphore, #tpu.memory_space<semaphore_mem>>
    tpu.enqueue_indirect_dma source(%dma_start3A_836 : memref<1004x128xf32, #tpu.memory_space<hbm>>) target(%dma_start3A_831 : memref<128x128xf32, #tpu.memory_space<vmem>>) offsets(%dma_start3A_833 : memref<128xi32, #tpu.memory_space<vmem>>) semaphore(%dma_start3A_838 : memref<!tpu.dma_semaphore, #tpu.memory_space<semaphore_mem>>)
    %dma_wait3A_839 = arith.constant 1 : i32
    %dma_wait3A_840 = arith.constant 1 : i32
    %dma_wait3A_841 = arith.constant 0 : i32
    %dma_wait3A_842 = arith.constant 0 : i32
    %dma_wait3A_843 = tpu.memref_slice %arg9[%dma_wait3A_839, %dma_wait3A_841, %dma_wait3A_842] : memref<4x128x128xf32, #tpu.memory_space<vmem>> -> memref<1x128x128xf32, #tpu.memory_space<vmem>>
    %dma_wait3A_844 = tpu.memref_squeeze %dma_wait3A_843 : memref<1x128x128xf32, #tpu.memory_space<vmem>> -> memref<128x128xf32, #tpu.memory_space<vmem>>
    %dma_wait3A_845 = arith.constant 1664 : i32
    %dma_wait3A_846 = tpu.memref_slice %arg8[%dma_wait3A_845] : memref<3328xi32, #tpu.memory_space<vmem>> -> memref<128xi32, #tpu.memory_space<vmem>>
    %dma_wait3A_847 = arith.constant 0 : i32
    %dma_wait3A_848 = arith.constant 0 : i32
    %dma_wait3A_849 = tpu.memref_slice %arg4[%dma_wait3A_847, %dma_wait3A_848] : memref<1004x128xf32, #tpu.memory_space<hbm>> -> memref<1004x128xf32, #tpu.memory_space<hbm>>
    %dma_wait3A_850 = tpu.memref_slice %arg10[%dma_wait3A_840] : memref<4x!tpu.dma_semaphore, #tpu.memory_space<semaphore_mem>> -> memref<1x!tpu.dma_semaphore, #tpu.memory_space<semaphore_mem>>
    %dma_wait3A_851 = tpu.memref_squeeze %dma_wait3A_850 : memref<1x!tpu.dma_semaphore, #tpu.memory_space<semaphore_mem>> -> memref<!tpu.dma_semaphore, #tpu.memory_space<semaphore_mem>>
    tpu.wait_indirect_dma semaphore(%dma_wait3A_851 : memref<!tpu.dma_semaphore, #tpu.memory_space<semaphore_mem>>) src(%dma_wait3A_849 : memref<1004x128xf32, #tpu.memory_space<hbm>>) dst(%dma_wait3A_844 : memref<128x128xf32, #tpu.memory_space<vmem>>)
    %add3A_852 = arith.constant 1664 : i32
    %add3A_853 = arith.addi %mul3A_2, %add3A_852 : i32
    %dma_start3A_854 = arith.constant 1 : i32
    %dma_start3A_855 = arith.constant 1 : i32
    %dma_start3A_856 = arith.constant 0 : i32
    %dma_start3A_857 = arith.constant 0 : i32
    %dma_start3A_858 = tpu.memref_slice %arg9[%dma_start3A_854, %dma_start3A_856, %dma_start3A_857] : memref<4x128x128xf32, #tpu.memory_space<vmem>> -> memref<1x128x128xf32, #tpu.memory_space<vmem>>
    %dma_start3A_859 = tpu.memref_squeeze %dma_start3A_858 : memref<1x128x128xf32, #tpu.memory_space<vmem>> -> memref<128x128xf32, #tpu.memory_space<vmem>>
    %dma_start3A_860 = arith.constant 0 : i32
    %dma_start3A_861 = tpu.memref_slice %arg5[%add3A_853, %dma_start3A_860] : memref<106496x128xf32, #tpu.memory_space<hbm>> -> memref<128x128xf32, #tpu.memory_space<hbm>>
    %dma_start3A_862 = tpu.memref_slice %arg11[%dma_start3A_855] : memref<4x!tpu.dma_semaphore, #tpu.memory_space<semaphore_mem>> -> memref<1x!tpu.dma_semaphore, #tpu.memory_space<semaphore_mem>>
    %dma_start3A_863 = tpu.memref_squeeze %dma_start3A_862 : memref<1x!tpu.dma_semaphore, #tpu.memory_space<semaphore_mem>> -> memref<!tpu.dma_semaphore, #tpu.memory_space<semaphore_mem>>
    %dma_start3A_864 = arith.constant 0 : i32
    %dma_start3A_865 = tpu.memref_slice %arg5[%add3A_853, %dma_start3A_864] : memref<106496x128xf32, #tpu.memory_space<hbm>> -> memref<128x128xf32, #tpu.memory_space<hbm>>
    %dma_start3A_866 = arith.constant 0 : i32
    %dma_start3A_867 = arith.constant 0 : i32
    %dma_start3A_868 = tpu.memref_slice %arg9[%dma_start3A_854, %dma_start3A_866, %dma_start3A_867] : memref<4x128x128xf32, #tpu.memory_space<vmem>> -> memref<1x128x128xf32, #tpu.memory_space<vmem>>
    %dma_start3A_869 = tpu.memref_squeeze %dma_start3A_868 : memref<1x128x128xf32, #tpu.memory_space<vmem>> -> memref<128x128xf32, #tpu.memory_space<vmem>>
    tpu.enqueue_dma source(%dma_start3A_869 : memref<128x128xf32, #tpu.memory_space<vmem>>) target(%dma_start3A_865 : memref<128x128xf32, #tpu.memory_space<hbm>>) target_semaphore(%dma_start3A_863 : memref<!tpu.dma_semaphore, #tpu.memory_space<semaphore_mem>>)
    %dma_wait3A_870 = arith.constant 1 : i32
    %dma_wait3A_871 = arith.constant 1 : i32
    %dma_wait3A_872 = arith.constant 0 : i32
    %dma_wait3A_873 = arith.constant 0 : i32
    %dma_wait3A_874 = tpu.memref_slice %arg9[%dma_wait3A_870, %dma_wait3A_872, %dma_wait3A_873] : memref<4x128x128xf32, #tpu.memory_space<vmem>> -> memref<1x128x128xf32, #tpu.memory_space<vmem>>
    %dma_wait3A_875 = tpu.memref_squeeze %dma_wait3A_874 : memref<1x128x128xf32, #tpu.memory_space<vmem>> -> memref<128x128xf32, #tpu.memory_space<vmem>>
    %dma_wait3A_876 = arith.constant 0 : i32
    %dma_wait3A_877 = tpu.memref_slice %arg5[%add3A_853, %dma_wait3A_876] : memref<106496x128xf32, #tpu.memory_space<hbm>> -> memref<128x128xf32, #tpu.memory_space<hbm>>
    %dma_wait3A_878 = tpu.memref_slice %arg11[%dma_wait3A_871] : memref<4x!tpu.dma_semaphore, #tpu.memory_space<semaphore_mem>> -> memref<1x!tpu.dma_semaphore, #tpu.memory_space<semaphore_mem>>
    %dma_wait3A_879 = tpu.memref_squeeze %dma_wait3A_878 : memref<1x!tpu.dma_semaphore, #tpu.memory_space<semaphore_mem>> -> memref<!tpu.dma_semaphore, #tpu.memory_space<semaphore_mem>>
    %dma_wait3A_880 = arith.constant 0 : i32
    %dma_wait3A_881 = tpu.memref_slice %arg5[%add3A_853, %dma_wait3A_880] : memref<106496x128xf32, #tpu.memory_space<hbm>> -> memref<128x128xf32, #tpu.memory_space<hbm>>
    %dma_wait3A_882 = arith.constant 0 : i32
    %dma_wait3A_883 = arith.constant 0 : i32
    %dma_wait3A_884 = tpu.memref_slice %arg9[%dma_wait3A_870, %dma_wait3A_882, %dma_wait3A_883] : memref<4x128x128xf32, #tpu.memory_space<vmem>> -> memref<1x128x128xf32, #tpu.memory_space<vmem>>
    %dma_wait3A_885 = tpu.memref_squeeze %dma_wait3A_884 : memref<1x128x128xf32, #tpu.memory_space<vmem>> -> memref<128x128xf32, #tpu.memory_space<vmem>>
    tpu.wait_dma2 semaphore(%dma_wait3A_879 : memref<!tpu.dma_semaphore, #tpu.memory_space<semaphore_mem>>) src(%dma_wait3A_885 : memref<128x128xf32, #tpu.memory_space<vmem>>) dst(%dma_wait3A_881 : memref<128x128xf32, #tpu.memory_space<hbm>>)
    %dma_start3A_886 = arith.constant 1 : i32
    %dma_start3A_887 = arith.constant 1 : i32
    %dma_start3A_888 = arith.constant 0 : i32
    %dma_start3A_889 = arith.constant 0 : i32
    %dma_start3A_890 = tpu.memref_slice %arg9[%dma_start3A_886, %dma_start3A_888, %dma_start3A_889] : memref<4x128x128xf32, #tpu.memory_space<vmem>> -> memref<1x128x128xf32, #tpu.memory_space<vmem>>
    %dma_start3A_891 = tpu.memref_squeeze %dma_start3A_890 : memref<1x128x128xf32, #tpu.memory_space<vmem>> -> memref<128x128xf32, #tpu.memory_space<vmem>>
    %dma_start3A_892 = arith.constant 2176 : i32
    %dma_start3A_893 = tpu.memref_slice %arg8[%dma_start3A_892] : memref<3328xi32, #tpu.memory_space<vmem>> -> memref<128xi32, #tpu.memory_space<vmem>>
    %dma_start3A_894 = arith.constant 0 : i32
    %dma_start3A_895 = arith.constant 0 : i32
    %dma_start3A_896 = tpu.memref_slice %arg4[%dma_start3A_894, %dma_start3A_895] : memref<1004x128xf32, #tpu.memory_space<hbm>> -> memref<1004x128xf32, #tpu.memory_space<hbm>>
    %dma_start3A_897 = tpu.memref_slice %arg10[%dma_start3A_887] : memref<4x!tpu.dma_semaphore, #tpu.memory_space<semaphore_mem>> -> memref<1x!tpu.dma_semaphore, #tpu.memory_space<semaphore_mem>>
    %dma_start3A_898 = tpu.memref_squeeze %dma_start3A_897 : memref<1x!tpu.dma_semaphore, #tpu.memory_space<semaphore_mem>> -> memref<!tpu.dma_semaphore, #tpu.memory_space<semaphore_mem>>
    tpu.enqueue_indirect_dma source(%dma_start3A_896 : memref<1004x128xf32, #tpu.memory_space<hbm>>) target(%dma_start3A_891 : memref<128x128xf32, #tpu.memory_space<vmem>>) offsets(%dma_start3A_893 : memref<128xi32, #tpu.memory_space<vmem>>) semaphore(%dma_start3A_898 : memref<!tpu.dma_semaphore, #tpu.memory_space<semaphore_mem>>)
    %dma_wait3A_899 = arith.constant 2 : i32
    %dma_wait3A_900 = arith.constant 2 : i32
    %dma_wait3A_901 = arith.constant 0 : i32
    %dma_wait3A_902 = arith.constant 0 : i32
    %dma_wait3A_903 = tpu.memref_slice %arg9[%dma_wait3A_899, %dma_wait3A_901, %dma_wait3A_902] : memref<4x128x128xf32, #tpu.memory_space<vmem>> -> memref<1x128x128xf32, #tpu.memory_space<vmem>>
    %dma_wait3A_904 = tpu.memref_squeeze %dma_wait3A_903 : memref<1x128x128xf32, #tpu.memory_space<vmem>> -> memref<128x128xf32, #tpu.memory_space<vmem>>
    %dma_wait3A_905 = arith.constant 1792 : i32
    %dma_wait3A_906 = tpu.memref_slice %arg8[%dma_wait3A_905] : memref<3328xi32, #tpu.memory_space<vmem>> -> memref<128xi32, #tpu.memory_space<vmem>>
    %dma_wait3A_907 = arith.constant 0 : i32
    %dma_wait3A_908 = arith.constant 0 : i32
    %dma_wait3A_909 = tpu.memref_slice %arg4[%dma_wait3A_907, %dma_wait3A_908] : memref<1004x128xf32, #tpu.memory_space<hbm>> -> memref<1004x128xf32, #tpu.memory_space<hbm>>
    %dma_wait3A_910 = tpu.memref_slice %arg10[%dma_wait3A_900] : memref<4x!tpu.dma_semaphore, #tpu.memory_space<semaphore_mem>> -> memref<1x!tpu.dma_semaphore, #tpu.memory_space<semaphore_mem>>
    %dma_wait3A_911 = tpu.memref_squeeze %dma_wait3A_910 : memref<1x!tpu.dma_semaphore, #tpu.memory_space<semaphore_mem>> -> memref<!tpu.dma_semaphore, #tpu.memory_space<semaphore_mem>>
    tpu.wait_indirect_dma semaphore(%dma_wait3A_911 : memref<!tpu.dma_semaphore, #tpu.memory_space<semaphore_mem>>) src(%dma_wait3A_909 : memref<1004x128xf32, #tpu.memory_space<hbm>>) dst(%dma_wait3A_904 : memref<128x128xf32, #tpu.memory_space<vmem>>)
    %add3A_912 = arith.constant 1792 : i32
    %add3A_913 = arith.addi %mul3A_2, %add3A_912 : i32
    %dma_start3A_914 = arith.constant 2 : i32
    %dma_start3A_915 = arith.constant 2 : i32
    %dma_start3A_916 = arith.constant 0 : i32
    %dma_start3A_917 = arith.constant 0 : i32
    %dma_start3A_918 = tpu.memref_slice %arg9[%dma_start3A_914, %dma_start3A_916, %dma_start3A_917] : memref<4x128x128xf32, #tpu.memory_space<vmem>> -> memref<1x128x128xf32, #tpu.memory_space<vmem>>
    %dma_start3A_919 = tpu.memref_squeeze %dma_start3A_918 : memref<1x128x128xf32, #tpu.memory_space<vmem>> -> memref<128x128xf32, #tpu.memory_space<vmem>>
    %dma_start3A_920 = arith.constant 0 : i32
    %dma_start3A_921 = tpu.memref_slice %arg5[%add3A_913, %dma_start3A_920] : memref<106496x128xf32, #tpu.memory_space<hbm>> -> memref<128x128xf32, #tpu.memory_space<hbm>>
    %dma_start3A_922 = tpu.memref_slice %arg11[%dma_start3A_915] : memref<4x!tpu.dma_semaphore, #tpu.memory_space<semaphore_mem>> -> memref<1x!tpu.dma_semaphore, #tpu.memory_space<semaphore_mem>>
    %dma_start3A_923 = tpu.memref_squeeze %dma_start3A_922 : memref<1x!tpu.dma_semaphore, #tpu.memory_space<semaphore_mem>> -> memref<!tpu.dma_semaphore, #tpu.memory_space<semaphore_mem>>
    %dma_start3A_924 = arith.constant 0 : i32
    %dma_start3A_925 = tpu.memref_slice %arg5[%add3A_913, %dma_start3A_924] : memref<106496x128xf32, #tpu.memory_space<hbm>> -> memref<128x128xf32, #tpu.memory_space<hbm>>
    %dma_start3A_926 = arith.constant 0 : i32
    %dma_start3A_927 = arith.constant 0 : i32
    %dma_start3A_928 = tpu.memref_slice %arg9[%dma_start3A_914, %dma_start3A_926, %dma_start3A_927] : memref<4x128x128xf32, #tpu.memory_space<vmem>> -> memref<1x128x128xf32, #tpu.memory_space<vmem>>
    %dma_start3A_929 = tpu.memref_squeeze %dma_start3A_928 : memref<1x128x128xf32, #tpu.memory_space<vmem>> -> memref<128x128xf32, #tpu.memory_space<vmem>>
    tpu.enqueue_dma source(%dma_start3A_929 : memref<128x128xf32, #tpu.memory_space<vmem>>) target(%dma_start3A_925 : memref<128x128xf32, #tpu.memory_space<hbm>>) target_semaphore(%dma_start3A_923 : memref<!tpu.dma_semaphore, #tpu.memory_space<semaphore_mem>>)
    %dma_wait3A_930 = arith.constant 2 : i32
    %dma_wait3A_931 = arith.constant 2 : i32
    %dma_wait3A_932 = arith.constant 0 : i32
    %dma_wait3A_933 = arith.constant 0 : i32
    %dma_wait3A_934 = tpu.memref_slice %arg9[%dma_wait3A_930, %dma_wait3A_932, %dma_wait3A_933] : memref<4x128x128xf32, #tpu.memory_space<vmem>> -> memref<1x128x128xf32, #tpu.memory_space<vmem>>
    %dma_wait3A_935 = tpu.memref_squeeze %dma_wait3A_934 : memref<1x128x128xf32, #tpu.memory_space<vmem>> -> memref<128x128xf32, #tpu.memory_space<vmem>>
    %dma_wait3A_936 = arith.constant 0 : i32
    %dma_wait3A_937 = tpu.memref_slice %arg5[%add3A_913, %dma_wait3A_936] : memref<106496x128xf32, #tpu.memory_space<hbm>> -> memref<128x128xf32, #tpu.memory_space<hbm>>
    %dma_wait3A_938 = tpu.memref_slice %arg11[%dma_wait3A_931] : memref<4x!tpu.dma_semaphore, #tpu.memory_space<semaphore_mem>> -> memref<1x!tpu.dma_semaphore, #tpu.memory_space<semaphore_mem>>
    %dma_wait3A_939 = tpu.memref_squeeze %dma_wait3A_938 : memref<1x!tpu.dma_semaphore, #tpu.memory_space<semaphore_mem>> -> memref<!tpu.dma_semaphore, #tpu.memory_space<semaphore_mem>>
    %dma_wait3A_940 = arith.constant 0 : i32
    %dma_wait3A_941 = tpu.memref_slice %arg5[%add3A_913, %dma_wait3A_940] : memref<106496x128xf32, #tpu.memory_space<hbm>> -> memref<128x128xf32, #tpu.memory_space<hbm>>
    %dma_wait3A_942 = arith.constant 0 : i32
    %dma_wait3A_943 = arith.constant 0 : i32
    %dma_wait3A_944 = tpu.memref_slice %arg9[%dma_wait3A_930, %dma_wait3A_942, %dma_wait3A_943] : memref<4x128x128xf32, #tpu.memory_space<vmem>> -> memref<1x128x128xf32, #tpu.memory_space<vmem>>
    %dma_wait3A_945 = tpu.memref_squeeze %dma_wait3A_944 : memref<1x128x128xf32, #tpu.memory_space<vmem>> -> memref<128x128xf32, #tpu.memory_space<vmem>>
    tpu.wait_dma2 semaphore(%dma_wait3A_939 : memref<!tpu.dma_semaphore, #tpu.memory_space<semaphore_mem>>) src(%dma_wait3A_945 : memref<128x128xf32, #tpu.memory_space<vmem>>) dst(%dma_wait3A_941 : memref<128x128xf32, #tpu.memory_space<hbm>>)
    %dma_start3A_946 = arith.constant 2 : i32
    %dma_start3A_947 = arith.constant 2 : i32
    %dma_start3A_948 = arith.constant 0 : i32
    %dma_start3A_949 = arith.constant 0 : i32
    %dma_start3A_950 = tpu.memref_slice %arg9[%dma_start3A_946, %dma_start3A_948, %dma_start3A_949] : memref<4x128x128xf32, #tpu.memory_space<vmem>> -> memref<1x128x128xf32, #tpu.memory_space<vmem>>
    %dma_start3A_951 = tpu.memref_squeeze %dma_start3A_950 : memref<1x128x128xf32, #tpu.memory_space<vmem>> -> memref<128x128xf32, #tpu.memory_space<vmem>>
    %dma_start3A_952 = arith.constant 2304 : i32
    %dma_start3A_953 = tpu.memref_slice %arg8[%dma_start3A_952] : memref<3328xi32, #tpu.memory_space<vmem>> -> memref<128xi32, #tpu.memory_space<vmem>>
    %dma_start3A_954 = arith.constant 0 : i32
    %dma_start3A_955 = arith.constant 0 : i32
    %dma_start3A_956 = tpu.memref_slice %arg4[%dma_start3A_954, %dma_start3A_955] : memref<1004x128xf32, #tpu.memory_space<hbm>> -> memref<1004x128xf32, #tpu.memory_space<hbm>>
    %dma_start3A_957 = tpu.memref_slice %arg10[%dma_start3A_947] : memref<4x!tpu.dma_semaphore, #tpu.memory_space<semaphore_mem>> -> memref<1x!tpu.dma_semaphore, #tpu.memory_space<semaphore_mem>>
    %dma_start3A_958 = tpu.memref_squeeze %dma_start3A_957 : memref<1x!tpu.dma_semaphore, #tpu.memory_space<semaphore_mem>> -> memref<!tpu.dma_semaphore, #tpu.memory_space<semaphore_mem>>
    tpu.enqueue_indirect_dma source(%dma_start3A_956 : memref<1004x128xf32, #tpu.memory_space<hbm>>) target(%dma_start3A_951 : memref<128x128xf32, #tpu.memory_space<vmem>>) offsets(%dma_start3A_953 : memref<128xi32, #tpu.memory_space<vmem>>) semaphore(%dma_start3A_958 : memref<!tpu.dma_semaphore, #tpu.memory_space<semaphore_mem>>)
    %dma_wait3A_959 = arith.constant 3 : i32
    %dma_wait3A_960 = arith.constant 3 : i32
    %dma_wait3A_961 = arith.constant 0 : i32
    %dma_wait3A_962 = arith.constant 0 : i32
    %dma_wait3A_963 = tpu.memref_slice %arg9[%dma_wait3A_959, %dma_wait3A_961, %dma_wait3A_962] : memref<4x128x128xf32, #tpu.memory_space<vmem>> -> memref<1x128x128xf32, #tpu.memory_space<vmem>>
    %dma_wait3A_964 = tpu.memref_squeeze %dma_wait3A_963 : memref<1x128x128xf32, #tpu.memory_space<vmem>> -> memref<128x128xf32, #tpu.memory_space<vmem>>
    %dma_wait3A_965 = arith.constant 1920 : i32
    %dma_wait3A_966 = tpu.memref_slice %arg8[%dma_wait3A_965] : memref<3328xi32, #tpu.memory_space<vmem>> -> memref<128xi32, #tpu.memory_space<vmem>>
    %dma_wait3A_967 = arith.constant 0 : i32
    %dma_wait3A_968 = arith.constant 0 : i32
    %dma_wait3A_969 = tpu.memref_slice %arg4[%dma_wait3A_967, %dma_wait3A_968] : memref<1004x128xf32, #tpu.memory_space<hbm>> -> memref<1004x128xf32, #tpu.memory_space<hbm>>
    %dma_wait3A_970 = tpu.memref_slice %arg10[%dma_wait3A_960] : memref<4x!tpu.dma_semaphore, #tpu.memory_space<semaphore_mem>> -> memref<1x!tpu.dma_semaphore, #tpu.memory_space<semaphore_mem>>
    %dma_wait3A_971 = tpu.memref_squeeze %dma_wait3A_970 : memref<1x!tpu.dma_semaphore, #tpu.memory_space<semaphore_mem>> -> memref<!tpu.dma_semaphore, #tpu.memory_space<semaphore_mem>>
    tpu.wait_indirect_dma semaphore(%dma_wait3A_971 : memref<!tpu.dma_semaphore, #tpu.memory_space<semaphore_mem>>) src(%dma_wait3A_969 : memref<1004x128xf32, #tpu.memory_space<hbm>>) dst(%dma_wait3A_964 : memref<128x128xf32, #tpu.memory_space<vmem>>)
    %add3A_972 = arith.constant 1920 : i32
    %add3A_973 = arith.addi %mul3A_2, %add3A_972 : i32
    %dma_start3A_974 = arith.constant 3 : i32
    %dma_start3A_975 = arith.constant 3 : i32
    %dma_start3A_976 = arith.constant 0 : i32
    %dma_start3A_977 = arith.constant 0 : i32
    %dma_start3A_978 = tpu.memref_slice %arg9[%dma_start3A_974, %dma_start3A_976, %dma_start3A_977] : memref<4x128x128xf32, #tpu.memory_space<vmem>> -> memref<1x128x128xf32, #tpu.memory_space<vmem>>
    %dma_start3A_979 = tpu.memref_squeeze %dma_start3A_978 : memref<1x128x128xf32, #tpu.memory_space<vmem>> -> memref<128x128xf32, #tpu.memory_space<vmem>>
    %dma_start3A_980 = arith.constant 0 : i32
    %dma_start3A_981 = tpu.memref_slice %arg5[%add3A_973, %dma_start3A_980] : memref<106496x128xf32, #tpu.memory_space<hbm>> -> memref<128x128xf32, #tpu.memory_space<hbm>>
    %dma_start3A_982 = tpu.memref_slice %arg11[%dma_start3A_975] : memref<4x!tpu.dma_semaphore, #tpu.memory_space<semaphore_mem>> -> memref<1x!tpu.dma_semaphore, #tpu.memory_space<semaphore_mem>>
    %dma_start3A_983 = tpu.memref_squeeze %dma_start3A_982 : memref<1x!tpu.dma_semaphore, #tpu.memory_space<semaphore_mem>> -> memref<!tpu.dma_semaphore, #tpu.memory_space<semaphore_mem>>
    %dma_start3A_984 = arith.constant 0 : i32
    %dma_start3A_985 = tpu.memref_slice %arg5[%add3A_973, %dma_start3A_984] : memref<106496x128xf32, #tpu.memory_space<hbm>> -> memref<128x128xf32, #tpu.memory_space<hbm>>
    %dma_start3A_986 = arith.constant 0 : i32
    %dma_start3A_987 = arith.constant 0 : i32
    %dma_start3A_988 = tpu.memref_slice %arg9[%dma_start3A_974, %dma_start3A_986, %dma_start3A_987] : memref<4x128x128xf32, #tpu.memory_space<vmem>> -> memref<1x128x128xf32, #tpu.memory_space<vmem>>
    %dma_start3A_989 = tpu.memref_squeeze %dma_start3A_988 : memref<1x128x128xf32, #tpu.memory_space<vmem>> -> memref<128x128xf32, #tpu.memory_space<vmem>>
    tpu.enqueue_dma source(%dma_start3A_989 : memref<128x128xf32, #tpu.memory_space<vmem>>) target(%dma_start3A_985 : memref<128x128xf32, #tpu.memory_space<hbm>>) target_semaphore(%dma_start3A_983 : memref<!tpu.dma_semaphore, #tpu.memory_space<semaphore_mem>>)
    %dma_wait3A_990 = arith.constant 3 : i32
    %dma_wait3A_991 = arith.constant 3 : i32
    %dma_wait3A_992 = arith.constant 0 : i32
    %dma_wait3A_993 = arith.constant 0 : i32
    %dma_wait3A_994 = tpu.memref_slice %arg9[%dma_wait3A_990, %dma_wait3A_992, %dma_wait3A_993] : memref<4x128x128xf32, #tpu.memory_space<vmem>> -> memref<1x128x128xf32, #tpu.memory_space<vmem>>
    %dma_wait3A_995 = tpu.memref_squeeze %dma_wait3A_994 : memref<1x128x128xf32, #tpu.memory_space<vmem>> -> memref<128x128xf32, #tpu.memory_space<vmem>>
    %dma_wait3A_996 = arith.constant 0 : i32
    %dma_wait3A_997 = tpu.memref_slice %arg5[%add3A_973, %dma_wait3A_996] : memref<106496x128xf32, #tpu.memory_space<hbm>> -> memref<128x128xf32, #tpu.memory_space<hbm>>
    %dma_wait3A_998 = tpu.memref_slice %arg11[%dma_wait3A_991] : memref<4x!tpu.dma_semaphore, #tpu.memory_space<semaphore_mem>> -> memref<1x!tpu.dma_semaphore, #tpu.memory_space<semaphore_mem>>
    %dma_wait3A_999 = tpu.memref_squeeze %dma_wait3A_998 : memref<1x!tpu.dma_semaphore, #tpu.memory_space<semaphore_mem>> -> memref<!tpu.dma_semaphore, #tpu.memory_space<semaphore_mem>>
    %dma_wait3A_1000 = arith.constant 0 : i32
    %dma_wait3A_1001 = tpu.memref_slice %arg5[%add3A_973, %dma_wait3A_1000] : memref<106496x128xf32, #tpu.memory_space<hbm>> -> memref<128x128xf32, #tpu.memory_space<hbm>>
    %dma_wait3A_1002 = arith.constant 0 : i32
    %dma_wait3A_1003 = arith.constant 0 : i32
    %dma_wait3A_1004 = tpu.memref_slice %arg9[%dma_wait3A_990, %dma_wait3A_1002, %dma_wait3A_1003] : memref<4x128x128xf32, #tpu.memory_space<vmem>> -> memref<1x128x128xf32, #tpu.memory_space<vmem>>
    %dma_wait3A_1005 = tpu.memref_squeeze %dma_wait3A_1004 : memref<1x128x128xf32, #tpu.memory_space<vmem>> -> memref<128x128xf32, #tpu.memory_space<vmem>>
    tpu.wait_dma2 semaphore(%dma_wait3A_999 : memref<!tpu.dma_semaphore, #tpu.memory_space<semaphore_mem>>) src(%dma_wait3A_1005 : memref<128x128xf32, #tpu.memory_space<vmem>>) dst(%dma_wait3A_1001 : memref<128x128xf32, #tpu.memory_space<hbm>>)
    %dma_start3A_1006 = arith.constant 3 : i32
    %dma_start3A_1007 = arith.constant 3 : i32
    %dma_start3A_1008 = arith.constant 0 : i32
    %dma_start3A_1009 = arith.constant 0 : i32
    %dma_start3A_1010 = tpu.memref_slice %arg9[%dma_start3A_1006, %dma_start3A_1008, %dma_start3A_1009] : memref<4x128x128xf32, #tpu.memory_space<vmem>> -> memref<1x128x128xf32, #tpu.memory_space<vmem>>
    %dma_start3A_1011 = tpu.memref_squeeze %dma_start3A_1010 : memref<1x128x128xf32, #tpu.memory_space<vmem>> -> memref<128x128xf32, #tpu.memory_space<vmem>>
    %dma_start3A_1012 = arith.constant 2432 : i32
    %dma_start3A_1013 = tpu.memref_slice %arg8[%dma_start3A_1012] : memref<3328xi32, #tpu.memory_space<vmem>> -> memref<128xi32, #tpu.memory_space<vmem>>
    %dma_start3A_1014 = arith.constant 0 : i32
    %dma_start3A_1015 = arith.constant 0 : i32
    %dma_start3A_1016 = tpu.memref_slice %arg4[%dma_start3A_1014, %dma_start3A_1015] : memref<1004x128xf32, #tpu.memory_space<hbm>> -> memref<1004x128xf32, #tpu.memory_space<hbm>>
    %dma_start3A_1017 = tpu.memref_slice %arg10[%dma_start3A_1007] : memref<4x!tpu.dma_semaphore, #tpu.memory_space<semaphore_mem>> -> memref<1x!tpu.dma_semaphore, #tpu.memory_space<semaphore_mem>>
    %dma_start3A_1018 = tpu.memref_squeeze %dma_start3A_1017 : memref<1x!tpu.dma_semaphore, #tpu.memory_space<semaphore_mem>> -> memref<!tpu.dma_semaphore, #tpu.memory_space<semaphore_mem>>
    tpu.enqueue_indirect_dma source(%dma_start3A_1016 : memref<1004x128xf32, #tpu.memory_space<hbm>>) target(%dma_start3A_1011 : memref<128x128xf32, #tpu.memory_space<vmem>>) offsets(%dma_start3A_1013 : memref<128xi32, #tpu.memory_space<vmem>>) semaphore(%dma_start3A_1018 : memref<!tpu.dma_semaphore, #tpu.memory_space<semaphore_mem>>)
    %dma_wait3A_1019 = arith.constant 0 : i32
    %dma_wait3A_1020 = arith.constant 0 : i32
    %dma_wait3A_1021 = arith.constant 0 : i32
    %dma_wait3A_1022 = arith.constant 0 : i32
    %dma_wait3A_1023 = tpu.memref_slice %arg9[%dma_wait3A_1019, %dma_wait3A_1021, %dma_wait3A_1022] : memref<4x128x128xf32, #tpu.memory_space<vmem>> -> memref<1x128x128xf32, #tpu.memory_space<vmem>>
    %dma_wait3A_1024 = tpu.memref_squeeze %dma_wait3A_1023 : memref<1x128x128xf32, #tpu.memory_space<vmem>> -> memref<128x128xf32, #tpu.memory_space<vmem>>
    %dma_wait3A_1025 = arith.constant 2048 : i32
    %dma_wait3A_1026 = tpu.memref_slice %arg8[%dma_wait3A_1025] : memref<3328xi32, #tpu.memory_space<vmem>> -> memref<128xi32, #tpu.memory_space<vmem>>
    %dma_wait3A_1027 = arith.constant 0 : i32
    %dma_wait3A_1028 = arith.constant 0 : i32
    %dma_wait3A_1029 = tpu.memref_slice %arg4[%dma_wait3A_1027, %dma_wait3A_1028] : memref<1004x128xf32, #tpu.memory_space<hbm>> -> memref<1004x128xf32, #tpu.memory_space<hbm>>
    %dma_wait3A_1030 = tpu.memref_slice %arg10[%dma_wait3A_1020] : memref<4x!tpu.dma_semaphore, #tpu.memory_space<semaphore_mem>> -> memref<1x!tpu.dma_semaphore, #tpu.memory_space<semaphore_mem>>
    %dma_wait3A_1031 = tpu.memref_squeeze %dma_wait3A_1030 : memref<1x!tpu.dma_semaphore, #tpu.memory_space<semaphore_mem>> -> memref<!tpu.dma_semaphore, #tpu.memory_space<semaphore_mem>>
    tpu.wait_indirect_dma semaphore(%dma_wait3A_1031 : memref<!tpu.dma_semaphore, #tpu.memory_space<semaphore_mem>>) src(%dma_wait3A_1029 : memref<1004x128xf32, #tpu.memory_space<hbm>>) dst(%dma_wait3A_1024 : memref<128x128xf32, #tpu.memory_space<vmem>>)
    %add3A_1032 = arith.constant 2048 : i32
    %add3A_1033 = arith.addi %mul3A_2, %add3A_1032 : i32
    %dma_start3A_1034 = arith.constant 0 : i32
    %dma_start3A_1035 = arith.constant 0 : i32
    %dma_start3A_1036 = arith.constant 0 : i32
    %dma_start3A_1037 = arith.constant 0 : i32
    %dma_start3A_1038 = tpu.memref_slice %arg9[%dma_start3A_1034, %dma_start3A_1036, %dma_start3A_1037] : memref<4x128x128xf32, #tpu.memory_space<vmem>> -> memref<1x128x128xf32, #tpu.memory_space<vmem>>
    %dma_start3A_1039 = tpu.memref_squeeze %dma_start3A_1038 : memref<1x128x128xf32, #tpu.memory_space<vmem>> -> memref<128x128xf32, #tpu.memory_space<vmem>>
    %dma_start3A_1040 = arith.constant 0 : i32
    %dma_start3A_1041 = tpu.memref_slice %arg5[%add3A_1033, %dma_start3A_1040] : memref<106496x128xf32, #tpu.memory_space<hbm>> -> memref<128x128xf32, #tpu.memory_space<hbm>>
    %dma_start3A_1042 = tpu.memref_slice %arg11[%dma_start3A_1035] : memref<4x!tpu.dma_semaphore, #tpu.memory_space<semaphore_mem>> -> memref<1x!tpu.dma_semaphore, #tpu.memory_space<semaphore_mem>>
    %dma_start3A_1043 = tpu.memref_squeeze %dma_start3A_1042 : memref<1x!tpu.dma_semaphore, #tpu.memory_space<semaphore_mem>> -> memref<!tpu.dma_semaphore, #tpu.memory_space<semaphore_mem>>
    %dma_start3A_1044 = arith.constant 0 : i32
    %dma_start3A_1045 = tpu.memref_slice %arg5[%add3A_1033, %dma_start3A_1044] : memref<106496x128xf32, #tpu.memory_space<hbm>> -> memref<128x128xf32, #tpu.memory_space<hbm>>
    %dma_start3A_1046 = arith.constant 0 : i32
    %dma_start3A_1047 = arith.constant 0 : i32
    %dma_start3A_1048 = tpu.memref_slice %arg9[%dma_start3A_1034, %dma_start3A_1046, %dma_start3A_1047] : memref<4x128x128xf32, #tpu.memory_space<vmem>> -> memref<1x128x128xf32, #tpu.memory_space<vmem>>
    %dma_start3A_1049 = tpu.memref_squeeze %dma_start3A_1048 : memref<1x128x128xf32, #tpu.memory_space<vmem>> -> memref<128x128xf32, #tpu.memory_space<vmem>>
    tpu.enqueue_dma source(%dma_start3A_1049 : memref<128x128xf32, #tpu.memory_space<vmem>>) target(%dma_start3A_1045 : memref<128x128xf32, #tpu.memory_space<hbm>>) target_semaphore(%dma_start3A_1043 : memref<!tpu.dma_semaphore, #tpu.memory_space<semaphore_mem>>)
    %dma_wait3A_1050 = arith.constant 0 : i32
    %dma_wait3A_1051 = arith.constant 0 : i32
    %dma_wait3A_1052 = arith.constant 0 : i32
    %dma_wait3A_1053 = arith.constant 0 : i32
    %dma_wait3A_1054 = tpu.memref_slice %arg9[%dma_wait3A_1050, %dma_wait3A_1052, %dma_wait3A_1053] : memref<4x128x128xf32, #tpu.memory_space<vmem>> -> memref<1x128x128xf32, #tpu.memory_space<vmem>>
    %dma_wait3A_1055 = tpu.memref_squeeze %dma_wait3A_1054 : memref<1x128x128xf32, #tpu.memory_space<vmem>> -> memref<128x128xf32, #tpu.memory_space<vmem>>
    %dma_wait3A_1056 = arith.constant 0 : i32
    %dma_wait3A_1057 = tpu.memref_slice %arg5[%add3A_1033, %dma_wait3A_1056] : memref<106496x128xf32, #tpu.memory_space<hbm>> -> memref<128x128xf32, #tpu.memory_space<hbm>>
    %dma_wait3A_1058 = tpu.memref_slice %arg11[%dma_wait3A_1051] : memref<4x!tpu.dma_semaphore, #tpu.memory_space<semaphore_mem>> -> memref<1x!tpu.dma_semaphore, #tpu.memory_space<semaphore_mem>>
    %dma_wait3A_1059 = tpu.memref_squeeze %dma_wait3A_1058 : memref<1x!tpu.dma_semaphore, #tpu.memory_space<semaphore_mem>> -> memref<!tpu.dma_semaphore, #tpu.memory_space<semaphore_mem>>
    %dma_wait3A_1060 = arith.constant 0 : i32
    %dma_wait3A_1061 = tpu.memref_slice %arg5[%add3A_1033, %dma_wait3A_1060] : memref<106496x128xf32, #tpu.memory_space<hbm>> -> memref<128x128xf32, #tpu.memory_space<hbm>>
    %dma_wait3A_1062 = arith.constant 0 : i32
    %dma_wait3A_1063 = arith.constant 0 : i32
    %dma_wait3A_1064 = tpu.memref_slice %arg9[%dma_wait3A_1050, %dma_wait3A_1062, %dma_wait3A_1063] : memref<4x128x128xf32, #tpu.memory_space<vmem>> -> memref<1x128x128xf32, #tpu.memory_space<vmem>>
    %dma_wait3A_1065 = tpu.memref_squeeze %dma_wait3A_1064 : memref<1x128x128xf32, #tpu.memory_space<vmem>> -> memref<128x128xf32, #tpu.memory_space<vmem>>
    tpu.wait_dma2 semaphore(%dma_wait3A_1059 : memref<!tpu.dma_semaphore, #tpu.memory_space<semaphore_mem>>) src(%dma_wait3A_1065 : memref<128x128xf32, #tpu.memory_space<vmem>>) dst(%dma_wait3A_1061 : memref<128x128xf32, #tpu.memory_space<hbm>>)
    %dma_start3A_1066 = arith.constant 0 : i32
    %dma_start3A_1067 = arith.constant 0 : i32
    %dma_start3A_1068 = arith.constant 0 : i32
    %dma_start3A_1069 = arith.constant 0 : i32
    %dma_start3A_1070 = tpu.memref_slice %arg9[%dma_start3A_1066, %dma_start3A_1068, %dma_start3A_1069] : memref<4x128x128xf32, #tpu.memory_space<vmem>> -> memref<1x128x128xf32, #tpu.memory_space<vmem>>
    %dma_start3A_1071 = tpu.memref_squeeze %dma_start3A_1070 : memref<1x128x128xf32, #tpu.memory_space<vmem>> -> memref<128x128xf32, #tpu.memory_space<vmem>>
    %dma_start3A_1072 = arith.constant 2560 : i32
    %dma_start3A_1073 = tpu.memref_slice %arg8[%dma_start3A_1072] : memref<3328xi32, #tpu.memory_space<vmem>> -> memref<128xi32, #tpu.memory_space<vmem>>
    %dma_start3A_1074 = arith.constant 0 : i32
    %dma_start3A_1075 = arith.constant 0 : i32
    %dma_start3A_1076 = tpu.memref_slice %arg4[%dma_start3A_1074, %dma_start3A_1075] : memref<1004x128xf32, #tpu.memory_space<hbm>> -> memref<1004x128xf32, #tpu.memory_space<hbm>>
    %dma_start3A_1077 = tpu.memref_slice %arg10[%dma_start3A_1067] : memref<4x!tpu.dma_semaphore, #tpu.memory_space<semaphore_mem>> -> memref<1x!tpu.dma_semaphore, #tpu.memory_space<semaphore_mem>>
    %dma_start3A_1078 = tpu.memref_squeeze %dma_start3A_1077 : memref<1x!tpu.dma_semaphore, #tpu.memory_space<semaphore_mem>> -> memref<!tpu.dma_semaphore, #tpu.memory_space<semaphore_mem>>
    tpu.enqueue_indirect_dma source(%dma_start3A_1076 : memref<1004x128xf32, #tpu.memory_space<hbm>>) target(%dma_start3A_1071 : memref<128x128xf32, #tpu.memory_space<vmem>>) offsets(%dma_start3A_1073 : memref<128xi32, #tpu.memory_space<vmem>>) semaphore(%dma_start3A_1078 : memref<!tpu.dma_semaphore, #tpu.memory_space<semaphore_mem>>)
    %dma_wait3A_1079 = arith.constant 1 : i32
    %dma_wait3A_1080 = arith.constant 1 : i32
    %dma_wait3A_1081 = arith.constant 0 : i32
    %dma_wait3A_1082 = arith.constant 0 : i32
    %dma_wait3A_1083 = tpu.memref_slice %arg9[%dma_wait3A_1079, %dma_wait3A_1081, %dma_wait3A_1082] : memref<4x128x128xf32, #tpu.memory_space<vmem>> -> memref<1x128x128xf32, #tpu.memory_space<vmem>>
    %dma_wait3A_1084 = tpu.memref_squeeze %dma_wait3A_1083 : memref<1x128x128xf32, #tpu.memory_space<vmem>> -> memref<128x128xf32, #tpu.memory_space<vmem>>
    %dma_wait3A_1085 = arith.constant 2176 : i32
    %dma_wait3A_1086 = tpu.memref_slice %arg8[%dma_wait3A_1085] : memref<3328xi32, #tpu.memory_space<vmem>> -> memref<128xi32, #tpu.memory_space<vmem>>
    %dma_wait3A_1087 = arith.constant 0 : i32
    %dma_wait3A_1088 = arith.constant 0 : i32
    %dma_wait3A_1089 = tpu.memref_slice %arg4[%dma_wait3A_1087, %dma_wait3A_1088] : memref<1004x128xf32, #tpu.memory_space<hbm>> -> memref<1004x128xf32, #tpu.memory_space<hbm>>
    %dma_wait3A_1090 = tpu.memref_slice %arg10[%dma_wait3A_1080] : memref<4x!tpu.dma_semaphore, #tpu.memory_space<semaphore_mem>> -> memref<1x!tpu.dma_semaphore, #tpu.memory_space<semaphore_mem>>
    %dma_wait3A_1091 = tpu.memref_squeeze %dma_wait3A_1090 : memref<1x!tpu.dma_semaphore, #tpu.memory_space<semaphore_mem>> -> memref<!tpu.dma_semaphore, #tpu.memory_space<semaphore_mem>>
    tpu.wait_indirect_dma semaphore(%dma_wait3A_1091 : memref<!tpu.dma_semaphore, #tpu.memory_space<semaphore_mem>>) src(%dma_wait3A_1089 : memref<1004x128xf32, #tpu.memory_space<hbm>>) dst(%dma_wait3A_1084 : memref<128x128xf32, #tpu.memory_space<vmem>>)
    %add3A_1092 = arith.constant 2176 : i32
    %add3A_1093 = arith.addi %mul3A_2, %add3A_1092 : i32
    %dma_start3A_1094 = arith.constant 1 : i32
    %dma_start3A_1095 = arith.constant 1 : i32
    %dma_start3A_1096 = arith.constant 0 : i32
    %dma_start3A_1097 = arith.constant 0 : i32
    %dma_start3A_1098 = tpu.memref_slice %arg9[%dma_start3A_1094, %dma_start3A_1096, %dma_start3A_1097] : memref<4x128x128xf32, #tpu.memory_space<vmem>> -> memref<1x128x128xf32, #tpu.memory_space<vmem>>
    %dma_start3A_1099 = tpu.memref_squeeze %dma_start3A_1098 : memref<1x128x128xf32, #tpu.memory_space<vmem>> -> memref<128x128xf32, #tpu.memory_space<vmem>>
    %dma_start3A_1100 = arith.constant 0 : i32
    %dma_start3A_1101 = tpu.memref_slice %arg5[%add3A_1093, %dma_start3A_1100] : memref<106496x128xf32, #tpu.memory_space<hbm>> -> memref<128x128xf32, #tpu.memory_space<hbm>>
    %dma_start3A_1102 = tpu.memref_slice %arg11[%dma_start3A_1095] : memref<4x!tpu.dma_semaphore, #tpu.memory_space<semaphore_mem>> -> memref<1x!tpu.dma_semaphore, #tpu.memory_space<semaphore_mem>>
    %dma_start3A_1103 = tpu.memref_squeeze %dma_start3A_1102 : memref<1x!tpu.dma_semaphore, #tpu.memory_space<semaphore_mem>> -> memref<!tpu.dma_semaphore, #tpu.memory_space<semaphore_mem>>
    %dma_start3A_1104 = arith.constant 0 : i32
    %dma_start3A_1105 = tpu.memref_slice %arg5[%add3A_1093, %dma_start3A_1104] : memref<106496x128xf32, #tpu.memory_space<hbm>> -> memref<128x128xf32, #tpu.memory_space<hbm>>
    %dma_start3A_1106 = arith.constant 0 : i32
    %dma_start3A_1107 = arith.constant 0 : i32
    %dma_start3A_1108 = tpu.memref_slice %arg9[%dma_start3A_1094, %dma_start3A_1106, %dma_start3A_1107] : memref<4x128x128xf32, #tpu.memory_space<vmem>> -> memref<1x128x128xf32, #tpu.memory_space<vmem>>
    %dma_start3A_1109 = tpu.memref_squeeze %dma_start3A_1108 : memref<1x128x128xf32, #tpu.memory_space<vmem>> -> memref<128x128xf32, #tpu.memory_space<vmem>>
    tpu.enqueue_dma source(%dma_start3A_1109 : memref<128x128xf32, #tpu.memory_space<vmem>>) target(%dma_start3A_1105 : memref<128x128xf32, #tpu.memory_space<hbm>>) target_semaphore(%dma_start3A_1103 : memref<!tpu.dma_semaphore, #tpu.memory_space<semaphore_mem>>)
    %dma_wait3A_1110 = arith.constant 1 : i32
    %dma_wait3A_1111 = arith.constant 1 : i32
    %dma_wait3A_1112 = arith.constant 0 : i32
    %dma_wait3A_1113 = arith.constant 0 : i32
    %dma_wait3A_1114 = tpu.memref_slice %arg9[%dma_wait3A_1110, %dma_wait3A_1112, %dma_wait3A_1113] : memref<4x128x128xf32, #tpu.memory_space<vmem>> -> memref<1x128x128xf32, #tpu.memory_space<vmem>>
    %dma_wait3A_1115 = tpu.memref_squeeze %dma_wait3A_1114 : memref<1x128x128xf32, #tpu.memory_space<vmem>> -> memref<128x128xf32, #tpu.memory_space<vmem>>
    %dma_wait3A_1116 = arith.constant 0 : i32
    %dma_wait3A_1117 = tpu.memref_slice %arg5[%add3A_1093, %dma_wait3A_1116] : memref<106496x128xf32, #tpu.memory_space<hbm>> -> memref<128x128xf32, #tpu.memory_space<hbm>>
    %dma_wait3A_1118 = tpu.memref_slice %arg11[%dma_wait3A_1111] : memref<4x!tpu.dma_semaphore, #tpu.memory_space<semaphore_mem>> -> memref<1x!tpu.dma_semaphore, #tpu.memory_space<semaphore_mem>>
    %dma_wait3A_1119 = tpu.memref_squeeze %dma_wait3A_1118 : memref<1x!tpu.dma_semaphore, #tpu.memory_space<semaphore_mem>> -> memref<!tpu.dma_semaphore, #tpu.memory_space<semaphore_mem>>
    %dma_wait3A_1120 = arith.constant 0 : i32
    %dma_wait3A_1121 = tpu.memref_slice %arg5[%add3A_1093, %dma_wait3A_1120] : memref<106496x128xf32, #tpu.memory_space<hbm>> -> memref<128x128xf32, #tpu.memory_space<hbm>>
    %dma_wait3A_1122 = arith.constant 0 : i32
    %dma_wait3A_1123 = arith.constant 0 : i32
    %dma_wait3A_1124 = tpu.memref_slice %arg9[%dma_wait3A_1110, %dma_wait3A_1122, %dma_wait3A_1123] : memref<4x128x128xf32, #tpu.memory_space<vmem>> -> memref<1x128x128xf32, #tpu.memory_space<vmem>>
    %dma_wait3A_1125 = tpu.memref_squeeze %dma_wait3A_1124 : memref<1x128x128xf32, #tpu.memory_space<vmem>> -> memref<128x128xf32, #tpu.memory_space<vmem>>
    tpu.wait_dma2 semaphore(%dma_wait3A_1119 : memref<!tpu.dma_semaphore, #tpu.memory_space<semaphore_mem>>) src(%dma_wait3A_1125 : memref<128x128xf32, #tpu.memory_space<vmem>>) dst(%dma_wait3A_1121 : memref<128x128xf32, #tpu.memory_space<hbm>>)
    %dma_start3A_1126 = arith.constant 1 : i32
    %dma_start3A_1127 = arith.constant 1 : i32
    %dma_start3A_1128 = arith.constant 0 : i32
    %dma_start3A_1129 = arith.constant 0 : i32
    %dma_start3A_1130 = tpu.memref_slice %arg9[%dma_start3A_1126, %dma_start3A_1128, %dma_start3A_1129] : memref<4x128x128xf32, #tpu.memory_space<vmem>> -> memref<1x128x128xf32, #tpu.memory_space<vmem>>
    %dma_start3A_1131 = tpu.memref_squeeze %dma_start3A_1130 : memref<1x128x128xf32, #tpu.memory_space<vmem>> -> memref<128x128xf32, #tpu.memory_space<vmem>>
    %dma_start3A_1132 = arith.constant 2688 : i32
    %dma_start3A_1133 = tpu.memref_slice %arg8[%dma_start3A_1132] : memref<3328xi32, #tpu.memory_space<vmem>> -> memref<128xi32, #tpu.memory_space<vmem>>
    %dma_start3A_1134 = arith.constant 0 : i32
    %dma_start3A_1135 = arith.constant 0 : i32
    %dma_start3A_1136 = tpu.memref_slice %arg4[%dma_start3A_1134, %dma_start3A_1135] : memref<1004x128xf32, #tpu.memory_space<hbm>> -> memref<1004x128xf32, #tpu.memory_space<hbm>>
    %dma_start3A_1137 = tpu.memref_slice %arg10[%dma_start3A_1127] : memref<4x!tpu.dma_semaphore, #tpu.memory_space<semaphore_mem>> -> memref<1x!tpu.dma_semaphore, #tpu.memory_space<semaphore_mem>>
    %dma_start3A_1138 = tpu.memref_squeeze %dma_start3A_1137 : memref<1x!tpu.dma_semaphore, #tpu.memory_space<semaphore_mem>> -> memref<!tpu.dma_semaphore, #tpu.memory_space<semaphore_mem>>
    tpu.enqueue_indirect_dma source(%dma_start3A_1136 : memref<1004x128xf32, #tpu.memory_space<hbm>>) target(%dma_start3A_1131 : memref<128x128xf32, #tpu.memory_space<vmem>>) offsets(%dma_start3A_1133 : memref<128xi32, #tpu.memory_space<vmem>>) semaphore(%dma_start3A_1138 : memref<!tpu.dma_semaphore, #tpu.memory_space<semaphore_mem>>)
    %dma_wait3A_1139 = arith.constant 2 : i32
    %dma_wait3A_1140 = arith.constant 2 : i32
    %dma_wait3A_1141 = arith.constant 0 : i32
    %dma_wait3A_1142 = arith.constant 0 : i32
    %dma_wait3A_1143 = tpu.memref_slice %arg9[%dma_wait3A_1139, %dma_wait3A_1141, %dma_wait3A_1142] : memref<4x128x128xf32, #tpu.memory_space<vmem>> -> memref<1x128x128xf32, #tpu.memory_space<vmem>>
    %dma_wait3A_1144 = tpu.memref_squeeze %dma_wait3A_1143 : memref<1x128x128xf32, #tpu.memory_space<vmem>> -> memref<128x128xf32, #tpu.memory_space<vmem>>
    %dma_wait3A_1145 = arith.constant 2304 : i32
    %dma_wait3A_1146 = tpu.memref_slice %arg8[%dma_wait3A_1145] : memref<3328xi32, #tpu.memory_space<vmem>> -> memref<128xi32, #tpu.memory_space<vmem>>
    %dma_wait3A_1147 = arith.constant 0 : i32
    %dma_wait3A_1148 = arith.constant 0 : i32
    %dma_wait3A_1149 = tpu.memref_slice %arg4[%dma_wait3A_1147, %dma_wait3A_1148] : memref<1004x128xf32, #tpu.memory_space<hbm>> -> memref<1004x128xf32, #tpu.memory_space<hbm>>
    %dma_wait3A_1150 = tpu.memref_slice %arg10[%dma_wait3A_1140] : memref<4x!tpu.dma_semaphore, #tpu.memory_space<semaphore_mem>> -> memref<1x!tpu.dma_semaphore, #tpu.memory_space<semaphore_mem>>
    %dma_wait3A_1151 = tpu.memref_squeeze %dma_wait3A_1150 : memref<1x!tpu.dma_semaphore, #tpu.memory_space<semaphore_mem>> -> memref<!tpu.dma_semaphore, #tpu.memory_space<semaphore_mem>>
    tpu.wait_indirect_dma semaphore(%dma_wait3A_1151 : memref<!tpu.dma_semaphore, #tpu.memory_space<semaphore_mem>>) src(%dma_wait3A_1149 : memref<1004x128xf32, #tpu.memory_space<hbm>>) dst(%dma_wait3A_1144 : memref<128x128xf32, #tpu.memory_space<vmem>>)
    %add3A_1152 = arith.constant 2304 : i32
    %add3A_1153 = arith.addi %mul3A_2, %add3A_1152 : i32
    %dma_start3A_1154 = arith.constant 2 : i32
    %dma_start3A_1155 = arith.constant 2 : i32
    %dma_start3A_1156 = arith.constant 0 : i32
    %dma_start3A_1157 = arith.constant 0 : i32
    %dma_start3A_1158 = tpu.memref_slice %arg9[%dma_start3A_1154, %dma_start3A_1156, %dma_start3A_1157] : memref<4x128x128xf32, #tpu.memory_space<vmem>> -> memref<1x128x128xf32, #tpu.memory_space<vmem>>
    %dma_start3A_1159 = tpu.memref_squeeze %dma_start3A_1158 : memref<1x128x128xf32, #tpu.memory_space<vmem>> -> memref<128x128xf32, #tpu.memory_space<vmem>>
    %dma_start3A_1160 = arith.constant 0 : i32
    %dma_start3A_1161 = tpu.memref_slice %arg5[%add3A_1153, %dma_start3A_1160] : memref<106496x128xf32, #tpu.memory_space<hbm>> -> memref<128x128xf32, #tpu.memory_space<hbm>>
    %dma_start3A_1162 = tpu.memref_slice %arg11[%dma_start3A_1155] : memref<4x!tpu.dma_semaphore, #tpu.memory_space<semaphore_mem>> -> memref<1x!tpu.dma_semaphore, #tpu.memory_space<semaphore_mem>>
    %dma_start3A_1163 = tpu.memref_squeeze %dma_start3A_1162 : memref<1x!tpu.dma_semaphore, #tpu.memory_space<semaphore_mem>> -> memref<!tpu.dma_semaphore, #tpu.memory_space<semaphore_mem>>
    %dma_start3A_1164 = arith.constant 0 : i32
    %dma_start3A_1165 = tpu.memref_slice %arg5[%add3A_1153, %dma_start3A_1164] : memref<106496x128xf32, #tpu.memory_space<hbm>> -> memref<128x128xf32, #tpu.memory_space<hbm>>
    %dma_start3A_1166 = arith.constant 0 : i32
    %dma_start3A_1167 = arith.constant 0 : i32
    %dma_start3A_1168 = tpu.memref_slice %arg9[%dma_start3A_1154, %dma_start3A_1166, %dma_start3A_1167] : memref<4x128x128xf32, #tpu.memory_space<vmem>> -> memref<1x128x128xf32, #tpu.memory_space<vmem>>
    %dma_start3A_1169 = tpu.memref_squeeze %dma_start3A_1168 : memref<1x128x128xf32, #tpu.memory_space<vmem>> -> memref<128x128xf32, #tpu.memory_space<vmem>>
    tpu.enqueue_dma source(%dma_start3A_1169 : memref<128x128xf32, #tpu.memory_space<vmem>>) target(%dma_start3A_1165 : memref<128x128xf32, #tpu.memory_space<hbm>>) target_semaphore(%dma_start3A_1163 : memref<!tpu.dma_semaphore, #tpu.memory_space<semaphore_mem>>)
    %dma_wait3A_1170 = arith.constant 2 : i32
    %dma_wait3A_1171 = arith.constant 2 : i32
    %dma_wait3A_1172 = arith.constant 0 : i32
    %dma_wait3A_1173 = arith.constant 0 : i32
    %dma_wait3A_1174 = tpu.memref_slice %arg9[%dma_wait3A_1170, %dma_wait3A_1172, %dma_wait3A_1173] : memref<4x128x128xf32, #tpu.memory_space<vmem>> -> memref<1x128x128xf32, #tpu.memory_space<vmem>>
    %dma_wait3A_1175 = tpu.memref_squeeze %dma_wait3A_1174 : memref<1x128x128xf32, #tpu.memory_space<vmem>> -> memref<128x128xf32, #tpu.memory_space<vmem>>
    %dma_wait3A_1176 = arith.constant 0 : i32
    %dma_wait3A_1177 = tpu.memref_slice %arg5[%add3A_1153, %dma_wait3A_1176] : memref<106496x128xf32, #tpu.memory_space<hbm>> -> memref<128x128xf32, #tpu.memory_space<hbm>>
    %dma_wait3A_1178 = tpu.memref_slice %arg11[%dma_wait3A_1171] : memref<4x!tpu.dma_semaphore, #tpu.memory_space<semaphore_mem>> -> memref<1x!tpu.dma_semaphore, #tpu.memory_space<semaphore_mem>>
    %dma_wait3A_1179 = tpu.memref_squeeze %dma_wait3A_1178 : memref<1x!tpu.dma_semaphore, #tpu.memory_space<semaphore_mem>> -> memref<!tpu.dma_semaphore, #tpu.memory_space<semaphore_mem>>
    %dma_wait3A_1180 = arith.constant 0 : i32
    %dma_wait3A_1181 = tpu.memref_slice %arg5[%add3A_1153, %dma_wait3A_1180] : memref<106496x128xf32, #tpu.memory_space<hbm>> -> memref<128x128xf32, #tpu.memory_space<hbm>>
    %dma_wait3A_1182 = arith.constant 0 : i32
    %dma_wait3A_1183 = arith.constant 0 : i32
    %dma_wait3A_1184 = tpu.memref_slice %arg9[%dma_wait3A_1170, %dma_wait3A_1182, %dma_wait3A_1183] : memref<4x128x128xf32, #tpu.memory_space<vmem>> -> memref<1x128x128xf32, #tpu.memory_space<vmem>>
    %dma_wait3A_1185 = tpu.memref_squeeze %dma_wait3A_1184 : memref<1x128x128xf32, #tpu.memory_space<vmem>> -> memref<128x128xf32, #tpu.memory_space<vmem>>
    tpu.wait_dma2 semaphore(%dma_wait3A_1179 : memref<!tpu.dma_semaphore, #tpu.memory_space<semaphore_mem>>) src(%dma_wait3A_1185 : memref<128x128xf32, #tpu.memory_space<vmem>>) dst(%dma_wait3A_1181 : memref<128x128xf32, #tpu.memory_space<hbm>>)
    %dma_start3A_1186 = arith.constant 2 : i32
    %dma_start3A_1187 = arith.constant 2 : i32
    %dma_start3A_1188 = arith.constant 0 : i32
    %dma_start3A_1189 = arith.constant 0 : i32
    %dma_start3A_1190 = tpu.memref_slice %arg9[%dma_start3A_1186, %dma_start3A_1188, %dma_start3A_1189] : memref<4x128x128xf32, #tpu.memory_space<vmem>> -> memref<1x128x128xf32, #tpu.memory_space<vmem>>
    %dma_start3A_1191 = tpu.memref_squeeze %dma_start3A_1190 : memref<1x128x128xf32, #tpu.memory_space<vmem>> -> memref<128x128xf32, #tpu.memory_space<vmem>>
    %dma_start3A_1192 = arith.constant 2816 : i32
    %dma_start3A_1193 = tpu.memref_slice %arg8[%dma_start3A_1192] : memref<3328xi32, #tpu.memory_space<vmem>> -> memref<128xi32, #tpu.memory_space<vmem>>
    %dma_start3A_1194 = arith.constant 0 : i32
    %dma_start3A_1195 = arith.constant 0 : i32
    %dma_start3A_1196 = tpu.memref_slice %arg4[%dma_start3A_1194, %dma_start3A_1195] : memref<1004x128xf32, #tpu.memory_space<hbm>> -> memref<1004x128xf32, #tpu.memory_space<hbm>>
    %dma_start3A_1197 = tpu.memref_slice %arg10[%dma_start3A_1187] : memref<4x!tpu.dma_semaphore, #tpu.memory_space<semaphore_mem>> -> memref<1x!tpu.dma_semaphore, #tpu.memory_space<semaphore_mem>>
    %dma_start3A_1198 = tpu.memref_squeeze %dma_start3A_1197 : memref<1x!tpu.dma_semaphore, #tpu.memory_space<semaphore_mem>> -> memref<!tpu.dma_semaphore, #tpu.memory_space<semaphore_mem>>
    tpu.enqueue_indirect_dma source(%dma_start3A_1196 : memref<1004x128xf32, #tpu.memory_space<hbm>>) target(%dma_start3A_1191 : memref<128x128xf32, #tpu.memory_space<vmem>>) offsets(%dma_start3A_1193 : memref<128xi32, #tpu.memory_space<vmem>>) semaphore(%dma_start3A_1198 : memref<!tpu.dma_semaphore, #tpu.memory_space<semaphore_mem>>)
    %dma_wait3A_1199 = arith.constant 3 : i32
    %dma_wait3A_1200 = arith.constant 3 : i32
    %dma_wait3A_1201 = arith.constant 0 : i32
    %dma_wait3A_1202 = arith.constant 0 : i32
    %dma_wait3A_1203 = tpu.memref_slice %arg9[%dma_wait3A_1199, %dma_wait3A_1201, %dma_wait3A_1202] : memref<4x128x128xf32, #tpu.memory_space<vmem>> -> memref<1x128x128xf32, #tpu.memory_space<vmem>>
    %dma_wait3A_1204 = tpu.memref_squeeze %dma_wait3A_1203 : memref<1x128x128xf32, #tpu.memory_space<vmem>> -> memref<128x128xf32, #tpu.memory_space<vmem>>
    %dma_wait3A_1205 = arith.constant 2432 : i32
    %dma_wait3A_1206 = tpu.memref_slice %arg8[%dma_wait3A_1205] : memref<3328xi32, #tpu.memory_space<vmem>> -> memref<128xi32, #tpu.memory_space<vmem>>
    %dma_wait3A_1207 = arith.constant 0 : i32
    %dma_wait3A_1208 = arith.constant 0 : i32
    %dma_wait3A_1209 = tpu.memref_slice %arg4[%dma_wait3A_1207, %dma_wait3A_1208] : memref<1004x128xf32, #tpu.memory_space<hbm>> -> memref<1004x128xf32, #tpu.memory_space<hbm>>
    %dma_wait3A_1210 = tpu.memref_slice %arg10[%dma_wait3A_1200] : memref<4x!tpu.dma_semaphore, #tpu.memory_space<semaphore_mem>> -> memref<1x!tpu.dma_semaphore, #tpu.memory_space<semaphore_mem>>
    %dma_wait3A_1211 = tpu.memref_squeeze %dma_wait3A_1210 : memref<1x!tpu.dma_semaphore, #tpu.memory_space<semaphore_mem>> -> memref<!tpu.dma_semaphore, #tpu.memory_space<semaphore_mem>>
    tpu.wait_indirect_dma semaphore(%dma_wait3A_1211 : memref<!tpu.dma_semaphore, #tpu.memory_space<semaphore_mem>>) src(%dma_wait3A_1209 : memref<1004x128xf32, #tpu.memory_space<hbm>>) dst(%dma_wait3A_1204 : memref<128x128xf32, #tpu.memory_space<vmem>>)
    %add3A_1212 = arith.constant 2432 : i32
    %add3A_1213 = arith.addi %mul3A_2, %add3A_1212 : i32
    %dma_start3A_1214 = arith.constant 3 : i32
    %dma_start3A_1215 = arith.constant 3 : i32
    %dma_start3A_1216 = arith.constant 0 : i32
    %dma_start3A_1217 = arith.constant 0 : i32
    %dma_start3A_1218 = tpu.memref_slice %arg9[%dma_start3A_1214, %dma_start3A_1216, %dma_start3A_1217] : memref<4x128x128xf32, #tpu.memory_space<vmem>> -> memref<1x128x128xf32, #tpu.memory_space<vmem>>
    %dma_start3A_1219 = tpu.memref_squeeze %dma_start3A_1218 : memref<1x128x128xf32, #tpu.memory_space<vmem>> -> memref<128x128xf32, #tpu.memory_space<vmem>>
    %dma_start3A_1220 = arith.constant 0 : i32
    %dma_start3A_1221 = tpu.memref_slice %arg5[%add3A_1213, %dma_start3A_1220] : memref<106496x128xf32, #tpu.memory_space<hbm>> -> memref<128x128xf32, #tpu.memory_space<hbm>>
    %dma_start3A_1222 = tpu.memref_slice %arg11[%dma_start3A_1215] : memref<4x!tpu.dma_semaphore, #tpu.memory_space<semaphore_mem>> -> memref<1x!tpu.dma_semaphore, #tpu.memory_space<semaphore_mem>>
    %dma_start3A_1223 = tpu.memref_squeeze %dma_start3A_1222 : memref<1x!tpu.dma_semaphore, #tpu.memory_space<semaphore_mem>> -> memref<!tpu.dma_semaphore, #tpu.memory_space<semaphore_mem>>
    %dma_start3A_1224 = arith.constant 0 : i32
    %dma_start3A_1225 = tpu.memref_slice %arg5[%add3A_1213, %dma_start3A_1224] : memref<106496x128xf32, #tpu.memory_space<hbm>> -> memref<128x128xf32, #tpu.memory_space<hbm>>
    %dma_start3A_1226 = arith.constant 0 : i32
    %dma_start3A_1227 = arith.constant 0 : i32
    %dma_start3A_1228 = tpu.memref_slice %arg9[%dma_start3A_1214, %dma_start3A_1226, %dma_start3A_1227] : memref<4x128x128xf32, #tpu.memory_space<vmem>> -> memref<1x128x128xf32, #tpu.memory_space<vmem>>
    %dma_start3A_1229 = tpu.memref_squeeze %dma_start3A_1228 : memref<1x128x128xf32, #tpu.memory_space<vmem>> -> memref<128x128xf32, #tpu.memory_space<vmem>>
    tpu.enqueue_dma source(%dma_start3A_1229 : memref<128x128xf32, #tpu.memory_space<vmem>>) target(%dma_start3A_1225 : memref<128x128xf32, #tpu.memory_space<hbm>>) target_semaphore(%dma_start3A_1223 : memref<!tpu.dma_semaphore, #tpu.memory_space<semaphore_mem>>)
    %dma_wait3A_1230 = arith.constant 3 : i32
    %dma_wait3A_1231 = arith.constant 3 : i32
    %dma_wait3A_1232 = arith.constant 0 : i32
    %dma_wait3A_1233 = arith.constant 0 : i32
    %dma_wait3A_1234 = tpu.memref_slice %arg9[%dma_wait3A_1230, %dma_wait3A_1232, %dma_wait3A_1233] : memref<4x128x128xf32, #tpu.memory_space<vmem>> -> memref<1x128x128xf32, #tpu.memory_space<vmem>>
    %dma_wait3A_1235 = tpu.memref_squeeze %dma_wait3A_1234 : memref<1x128x128xf32, #tpu.memory_space<vmem>> -> memref<128x128xf32, #tpu.memory_space<vmem>>
    %dma_wait3A_1236 = arith.constant 0 : i32
    %dma_wait3A_1237 = tpu.memref_slice %arg5[%add3A_1213, %dma_wait3A_1236] : memref<106496x128xf32, #tpu.memory_space<hbm>> -> memref<128x128xf32, #tpu.memory_space<hbm>>
    %dma_wait3A_1238 = tpu.memref_slice %arg11[%dma_wait3A_1231] : memref<4x!tpu.dma_semaphore, #tpu.memory_space<semaphore_mem>> -> memref<1x!tpu.dma_semaphore, #tpu.memory_space<semaphore_mem>>
    %dma_wait3A_1239 = tpu.memref_squeeze %dma_wait3A_1238 : memref<1x!tpu.dma_semaphore, #tpu.memory_space<semaphore_mem>> -> memref<!tpu.dma_semaphore, #tpu.memory_space<semaphore_mem>>
    %dma_wait3A_1240 = arith.constant 0 : i32
    %dma_wait3A_1241 = tpu.memref_slice %arg5[%add3A_1213, %dma_wait3A_1240] : memref<106496x128xf32, #tpu.memory_space<hbm>> -> memref<128x128xf32, #tpu.memory_space<hbm>>
    %dma_wait3A_1242 = arith.constant 0 : i32
    %dma_wait3A_1243 = arith.constant 0 : i32
    %dma_wait3A_1244 = tpu.memref_slice %arg9[%dma_wait3A_1230, %dma_wait3A_1242, %dma_wait3A_1243] : memref<4x128x128xf32, #tpu.memory_space<vmem>> -> memref<1x128x128xf32, #tpu.memory_space<vmem>>
    %dma_wait3A_1245 = tpu.memref_squeeze %dma_wait3A_1244 : memref<1x128x128xf32, #tpu.memory_space<vmem>> -> memref<128x128xf32, #tpu.memory_space<vmem>>
    tpu.wait_dma2 semaphore(%dma_wait3A_1239 : memref<!tpu.dma_semaphore, #tpu.memory_space<semaphore_mem>>) src(%dma_wait3A_1245 : memref<128x128xf32, #tpu.memory_space<vmem>>) dst(%dma_wait3A_1241 : memref<128x128xf32, #tpu.memory_space<hbm>>)
    %dma_start3A_1246 = arith.constant 3 : i32
    %dma_start3A_1247 = arith.constant 3 : i32
    %dma_start3A_1248 = arith.constant 0 : i32
    %dma_start3A_1249 = arith.constant 0 : i32
    %dma_start3A_1250 = tpu.memref_slice %arg9[%dma_start3A_1246, %dma_start3A_1248, %dma_start3A_1249] : memref<4x128x128xf32, #tpu.memory_space<vmem>> -> memref<1x128x128xf32, #tpu.memory_space<vmem>>
    %dma_start3A_1251 = tpu.memref_squeeze %dma_start3A_1250 : memref<1x128x128xf32, #tpu.memory_space<vmem>> -> memref<128x128xf32, #tpu.memory_space<vmem>>
    %dma_start3A_1252 = arith.constant 2944 : i32
    %dma_start3A_1253 = tpu.memref_slice %arg8[%dma_start3A_1252] : memref<3328xi32, #tpu.memory_space<vmem>> -> memref<128xi32, #tpu.memory_space<vmem>>
    %dma_start3A_1254 = arith.constant 0 : i32
    %dma_start3A_1255 = arith.constant 0 : i32
    %dma_start3A_1256 = tpu.memref_slice %arg4[%dma_start3A_1254, %dma_start3A_1255] : memref<1004x128xf32, #tpu.memory_space<hbm>> -> memref<1004x128xf32, #tpu.memory_space<hbm>>
    %dma_start3A_1257 = tpu.memref_slice %arg10[%dma_start3A_1247] : memref<4x!tpu.dma_semaphore, #tpu.memory_space<semaphore_mem>> -> memref<1x!tpu.dma_semaphore, #tpu.memory_space<semaphore_mem>>
    %dma_start3A_1258 = tpu.memref_squeeze %dma_start3A_1257 : memref<1x!tpu.dma_semaphore, #tpu.memory_space<semaphore_mem>> -> memref<!tpu.dma_semaphore, #tpu.memory_space<semaphore_mem>>
    tpu.enqueue_indirect_dma source(%dma_start3A_1256 : memref<1004x128xf32, #tpu.memory_space<hbm>>) target(%dma_start3A_1251 : memref<128x128xf32, #tpu.memory_space<vmem>>) offsets(%dma_start3A_1253 : memref<128xi32, #tpu.memory_space<vmem>>) semaphore(%dma_start3A_1258 : memref<!tpu.dma_semaphore, #tpu.memory_space<semaphore_mem>>)
    %dma_wait3A_1259 = arith.constant 0 : i32
    %dma_wait3A_1260 = arith.constant 0 : i32
    %dma_wait3A_1261 = arith.constant 0 : i32
    %dma_wait3A_1262 = arith.constant 0 : i32
    %dma_wait3A_1263 = tpu.memref_slice %arg9[%dma_wait3A_1259, %dma_wait3A_1261, %dma_wait3A_1262] : memref<4x128x128xf32, #tpu.memory_space<vmem>> -> memref<1x128x128xf32, #tpu.memory_space<vmem>>
    %dma_wait3A_1264 = tpu.memref_squeeze %dma_wait3A_1263 : memref<1x128x128xf32, #tpu.memory_space<vmem>> -> memref<128x128xf32, #tpu.memory_space<vmem>>
    %dma_wait3A_1265 = arith.constant 2560 : i32
    %dma_wait3A_1266 = tpu.memref_slice %arg8[%dma_wait3A_1265] : memref<3328xi32, #tpu.memory_space<vmem>> -> memref<128xi32, #tpu.memory_space<vmem>>
    %dma_wait3A_1267 = arith.constant 0 : i32
    %dma_wait3A_1268 = arith.constant 0 : i32
    %dma_wait3A_1269 = tpu.memref_slice %arg4[%dma_wait3A_1267, %dma_wait3A_1268] : memref<1004x128xf32, #tpu.memory_space<hbm>> -> memref<1004x128xf32, #tpu.memory_space<hbm>>
    %dma_wait3A_1270 = tpu.memref_slice %arg10[%dma_wait3A_1260] : memref<4x!tpu.dma_semaphore, #tpu.memory_space<semaphore_mem>> -> memref<1x!tpu.dma_semaphore, #tpu.memory_space<semaphore_mem>>
    %dma_wait3A_1271 = tpu.memref_squeeze %dma_wait3A_1270 : memref<1x!tpu.dma_semaphore, #tpu.memory_space<semaphore_mem>> -> memref<!tpu.dma_semaphore, #tpu.memory_space<semaphore_mem>>
    tpu.wait_indirect_dma semaphore(%dma_wait3A_1271 : memref<!tpu.dma_semaphore, #tpu.memory_space<semaphore_mem>>) src(%dma_wait3A_1269 : memref<1004x128xf32, #tpu.memory_space<hbm>>) dst(%dma_wait3A_1264 : memref<128x128xf32, #tpu.memory_space<vmem>>)
    %add3A_1272 = arith.constant 2560 : i32
    %add3A_1273 = arith.addi %mul3A_2, %add3A_1272 : i32
    %dma_start3A_1274 = arith.constant 0 : i32
    %dma_start3A_1275 = arith.constant 0 : i32
    %dma_start3A_1276 = arith.constant 0 : i32
    %dma_start3A_1277 = arith.constant 0 : i32
    %dma_start3A_1278 = tpu.memref_slice %arg9[%dma_start3A_1274, %dma_start3A_1276, %dma_start3A_1277] : memref<4x128x128xf32, #tpu.memory_space<vmem>> -> memref<1x128x128xf32, #tpu.memory_space<vmem>>
    %dma_start3A_1279 = tpu.memref_squeeze %dma_start3A_1278 : memref<1x128x128xf32, #tpu.memory_space<vmem>> -> memref<128x128xf32, #tpu.memory_space<vmem>>
    %dma_start3A_1280 = arith.constant 0 : i32
    %dma_start3A_1281 = tpu.memref_slice %arg5[%add3A_1273, %dma_start3A_1280] : memref<106496x128xf32, #tpu.memory_space<hbm>> -> memref<128x128xf32, #tpu.memory_space<hbm>>
    %dma_start3A_1282 = tpu.memref_slice %arg11[%dma_start3A_1275] : memref<4x!tpu.dma_semaphore, #tpu.memory_space<semaphore_mem>> -> memref<1x!tpu.dma_semaphore, #tpu.memory_space<semaphore_mem>>
    %dma_start3A_1283 = tpu.memref_squeeze %dma_start3A_1282 : memref<1x!tpu.dma_semaphore, #tpu.memory_space<semaphore_mem>> -> memref<!tpu.dma_semaphore, #tpu.memory_space<semaphore_mem>>
    %dma_start3A_1284 = arith.constant 0 : i32
    %dma_start3A_1285 = tpu.memref_slice %arg5[%add3A_1273, %dma_start3A_1284] : memref<106496x128xf32, #tpu.memory_space<hbm>> -> memref<128x128xf32, #tpu.memory_space<hbm>>
    %dma_start3A_1286 = arith.constant 0 : i32
    %dma_start3A_1287 = arith.constant 0 : i32
    %dma_start3A_1288 = tpu.memref_slice %arg9[%dma_start3A_1274, %dma_start3A_1286, %dma_start3A_1287] : memref<4x128x128xf32, #tpu.memory_space<vmem>> -> memref<1x128x128xf32, #tpu.memory_space<vmem>>
    %dma_start3A_1289 = tpu.memref_squeeze %dma_start3A_1288 : memref<1x128x128xf32, #tpu.memory_space<vmem>> -> memref<128x128xf32, #tpu.memory_space<vmem>>
    tpu.enqueue_dma source(%dma_start3A_1289 : memref<128x128xf32, #tpu.memory_space<vmem>>) target(%dma_start3A_1285 : memref<128x128xf32, #tpu.memory_space<hbm>>) target_semaphore(%dma_start3A_1283 : memref<!tpu.dma_semaphore, #tpu.memory_space<semaphore_mem>>)
    %dma_wait3A_1290 = arith.constant 0 : i32
    %dma_wait3A_1291 = arith.constant 0 : i32
    %dma_wait3A_1292 = arith.constant 0 : i32
    %dma_wait3A_1293 = arith.constant 0 : i32
    %dma_wait3A_1294 = tpu.memref_slice %arg9[%dma_wait3A_1290, %dma_wait3A_1292, %dma_wait3A_1293] : memref<4x128x128xf32, #tpu.memory_space<vmem>> -> memref<1x128x128xf32, #tpu.memory_space<vmem>>
    %dma_wait3A_1295 = tpu.memref_squeeze %dma_wait3A_1294 : memref<1x128x128xf32, #tpu.memory_space<vmem>> -> memref<128x128xf32, #tpu.memory_space<vmem>>
    %dma_wait3A_1296 = arith.constant 0 : i32
    %dma_wait3A_1297 = tpu.memref_slice %arg5[%add3A_1273, %dma_wait3A_1296] : memref<106496x128xf32, #tpu.memory_space<hbm>> -> memref<128x128xf32, #tpu.memory_space<hbm>>
    %dma_wait3A_1298 = tpu.memref_slice %arg11[%dma_wait3A_1291] : memref<4x!tpu.dma_semaphore, #tpu.memory_space<semaphore_mem>> -> memref<1x!tpu.dma_semaphore, #tpu.memory_space<semaphore_mem>>
    %dma_wait3A_1299 = tpu.memref_squeeze %dma_wait3A_1298 : memref<1x!tpu.dma_semaphore, #tpu.memory_space<semaphore_mem>> -> memref<!tpu.dma_semaphore, #tpu.memory_space<semaphore_mem>>
    %dma_wait3A_1300 = arith.constant 0 : i32
    %dma_wait3A_1301 = tpu.memref_slice %arg5[%add3A_1273, %dma_wait3A_1300] : memref<106496x128xf32, #tpu.memory_space<hbm>> -> memref<128x128xf32, #tpu.memory_space<hbm>>
    %dma_wait3A_1302 = arith.constant 0 : i32
    %dma_wait3A_1303 = arith.constant 0 : i32
    %dma_wait3A_1304 = tpu.memref_slice %arg9[%dma_wait3A_1290, %dma_wait3A_1302, %dma_wait3A_1303] : memref<4x128x128xf32, #tpu.memory_space<vmem>> -> memref<1x128x128xf32, #tpu.memory_space<vmem>>
    %dma_wait3A_1305 = tpu.memref_squeeze %dma_wait3A_1304 : memref<1x128x128xf32, #tpu.memory_space<vmem>> -> memref<128x128xf32, #tpu.memory_space<vmem>>
    tpu.wait_dma2 semaphore(%dma_wait3A_1299 : memref<!tpu.dma_semaphore, #tpu.memory_space<semaphore_mem>>) src(%dma_wait3A_1305 : memref<128x128xf32, #tpu.memory_space<vmem>>) dst(%dma_wait3A_1301 : memref<128x128xf32, #tpu.memory_space<hbm>>)
    %dma_start3A_1306 = arith.constant 0 : i32
    %dma_start3A_1307 = arith.constant 0 : i32
    %dma_start3A_1308 = arith.constant 0 : i32
    %dma_start3A_1309 = arith.constant 0 : i32
    %dma_start3A_1310 = tpu.memref_slice %arg9[%dma_start3A_1306, %dma_start3A_1308, %dma_start3A_1309] : memref<4x128x128xf32, #tpu.memory_space<vmem>> -> memref<1x128x128xf32, #tpu.memory_space<vmem>>
    %dma_start3A_1311 = tpu.memref_squeeze %dma_start3A_1310 : memref<1x128x128xf32, #tpu.memory_space<vmem>> -> memref<128x128xf32, #tpu.memory_space<vmem>>
    %dma_start3A_1312 = arith.constant 3072 : i32
    %dma_start3A_1313 = tpu.memref_slice %arg8[%dma_start3A_1312] : memref<3328xi32, #tpu.memory_space<vmem>> -> memref<128xi32, #tpu.memory_space<vmem>>
    %dma_start3A_1314 = arith.constant 0 : i32
    %dma_start3A_1315 = arith.constant 0 : i32
    %dma_start3A_1316 = tpu.memref_slice %arg4[%dma_start3A_1314, %dma_start3A_1315] : memref<1004x128xf32, #tpu.memory_space<hbm>> -> memref<1004x128xf32, #tpu.memory_space<hbm>>
    %dma_start3A_1317 = tpu.memref_slice %arg10[%dma_start3A_1307] : memref<4x!tpu.dma_semaphore, #tpu.memory_space<semaphore_mem>> -> memref<1x!tpu.dma_semaphore, #tpu.memory_space<semaphore_mem>>
    %dma_start3A_1318 = tpu.memref_squeeze %dma_start3A_1317 : memref<1x!tpu.dma_semaphore, #tpu.memory_space<semaphore_mem>> -> memref<!tpu.dma_semaphore, #tpu.memory_space<semaphore_mem>>
    tpu.enqueue_indirect_dma source(%dma_start3A_1316 : memref<1004x128xf32, #tpu.memory_space<hbm>>) target(%dma_start3A_1311 : memref<128x128xf32, #tpu.memory_space<vmem>>) offsets(%dma_start3A_1313 : memref<128xi32, #tpu.memory_space<vmem>>) semaphore(%dma_start3A_1318 : memref<!tpu.dma_semaphore, #tpu.memory_space<semaphore_mem>>)
    %dma_wait3A_1319 = arith.constant 1 : i32
    %dma_wait3A_1320 = arith.constant 1 : i32
    %dma_wait3A_1321 = arith.constant 0 : i32
    %dma_wait3A_1322 = arith.constant 0 : i32
    %dma_wait3A_1323 = tpu.memref_slice %arg9[%dma_wait3A_1319, %dma_wait3A_1321, %dma_wait3A_1322] : memref<4x128x128xf32, #tpu.memory_space<vmem>> -> memref<1x128x128xf32, #tpu.memory_space<vmem>>
    %dma_wait3A_1324 = tpu.memref_squeeze %dma_wait3A_1323 : memref<1x128x128xf32, #tpu.memory_space<vmem>> -> memref<128x128xf32, #tpu.memory_space<vmem>>
    %dma_wait3A_1325 = arith.constant 2688 : i32
    %dma_wait3A_1326 = tpu.memref_slice %arg8[%dma_wait3A_1325] : memref<3328xi32, #tpu.memory_space<vmem>> -> memref<128xi32, #tpu.memory_space<vmem>>
    %dma_wait3A_1327 = arith.constant 0 : i32
    %dma_wait3A_1328 = arith.constant 0 : i32
    %dma_wait3A_1329 = tpu.memref_slice %arg4[%dma_wait3A_1327, %dma_wait3A_1328] : memref<1004x128xf32, #tpu.memory_space<hbm>> -> memref<1004x128xf32, #tpu.memory_space<hbm>>
    %dma_wait3A_1330 = tpu.memref_slice %arg10[%dma_wait3A_1320] : memref<4x!tpu.dma_semaphore, #tpu.memory_space<semaphore_mem>> -> memref<1x!tpu.dma_semaphore, #tpu.memory_space<semaphore_mem>>
    %dma_wait3A_1331 = tpu.memref_squeeze %dma_wait3A_1330 : memref<1x!tpu.dma_semaphore, #tpu.memory_space<semaphore_mem>> -> memref<!tpu.dma_semaphore, #tpu.memory_space<semaphore_mem>>
    tpu.wait_indirect_dma semaphore(%dma_wait3A_1331 : memref<!tpu.dma_semaphore, #tpu.memory_space<semaphore_mem>>) src(%dma_wait3A_1329 : memref<1004x128xf32, #tpu.memory_space<hbm>>) dst(%dma_wait3A_1324 : memref<128x128xf32, #tpu.memory_space<vmem>>)
    %add3A_1332 = arith.constant 2688 : i32
    %add3A_1333 = arith.addi %mul3A_2, %add3A_1332 : i32
    %dma_start3A_1334 = arith.constant 1 : i32
    %dma_start3A_1335 = arith.constant 1 : i32
    %dma_start3A_1336 = arith.constant 0 : i32
    %dma_start3A_1337 = arith.constant 0 : i32
    %dma_start3A_1338 = tpu.memref_slice %arg9[%dma_start3A_1334, %dma_start3A_1336, %dma_start3A_1337] : memref<4x128x128xf32, #tpu.memory_space<vmem>> -> memref<1x128x128xf32, #tpu.memory_space<vmem>>
    %dma_start3A_1339 = tpu.memref_squeeze %dma_start3A_1338 : memref<1x128x128xf32, #tpu.memory_space<vmem>> -> memref<128x128xf32, #tpu.memory_space<vmem>>
    %dma_start3A_1340 = arith.constant 0 : i32
    %dma_start3A_1341 = tpu.memref_slice %arg5[%add3A_1333, %dma_start3A_1340] : memref<106496x128xf32, #tpu.memory_space<hbm>> -> memref<128x128xf32, #tpu.memory_space<hbm>>
    %dma_start3A_1342 = tpu.memref_slice %arg11[%dma_start3A_1335] : memref<4x!tpu.dma_semaphore, #tpu.memory_space<semaphore_mem>> -> memref<1x!tpu.dma_semaphore, #tpu.memory_space<semaphore_mem>>
    %dma_start3A_1343 = tpu.memref_squeeze %dma_start3A_1342 : memref<1x!tpu.dma_semaphore, #tpu.memory_space<semaphore_mem>> -> memref<!tpu.dma_semaphore, #tpu.memory_space<semaphore_mem>>
    %dma_start3A_1344 = arith.constant 0 : i32
    %dma_start3A_1345 = tpu.memref_slice %arg5[%add3A_1333, %dma_start3A_1344] : memref<106496x128xf32, #tpu.memory_space<hbm>> -> memref<128x128xf32, #tpu.memory_space<hbm>>
    %dma_start3A_1346 = arith.constant 0 : i32
    %dma_start3A_1347 = arith.constant 0 : i32
    %dma_start3A_1348 = tpu.memref_slice %arg9[%dma_start3A_1334, %dma_start3A_1346, %dma_start3A_1347] : memref<4x128x128xf32, #tpu.memory_space<vmem>> -> memref<1x128x128xf32, #tpu.memory_space<vmem>>
    %dma_start3A_1349 = tpu.memref_squeeze %dma_start3A_1348 : memref<1x128x128xf32, #tpu.memory_space<vmem>> -> memref<128x128xf32, #tpu.memory_space<vmem>>
    tpu.enqueue_dma source(%dma_start3A_1349 : memref<128x128xf32, #tpu.memory_space<vmem>>) target(%dma_start3A_1345 : memref<128x128xf32, #tpu.memory_space<hbm>>) target_semaphore(%dma_start3A_1343 : memref<!tpu.dma_semaphore, #tpu.memory_space<semaphore_mem>>)
    %dma_wait3A_1350 = arith.constant 1 : i32
    %dma_wait3A_1351 = arith.constant 1 : i32
    %dma_wait3A_1352 = arith.constant 0 : i32
    %dma_wait3A_1353 = arith.constant 0 : i32
    %dma_wait3A_1354 = tpu.memref_slice %arg9[%dma_wait3A_1350, %dma_wait3A_1352, %dma_wait3A_1353] : memref<4x128x128xf32, #tpu.memory_space<vmem>> -> memref<1x128x128xf32, #tpu.memory_space<vmem>>
    %dma_wait3A_1355 = tpu.memref_squeeze %dma_wait3A_1354 : memref<1x128x128xf32, #tpu.memory_space<vmem>> -> memref<128x128xf32, #tpu.memory_space<vmem>>
    %dma_wait3A_1356 = arith.constant 0 : i32
    %dma_wait3A_1357 = tpu.memref_slice %arg5[%add3A_1333, %dma_wait3A_1356] : memref<106496x128xf32, #tpu.memory_space<hbm>> -> memref<128x128xf32, #tpu.memory_space<hbm>>
    %dma_wait3A_1358 = tpu.memref_slice %arg11[%dma_wait3A_1351] : memref<4x!tpu.dma_semaphore, #tpu.memory_space<semaphore_mem>> -> memref<1x!tpu.dma_semaphore, #tpu.memory_space<semaphore_mem>>
    %dma_wait3A_1359 = tpu.memref_squeeze %dma_wait3A_1358 : memref<1x!tpu.dma_semaphore, #tpu.memory_space<semaphore_mem>> -> memref<!tpu.dma_semaphore, #tpu.memory_space<semaphore_mem>>
    %dma_wait3A_1360 = arith.constant 0 : i32
    %dma_wait3A_1361 = tpu.memref_slice %arg5[%add3A_1333, %dma_wait3A_1360] : memref<106496x128xf32, #tpu.memory_space<hbm>> -> memref<128x128xf32, #tpu.memory_space<hbm>>
    %dma_wait3A_1362 = arith.constant 0 : i32
    %dma_wait3A_1363 = arith.constant 0 : i32
    %dma_wait3A_1364 = tpu.memref_slice %arg9[%dma_wait3A_1350, %dma_wait3A_1362, %dma_wait3A_1363] : memref<4x128x128xf32, #tpu.memory_space<vmem>> -> memref<1x128x128xf32, #tpu.memory_space<vmem>>
    %dma_wait3A_1365 = tpu.memref_squeeze %dma_wait3A_1364 : memref<1x128x128xf32, #tpu.memory_space<vmem>> -> memref<128x128xf32, #tpu.memory_space<vmem>>
    tpu.wait_dma2 semaphore(%dma_wait3A_1359 : memref<!tpu.dma_semaphore, #tpu.memory_space<semaphore_mem>>) src(%dma_wait3A_1365 : memref<128x128xf32, #tpu.memory_space<vmem>>) dst(%dma_wait3A_1361 : memref<128x128xf32, #tpu.memory_space<hbm>>)
    %dma_start3A_1366 = arith.constant 1 : i32
    %dma_start3A_1367 = arith.constant 1 : i32
    %dma_start3A_1368 = arith.constant 0 : i32
    %dma_start3A_1369 = arith.constant 0 : i32
    %dma_start3A_1370 = tpu.memref_slice %arg9[%dma_start3A_1366, %dma_start3A_1368, %dma_start3A_1369] : memref<4x128x128xf32, #tpu.memory_space<vmem>> -> memref<1x128x128xf32, #tpu.memory_space<vmem>>
    %dma_start3A_1371 = tpu.memref_squeeze %dma_start3A_1370 : memref<1x128x128xf32, #tpu.memory_space<vmem>> -> memref<128x128xf32, #tpu.memory_space<vmem>>
    %dma_start3A_1372 = arith.constant 3200 : i32
    %dma_start3A_1373 = tpu.memref_slice %arg8[%dma_start3A_1372] : memref<3328xi32, #tpu.memory_space<vmem>> -> memref<128xi32, #tpu.memory_space<vmem>>
    %dma_start3A_1374 = arith.constant 0 : i32
    %dma_start3A_1375 = arith.constant 0 : i32
    %dma_start3A_1376 = tpu.memref_slice %arg4[%dma_start3A_1374, %dma_start3A_1375] : memref<1004x128xf32, #tpu.memory_space<hbm>> -> memref<1004x128xf32, #tpu.memory_space<hbm>>
    %dma_start3A_1377 = tpu.memref_slice %arg10[%dma_start3A_1367] : memref<4x!tpu.dma_semaphore, #tpu.memory_space<semaphore_mem>> -> memref<1x!tpu.dma_semaphore, #tpu.memory_space<semaphore_mem>>
    %dma_start3A_1378 = tpu.memref_squeeze %dma_start3A_1377 : memref<1x!tpu.dma_semaphore, #tpu.memory_space<semaphore_mem>> -> memref<!tpu.dma_semaphore, #tpu.memory_space<semaphore_mem>>
    tpu.enqueue_indirect_dma source(%dma_start3A_1376 : memref<1004x128xf32, #tpu.memory_space<hbm>>) target(%dma_start3A_1371 : memref<128x128xf32, #tpu.memory_space<vmem>>) offsets(%dma_start3A_1373 : memref<128xi32, #tpu.memory_space<vmem>>) semaphore(%dma_start3A_1378 : memref<!tpu.dma_semaphore, #tpu.memory_space<semaphore_mem>>)
    %dma_wait3A_1379 = arith.constant 2 : i32
    %dma_wait3A_1380 = arith.constant 2 : i32
    %dma_wait3A_1381 = arith.constant 0 : i32
    %dma_wait3A_1382 = arith.constant 0 : i32
    %dma_wait3A_1383 = tpu.memref_slice %arg9[%dma_wait3A_1379, %dma_wait3A_1381, %dma_wait3A_1382] : memref<4x128x128xf32, #tpu.memory_space<vmem>> -> memref<1x128x128xf32, #tpu.memory_space<vmem>>
    %dma_wait3A_1384 = tpu.memref_squeeze %dma_wait3A_1383 : memref<1x128x128xf32, #tpu.memory_space<vmem>> -> memref<128x128xf32, #tpu.memory_space<vmem>>
    %dma_wait3A_1385 = arith.constant 2816 : i32
    %dma_wait3A_1386 = tpu.memref_slice %arg8[%dma_wait3A_1385] : memref<3328xi32, #tpu.memory_space<vmem>> -> memref<128xi32, #tpu.memory_space<vmem>>
    %dma_wait3A_1387 = arith.constant 0 : i32
    %dma_wait3A_1388 = arith.constant 0 : i32
    %dma_wait3A_1389 = tpu.memref_slice %arg4[%dma_wait3A_1387, %dma_wait3A_1388] : memref<1004x128xf32, #tpu.memory_space<hbm>> -> memref<1004x128xf32, #tpu.memory_space<hbm>>
    %dma_wait3A_1390 = tpu.memref_slice %arg10[%dma_wait3A_1380] : memref<4x!tpu.dma_semaphore, #tpu.memory_space<semaphore_mem>> -> memref<1x!tpu.dma_semaphore, #tpu.memory_space<semaphore_mem>>
    %dma_wait3A_1391 = tpu.memref_squeeze %dma_wait3A_1390 : memref<1x!tpu.dma_semaphore, #tpu.memory_space<semaphore_mem>> -> memref<!tpu.dma_semaphore, #tpu.memory_space<semaphore_mem>>
    tpu.wait_indirect_dma semaphore(%dma_wait3A_1391 : memref<!tpu.dma_semaphore, #tpu.memory_space<semaphore_mem>>) src(%dma_wait3A_1389 : memref<1004x128xf32, #tpu.memory_space<hbm>>) dst(%dma_wait3A_1384 : memref<128x128xf32, #tpu.memory_space<vmem>>)
    %add3A_1392 = arith.constant 2816 : i32
    %add3A_1393 = arith.addi %mul3A_2, %add3A_1392 : i32
    %dma_start3A_1394 = arith.constant 2 : i32
    %dma_start3A_1395 = arith.constant 2 : i32
    %dma_start3A_1396 = arith.constant 0 : i32
    %dma_start3A_1397 = arith.constant 0 : i32
    %dma_start3A_1398 = tpu.memref_slice %arg9[%dma_start3A_1394, %dma_start3A_1396, %dma_start3A_1397] : memref<4x128x128xf32, #tpu.memory_space<vmem>> -> memref<1x128x128xf32, #tpu.memory_space<vmem>>
    %dma_start3A_1399 = tpu.memref_squeeze %dma_start3A_1398 : memref<1x128x128xf32, #tpu.memory_space<vmem>> -> memref<128x128xf32, #tpu.memory_space<vmem>>
    %dma_start3A_1400 = arith.constant 0 : i32
    %dma_start3A_1401 = tpu.memref_slice %arg5[%add3A_1393, %dma_start3A_1400] : memref<106496x128xf32, #tpu.memory_space<hbm>> -> memref<128x128xf32, #tpu.memory_space<hbm>>
    %dma_start3A_1402 = tpu.memref_slice %arg11[%dma_start3A_1395] : memref<4x!tpu.dma_semaphore, #tpu.memory_space<semaphore_mem>> -> memref<1x!tpu.dma_semaphore, #tpu.memory_space<semaphore_mem>>
    %dma_start3A_1403 = tpu.memref_squeeze %dma_start3A_1402 : memref<1x!tpu.dma_semaphore, #tpu.memory_space<semaphore_mem>> -> memref<!tpu.dma_semaphore, #tpu.memory_space<semaphore_mem>>
    %dma_start3A_1404 = arith.constant 0 : i32
    %dma_start3A_1405 = tpu.memref_slice %arg5[%add3A_1393, %dma_start3A_1404] : memref<106496x128xf32, #tpu.memory_space<hbm>> -> memref<128x128xf32, #tpu.memory_space<hbm>>
    %dma_start3A_1406 = arith.constant 0 : i32
    %dma_start3A_1407 = arith.constant 0 : i32
    %dma_start3A_1408 = tpu.memref_slice %arg9[%dma_start3A_1394, %dma_start3A_1406, %dma_start3A_1407] : memref<4x128x128xf32, #tpu.memory_space<vmem>> -> memref<1x128x128xf32, #tpu.memory_space<vmem>>
    %dma_start3A_1409 = tpu.memref_squeeze %dma_start3A_1408 : memref<1x128x128xf32, #tpu.memory_space<vmem>> -> memref<128x128xf32, #tpu.memory_space<vmem>>
    tpu.enqueue_dma source(%dma_start3A_1409 : memref<128x128xf32, #tpu.memory_space<vmem>>) target(%dma_start3A_1405 : memref<128x128xf32, #tpu.memory_space<hbm>>) target_semaphore(%dma_start3A_1403 : memref<!tpu.dma_semaphore, #tpu.memory_space<semaphore_mem>>)
    %dma_wait3A_1410 = arith.constant 3 : i32
    %dma_wait3A_1411 = arith.constant 3 : i32
    %dma_wait3A_1412 = arith.constant 0 : i32
    %dma_wait3A_1413 = arith.constant 0 : i32
    %dma_wait3A_1414 = tpu.memref_slice %arg9[%dma_wait3A_1410, %dma_wait3A_1412, %dma_wait3A_1413] : memref<4x128x128xf32, #tpu.memory_space<vmem>> -> memref<1x128x128xf32, #tpu.memory_space<vmem>>
    %dma_wait3A_1415 = tpu.memref_squeeze %dma_wait3A_1414 : memref<1x128x128xf32, #tpu.memory_space<vmem>> -> memref<128x128xf32, #tpu.memory_space<vmem>>
    %dma_wait3A_1416 = arith.constant 2944 : i32
    %dma_wait3A_1417 = tpu.memref_slice %arg8[%dma_wait3A_1416] : memref<3328xi32, #tpu.memory_space<vmem>> -> memref<128xi32, #tpu.memory_space<vmem>>
    %dma_wait3A_1418 = arith.constant 0 : i32
    %dma_wait3A_1419 = arith.constant 0 : i32
    %dma_wait3A_1420 = tpu.memref_slice %arg4[%dma_wait3A_1418, %dma_wait3A_1419] : memref<1004x128xf32, #tpu.memory_space<hbm>> -> memref<1004x128xf32, #tpu.memory_space<hbm>>
    %dma_wait3A_1421 = tpu.memref_slice %arg10[%dma_wait3A_1411] : memref<4x!tpu.dma_semaphore, #tpu.memory_space<semaphore_mem>> -> memref<1x!tpu.dma_semaphore, #tpu.memory_space<semaphore_mem>>
    %dma_wait3A_1422 = tpu.memref_squeeze %dma_wait3A_1421 : memref<1x!tpu.dma_semaphore, #tpu.memory_space<semaphore_mem>> -> memref<!tpu.dma_semaphore, #tpu.memory_space<semaphore_mem>>
    tpu.wait_indirect_dma semaphore(%dma_wait3A_1422 : memref<!tpu.dma_semaphore, #tpu.memory_space<semaphore_mem>>) src(%dma_wait3A_1420 : memref<1004x128xf32, #tpu.memory_space<hbm>>) dst(%dma_wait3A_1415 : memref<128x128xf32, #tpu.memory_space<vmem>>)
    %add3A_1423 = arith.constant 2944 : i32
    %add3A_1424 = arith.addi %mul3A_2, %add3A_1423 : i32
    %dma_start3A_1425 = arith.constant 3 : i32
    %dma_start3A_1426 = arith.constant 3 : i32
    %dma_start3A_1427 = arith.constant 0 : i32
    %dma_start3A_1428 = arith.constant 0 : i32
    %dma_start3A_1429 = tpu.memref_slice %arg9[%dma_start3A_1425, %dma_start3A_1427, %dma_start3A_1428] : memref<4x128x128xf32, #tpu.memory_space<vmem>> -> memref<1x128x128xf32, #tpu.memory_space<vmem>>
    %dma_start3A_1430 = tpu.memref_squeeze %dma_start3A_1429 : memref<1x128x128xf32, #tpu.memory_space<vmem>> -> memref<128x128xf32, #tpu.memory_space<vmem>>
    %dma_start3A_1431 = arith.constant 0 : i32
    %dma_start3A_1432 = tpu.memref_slice %arg5[%add3A_1424, %dma_start3A_1431] : memref<106496x128xf32, #tpu.memory_space<hbm>> -> memref<128x128xf32, #tpu.memory_space<hbm>>
    %dma_start3A_1433 = tpu.memref_slice %arg11[%dma_start3A_1426] : memref<4x!tpu.dma_semaphore, #tpu.memory_space<semaphore_mem>> -> memref<1x!tpu.dma_semaphore, #tpu.memory_space<semaphore_mem>>
    %dma_start3A_1434 = tpu.memref_squeeze %dma_start3A_1433 : memref<1x!tpu.dma_semaphore, #tpu.memory_space<semaphore_mem>> -> memref<!tpu.dma_semaphore, #tpu.memory_space<semaphore_mem>>
    %dma_start3A_1435 = arith.constant 0 : i32
    %dma_start3A_1436 = tpu.memref_slice %arg5[%add3A_1424, %dma_start3A_1435] : memref<106496x128xf32, #tpu.memory_space<hbm>> -> memref<128x128xf32, #tpu.memory_space<hbm>>
    %dma_start3A_1437 = arith.constant 0 : i32
    %dma_start3A_1438 = arith.constant 0 : i32
    %dma_start3A_1439 = tpu.memref_slice %arg9[%dma_start3A_1425, %dma_start3A_1437, %dma_start3A_1438] : memref<4x128x128xf32, #tpu.memory_space<vmem>> -> memref<1x128x128xf32, #tpu.memory_space<vmem>>
    %dma_start3A_1440 = tpu.memref_squeeze %dma_start3A_1439 : memref<1x128x128xf32, #tpu.memory_space<vmem>> -> memref<128x128xf32, #tpu.memory_space<vmem>>
    tpu.enqueue_dma source(%dma_start3A_1440 : memref<128x128xf32, #tpu.memory_space<vmem>>) target(%dma_start3A_1436 : memref<128x128xf32, #tpu.memory_space<hbm>>) target_semaphore(%dma_start3A_1434 : memref<!tpu.dma_semaphore, #tpu.memory_space<semaphore_mem>>)
    %dma_wait3A_1441 = arith.constant 0 : i32
    %dma_wait3A_1442 = arith.constant 0 : i32
    %dma_wait3A_1443 = arith.constant 0 : i32
    %dma_wait3A_1444 = arith.constant 0 : i32
    %dma_wait3A_1445 = tpu.memref_slice %arg9[%dma_wait3A_1441, %dma_wait3A_1443, %dma_wait3A_1444] : memref<4x128x128xf32, #tpu.memory_space<vmem>> -> memref<1x128x128xf32, #tpu.memory_space<vmem>>
    %dma_wait3A_1446 = tpu.memref_squeeze %dma_wait3A_1445 : memref<1x128x128xf32, #tpu.memory_space<vmem>> -> memref<128x128xf32, #tpu.memory_space<vmem>>
    %dma_wait3A_1447 = arith.constant 3072 : i32
    %dma_wait3A_1448 = tpu.memref_slice %arg8[%dma_wait3A_1447] : memref<3328xi32, #tpu.memory_space<vmem>> -> memref<128xi32, #tpu.memory_space<vmem>>
    %dma_wait3A_1449 = arith.constant 0 : i32
    %dma_wait3A_1450 = arith.constant 0 : i32
    %dma_wait3A_1451 = tpu.memref_slice %arg4[%dma_wait3A_1449, %dma_wait3A_1450] : memref<1004x128xf32, #tpu.memory_space<hbm>> -> memref<1004x128xf32, #tpu.memory_space<hbm>>
    %dma_wait3A_1452 = tpu.memref_slice %arg10[%dma_wait3A_1442] : memref<4x!tpu.dma_semaphore, #tpu.memory_space<semaphore_mem>> -> memref<1x!tpu.dma_semaphore, #tpu.memory_space<semaphore_mem>>
    %dma_wait3A_1453 = tpu.memref_squeeze %dma_wait3A_1452 : memref<1x!tpu.dma_semaphore, #tpu.memory_space<semaphore_mem>> -> memref<!tpu.dma_semaphore, #tpu.memory_space<semaphore_mem>>
    tpu.wait_indirect_dma semaphore(%dma_wait3A_1453 : memref<!tpu.dma_semaphore, #tpu.memory_space<semaphore_mem>>) src(%dma_wait3A_1451 : memref<1004x128xf32, #tpu.memory_space<hbm>>) dst(%dma_wait3A_1446 : memref<128x128xf32, #tpu.memory_space<vmem>>)
    %add3A_1454 = arith.constant 3072 : i32
    %add3A_1455 = arith.addi %mul3A_2, %add3A_1454 : i32
    %dma_start3A_1456 = arith.constant 0 : i32
    %dma_start3A_1457 = arith.constant 0 : i32
    %dma_start3A_1458 = arith.constant 0 : i32
    %dma_start3A_1459 = arith.constant 0 : i32
    %dma_start3A_1460 = tpu.memref_slice %arg9[%dma_start3A_1456, %dma_start3A_1458, %dma_start3A_1459] : memref<4x128x128xf32, #tpu.memory_space<vmem>> -> memref<1x128x128xf32, #tpu.memory_space<vmem>>
    %dma_start3A_1461 = tpu.memref_squeeze %dma_start3A_1460 : memref<1x128x128xf32, #tpu.memory_space<vmem>> -> memref<128x128xf32, #tpu.memory_space<vmem>>
    %dma_start3A_1462 = arith.constant 0 : i32
    %dma_start3A_1463 = tpu.memref_slice %arg5[%add3A_1455, %dma_start3A_1462] : memref<106496x128xf32, #tpu.memory_space<hbm>> -> memref<128x128xf32, #tpu.memory_space<hbm>>
    %dma_start3A_1464 = tpu.memref_slice %arg11[%dma_start3A_1457] : memref<4x!tpu.dma_semaphore, #tpu.memory_space<semaphore_mem>> -> memref<1x!tpu.dma_semaphore, #tpu.memory_space<semaphore_mem>>
    %dma_start3A_1465 = tpu.memref_squeeze %dma_start3A_1464 : memref<1x!tpu.dma_semaphore, #tpu.memory_space<semaphore_mem>> -> memref<!tpu.dma_semaphore, #tpu.memory_space<semaphore_mem>>
    %dma_start3A_1466 = arith.constant 0 : i32
    %dma_start3A_1467 = tpu.memref_slice %arg5[%add3A_1455, %dma_start3A_1466] : memref<106496x128xf32, #tpu.memory_space<hbm>> -> memref<128x128xf32, #tpu.memory_space<hbm>>
    %dma_start3A_1468 = arith.constant 0 : i32
    %dma_start3A_1469 = arith.constant 0 : i32
    %dma_start3A_1470 = tpu.memref_slice %arg9[%dma_start3A_1456, %dma_start3A_1468, %dma_start3A_1469] : memref<4x128x128xf32, #tpu.memory_space<vmem>> -> memref<1x128x128xf32, #tpu.memory_space<vmem>>
    %dma_start3A_1471 = tpu.memref_squeeze %dma_start3A_1470 : memref<1x128x128xf32, #tpu.memory_space<vmem>> -> memref<128x128xf32, #tpu.memory_space<vmem>>
    tpu.enqueue_dma source(%dma_start3A_1471 : memref<128x128xf32, #tpu.memory_space<vmem>>) target(%dma_start3A_1467 : memref<128x128xf32, #tpu.memory_space<hbm>>) target_semaphore(%dma_start3A_1465 : memref<!tpu.dma_semaphore, #tpu.memory_space<semaphore_mem>>)
    %dma_wait3A_1472 = arith.constant 1 : i32
    %dma_wait3A_1473 = arith.constant 1 : i32
    %dma_wait3A_1474 = arith.constant 0 : i32
    %dma_wait3A_1475 = arith.constant 0 : i32
    %dma_wait3A_1476 = tpu.memref_slice %arg9[%dma_wait3A_1472, %dma_wait3A_1474, %dma_wait3A_1475] : memref<4x128x128xf32, #tpu.memory_space<vmem>> -> memref<1x128x128xf32, #tpu.memory_space<vmem>>
    %dma_wait3A_1477 = tpu.memref_squeeze %dma_wait3A_1476 : memref<1x128x128xf32, #tpu.memory_space<vmem>> -> memref<128x128xf32, #tpu.memory_space<vmem>>
    %dma_wait3A_1478 = arith.constant 3200 : i32
    %dma_wait3A_1479 = tpu.memref_slice %arg8[%dma_wait3A_1478] : memref<3328xi32, #tpu.memory_space<vmem>> -> memref<128xi32, #tpu.memory_space<vmem>>
    %dma_wait3A_1480 = arith.constant 0 : i32
    %dma_wait3A_1481 = arith.constant 0 : i32
    %dma_wait3A_1482 = tpu.memref_slice %arg4[%dma_wait3A_1480, %dma_wait3A_1481] : memref<1004x128xf32, #tpu.memory_space<hbm>> -> memref<1004x128xf32, #tpu.memory_space<hbm>>
    %dma_wait3A_1483 = tpu.memref_slice %arg10[%dma_wait3A_1473] : memref<4x!tpu.dma_semaphore, #tpu.memory_space<semaphore_mem>> -> memref<1x!tpu.dma_semaphore, #tpu.memory_space<semaphore_mem>>
    %dma_wait3A_1484 = tpu.memref_squeeze %dma_wait3A_1483 : memref<1x!tpu.dma_semaphore, #tpu.memory_space<semaphore_mem>> -> memref<!tpu.dma_semaphore, #tpu.memory_space<semaphore_mem>>
    tpu.wait_indirect_dma semaphore(%dma_wait3A_1484 : memref<!tpu.dma_semaphore, #tpu.memory_space<semaphore_mem>>) src(%dma_wait3A_1482 : memref<1004x128xf32, #tpu.memory_space<hbm>>) dst(%dma_wait3A_1477 : memref<128x128xf32, #tpu.memory_space<vmem>>)
    %add3A_1485 = arith.constant 3200 : i32
    %add3A_1486 = arith.addi %mul3A_2, %add3A_1485 : i32
    %dma_start3A_1487 = arith.constant 1 : i32
    %dma_start3A_1488 = arith.constant 1 : i32
    %dma_start3A_1489 = arith.constant 0 : i32
    %dma_start3A_1490 = arith.constant 0 : i32
    %dma_start3A_1491 = tpu.memref_slice %arg9[%dma_start3A_1487, %dma_start3A_1489, %dma_start3A_1490] : memref<4x128x128xf32, #tpu.memory_space<vmem>> -> memref<1x128x128xf32, #tpu.memory_space<vmem>>
    %dma_start3A_1492 = tpu.memref_squeeze %dma_start3A_1491 : memref<1x128x128xf32, #tpu.memory_space<vmem>> -> memref<128x128xf32, #tpu.memory_space<vmem>>
    %dma_start3A_1493 = arith.constant 0 : i32
    %dma_start3A_1494 = tpu.memref_slice %arg5[%add3A_1486, %dma_start3A_1493] : memref<106496x128xf32, #tpu.memory_space<hbm>> -> memref<128x128xf32, #tpu.memory_space<hbm>>
    %dma_start3A_1495 = tpu.memref_slice %arg11[%dma_start3A_1488] : memref<4x!tpu.dma_semaphore, #tpu.memory_space<semaphore_mem>> -> memref<1x!tpu.dma_semaphore, #tpu.memory_space<semaphore_mem>>
    %dma_start3A_1496 = tpu.memref_squeeze %dma_start3A_1495 : memref<1x!tpu.dma_semaphore, #tpu.memory_space<semaphore_mem>> -> memref<!tpu.dma_semaphore, #tpu.memory_space<semaphore_mem>>
    %dma_start3A_1497 = arith.constant 0 : i32
    %dma_start3A_1498 = tpu.memref_slice %arg5[%add3A_1486, %dma_start3A_1497] : memref<106496x128xf32, #tpu.memory_space<hbm>> -> memref<128x128xf32, #tpu.memory_space<hbm>>
    %dma_start3A_1499 = arith.constant 0 : i32
    %dma_start3A_1500 = arith.constant 0 : i32
    %dma_start3A_1501 = tpu.memref_slice %arg9[%dma_start3A_1487, %dma_start3A_1499, %dma_start3A_1500] : memref<4x128x128xf32, #tpu.memory_space<vmem>> -> memref<1x128x128xf32, #tpu.memory_space<vmem>>
    %dma_start3A_1502 = tpu.memref_squeeze %dma_start3A_1501 : memref<1x128x128xf32, #tpu.memory_space<vmem>> -> memref<128x128xf32, #tpu.memory_space<vmem>>
    tpu.enqueue_dma source(%dma_start3A_1502 : memref<128x128xf32, #tpu.memory_space<vmem>>) target(%dma_start3A_1498 : memref<128x128xf32, #tpu.memory_space<hbm>>) target_semaphore(%dma_start3A_1496 : memref<!tpu.dma_semaphore, #tpu.memory_space<semaphore_mem>>)
    %dma_wait3A_1503 = arith.constant 2 : i32
    %dma_wait3A_1504 = arith.constant 2 : i32
    %dma_wait3A_1505 = arith.constant 0 : i32
    %dma_wait3A_1506 = arith.constant 0 : i32
    %dma_wait3A_1507 = tpu.memref_slice %arg9[%dma_wait3A_1503, %dma_wait3A_1505, %dma_wait3A_1506] : memref<4x128x128xf32, #tpu.memory_space<vmem>> -> memref<1x128x128xf32, #tpu.memory_space<vmem>>
    %dma_wait3A_1508 = tpu.memref_squeeze %dma_wait3A_1507 : memref<1x128x128xf32, #tpu.memory_space<vmem>> -> memref<128x128xf32, #tpu.memory_space<vmem>>
    %dma_wait3A_1509 = arith.constant 0 : i32
    %dma_wait3A_1510 = tpu.memref_slice %arg5[%add3A_1393, %dma_wait3A_1509] : memref<106496x128xf32, #tpu.memory_space<hbm>> -> memref<128x128xf32, #tpu.memory_space<hbm>>
    %dma_wait3A_1511 = tpu.memref_slice %arg11[%dma_wait3A_1504] : memref<4x!tpu.dma_semaphore, #tpu.memory_space<semaphore_mem>> -> memref<1x!tpu.dma_semaphore, #tpu.memory_space<semaphore_mem>>
    %dma_wait3A_1512 = tpu.memref_squeeze %dma_wait3A_1511 : memref<1x!tpu.dma_semaphore, #tpu.memory_space<semaphore_mem>> -> memref<!tpu.dma_semaphore, #tpu.memory_space<semaphore_mem>>
    %dma_wait3A_1513 = arith.constant 0 : i32
    %dma_wait3A_1514 = tpu.memref_slice %arg5[%add3A_1393, %dma_wait3A_1513] : memref<106496x128xf32, #tpu.memory_space<hbm>> -> memref<128x128xf32, #tpu.memory_space<hbm>>
    %dma_wait3A_1515 = arith.constant 0 : i32
    %dma_wait3A_1516 = arith.constant 0 : i32
    %dma_wait3A_1517 = tpu.memref_slice %arg9[%dma_wait3A_1503, %dma_wait3A_1515, %dma_wait3A_1516] : memref<4x128x128xf32, #tpu.memory_space<vmem>> -> memref<1x128x128xf32, #tpu.memory_space<vmem>>
    %dma_wait3A_1518 = tpu.memref_squeeze %dma_wait3A_1517 : memref<1x128x128xf32, #tpu.memory_space<vmem>> -> memref<128x128xf32, #tpu.memory_space<vmem>>
    tpu.wait_dma2 semaphore(%dma_wait3A_1512 : memref<!tpu.dma_semaphore, #tpu.memory_space<semaphore_mem>>) src(%dma_wait3A_1518 : memref<128x128xf32, #tpu.memory_space<vmem>>) dst(%dma_wait3A_1514 : memref<128x128xf32, #tpu.memory_space<hbm>>)
    %dma_wait3A_1519 = arith.constant 3 : i32
    %dma_wait3A_1520 = arith.constant 3 : i32
    %dma_wait3A_1521 = arith.constant 0 : i32
    %dma_wait3A_1522 = arith.constant 0 : i32
    %dma_wait3A_1523 = tpu.memref_slice %arg9[%dma_wait3A_1519, %dma_wait3A_1521, %dma_wait3A_1522] : memref<4x128x128xf32, #tpu.memory_space<vmem>> -> memref<1x128x128xf32, #tpu.memory_space<vmem>>
    %dma_wait3A_1524 = tpu.memref_squeeze %dma_wait3A_1523 : memref<1x128x128xf32, #tpu.memory_space<vmem>> -> memref<128x128xf32, #tpu.memory_space<vmem>>
    %dma_wait3A_1525 = arith.constant 0 : i32
    %dma_wait3A_1526 = tpu.memref_slice %arg5[%add3A_1424, %dma_wait3A_1525] : memref<106496x128xf32, #tpu.memory_space<hbm>> -> memref<128x128xf32, #tpu.memory_space<hbm>>
    %dma_wait3A_1527 = tpu.memref_slice %arg11[%dma_wait3A_1520] : memref<4x!tpu.dma_semaphore, #tpu.memory_space<semaphore_mem>> -> memref<1x!tpu.dma_semaphore, #tpu.memory_space<semaphore_mem>>
    %dma_wait3A_1528 = tpu.memref_squeeze %dma_wait3A_1527 : memref<1x!tpu.dma_semaphore, #tpu.memory_space<semaphore_mem>> -> memref<!tpu.dma_semaphore, #tpu.memory_space<semaphore_mem>>
    %dma_wait3A_1529 = arith.constant 0 : i32
    %dma_wait3A_1530 = tpu.memref_slice %arg5[%add3A_1424, %dma_wait3A_1529] : memref<106496x128xf32, #tpu.memory_space<hbm>> -> memref<128x128xf32, #tpu.memory_space<hbm>>
    %dma_wait3A_1531 = arith.constant 0 : i32
    %dma_wait3A_1532 = arith.constant 0 : i32
    %dma_wait3A_1533 = tpu.memref_slice %arg9[%dma_wait3A_1519, %dma_wait3A_1531, %dma_wait3A_1532] : memref<4x128x128xf32, #tpu.memory_space<vmem>> -> memref<1x128x128xf32, #tpu.memory_space<vmem>>
    %dma_wait3A_1534 = tpu.memref_squeeze %dma_wait3A_1533 : memref<1x128x128xf32, #tpu.memory_space<vmem>> -> memref<128x128xf32, #tpu.memory_space<vmem>>
    tpu.wait_dma2 semaphore(%dma_wait3A_1528 : memref<!tpu.dma_semaphore, #tpu.memory_space<semaphore_mem>>) src(%dma_wait3A_1534 : memref<128x128xf32, #tpu.memory_space<vmem>>) dst(%dma_wait3A_1530 : memref<128x128xf32, #tpu.memory_space<hbm>>)
    %dma_wait3A_1535 = arith.constant 0 : i32
    %dma_wait3A_1536 = arith.constant 0 : i32
    %dma_wait3A_1537 = arith.constant 0 : i32
    %dma_wait3A_1538 = arith.constant 0 : i32
    %dma_wait3A_1539 = tpu.memref_slice %arg9[%dma_wait3A_1535, %dma_wait3A_1537, %dma_wait3A_1538] : memref<4x128x128xf32, #tpu.memory_space<vmem>> -> memref<1x128x128xf32, #tpu.memory_space<vmem>>
    %dma_wait3A_1540 = tpu.memref_squeeze %dma_wait3A_1539 : memref<1x128x128xf32, #tpu.memory_space<vmem>> -> memref<128x128xf32, #tpu.memory_space<vmem>>
    %dma_wait3A_1541 = arith.constant 0 : i32
    %dma_wait3A_1542 = tpu.memref_slice %arg5[%add3A_1455, %dma_wait3A_1541] : memref<106496x128xf32, #tpu.memory_space<hbm>> -> memref<128x128xf32, #tpu.memory_space<hbm>>
    %dma_wait3A_1543 = tpu.memref_slice %arg11[%dma_wait3A_1536] : memref<4x!tpu.dma_semaphore, #tpu.memory_space<semaphore_mem>> -> memref<1x!tpu.dma_semaphore, #tpu.memory_space<semaphore_mem>>
    %dma_wait3A_1544 = tpu.memref_squeeze %dma_wait3A_1543 : memref<1x!tpu.dma_semaphore, #tpu.memory_space<semaphore_mem>> -> memref<!tpu.dma_semaphore, #tpu.memory_space<semaphore_mem>>
    %dma_wait3A_1545 = arith.constant 0 : i32
    %dma_wait3A_1546 = tpu.memref_slice %arg5[%add3A_1455, %dma_wait3A_1545] : memref<106496x128xf32, #tpu.memory_space<hbm>> -> memref<128x128xf32, #tpu.memory_space<hbm>>
    %dma_wait3A_1547 = arith.constant 0 : i32
    %dma_wait3A_1548 = arith.constant 0 : i32
    %dma_wait3A_1549 = tpu.memref_slice %arg9[%dma_wait3A_1535, %dma_wait3A_1547, %dma_wait3A_1548] : memref<4x128x128xf32, #tpu.memory_space<vmem>> -> memref<1x128x128xf32, #tpu.memory_space<vmem>>
    %dma_wait3A_1550 = tpu.memref_squeeze %dma_wait3A_1549 : memref<1x128x128xf32, #tpu.memory_space<vmem>> -> memref<128x128xf32, #tpu.memory_space<vmem>>
    tpu.wait_dma2 semaphore(%dma_wait3A_1544 : memref<!tpu.dma_semaphore, #tpu.memory_space<semaphore_mem>>) src(%dma_wait3A_1550 : memref<128x128xf32, #tpu.memory_space<vmem>>) dst(%dma_wait3A_1546 : memref<128x128xf32, #tpu.memory_space<hbm>>)
    %dma_wait3A_1551 = arith.constant 1 : i32
    %dma_wait3A_1552 = arith.constant 1 : i32
    %dma_wait3A_1553 = arith.constant 0 : i32
    %dma_wait3A_1554 = arith.constant 0 : i32
    %dma_wait3A_1555 = tpu.memref_slice %arg9[%dma_wait3A_1551, %dma_wait3A_1553, %dma_wait3A_1554] : memref<4x128x128xf32, #tpu.memory_space<vmem>> -> memref<1x128x128xf32, #tpu.memory_space<vmem>>
    %dma_wait3A_1556 = tpu.memref_squeeze %dma_wait3A_1555 : memref<1x128x128xf32, #tpu.memory_space<vmem>> -> memref<128x128xf32, #tpu.memory_space<vmem>>
    %dma_wait3A_1557 = arith.constant 0 : i32
    %dma_wait3A_1558 = tpu.memref_slice %arg5[%add3A_1486, %dma_wait3A_1557] : memref<106496x128xf32, #tpu.memory_space<hbm>> -> memref<128x128xf32, #tpu.memory_space<hbm>>
    %dma_wait3A_1559 = tpu.memref_slice %arg11[%dma_wait3A_1552] : memref<4x!tpu.dma_semaphore, #tpu.memory_space<semaphore_mem>> -> memref<1x!tpu.dma_semaphore, #tpu.memory_space<semaphore_mem>>
    %dma_wait3A_1560 = tpu.memref_squeeze %dma_wait3A_1559 : memref<1x!tpu.dma_semaphore, #tpu.memory_space<semaphore_mem>> -> memref<!tpu.dma_semaphore, #tpu.memory_space<semaphore_mem>>
    %dma_wait3A_1561 = arith.constant 0 : i32
    %dma_wait3A_1562 = tpu.memref_slice %arg5[%add3A_1486, %dma_wait3A_1561] : memref<106496x128xf32, #tpu.memory_space<hbm>> -> memref<128x128xf32, #tpu.memory_space<hbm>>
    %dma_wait3A_1563 = arith.constant 0 : i32
    %dma_wait3A_1564 = arith.constant 0 : i32
    %dma_wait3A_1565 = tpu.memref_slice %arg9[%dma_wait3A_1551, %dma_wait3A_1563, %dma_wait3A_1564] : memref<4x128x128xf32, #tpu.memory_space<vmem>> -> memref<1x128x128xf32, #tpu.memory_space<vmem>>
    %dma_wait3A_1566 = tpu.memref_squeeze %dma_wait3A_1565 : memref<1x128x128xf32, #tpu.memory_space<vmem>> -> memref<128x128xf32, #tpu.memory_space<vmem>>
    tpu.wait_dma2 semaphore(%dma_wait3A_1560 : memref<!tpu.dma_semaphore, #tpu.memory_space<semaphore_mem>>) src(%dma_wait3A_1566 : memref<128x128xf32, #tpu.memory_space<vmem>>) dst(%dma_wait3A_1562 : memref<128x128xf32, #tpu.memory_space<hbm>>)
    return
  }
}

</mosaic_0001>

<sc_bundles>
// kernel: kernel.3.cloned.1.call-start
scs
__scs_entry_jumppad:
0x0: {  	(pc) =	sbr.rel $0x88, $3  }
0x1: {  	(tag) =	ssettag $0x0;
	lr =	simm.s32 $0x1  }
0x2: {  	[smem:$0x3F9E] =	sst lr;
	_ =	strace $0xD0000000  }
0x3: {  	_ = 	snop  }
0x4: {  	_ = 	snop  }
0x5: {  	_ = 	snop  }
0x6: {  	_ = 	snop  }
0x7: {  	_ = 	snop  }
__scs_overlays_trampoline_lowered:
0x8: {  	[smem:$0x3FAD] =	sst s0  }
0x9: {  	[smem:$0x3FAE] =	sst s1  }
0xa: {  	[smem:$0x3FAF] =	sst s2  }
0xb: {  	[smem:$0x3FB0] =	sst s3  }
0xc: {  	[smem:$0x3FB1] =	sst s4  }
0xd: {  	[smem:$0x3FB2] =	sst s5  }
0xe: {  	[smem:$0x3FB3] =	sst s6  }
0xf: {  	[smem:$0x3FB4] =	sst s7  }
0x10: {  	[smem:$0x3FB5] =	sst s8  }
0x11: {  	[smem:$0x3FB6] =	sst s9;
	s0 =	simm.s32 @!p0 $0x0  }
0x12: {  	s1 =	sld [smem:$0x3F9C];
	s0 =	simm.s32 @p0 $0x1  }
0x13: {  	[smem:$0x3FB7] =	sst s0;
	s0 =	simm.s32 @!p1 $0x0  }
0x14: {  	s2 =	sld [smem:$0x3F9B];
	s0 =	simm.s32 @p1 $0x1  }
0x15: {  	[smem:$0x3FB8] =	sst s0;
	s0 =	simm.s32 @!p2 $0x0  }
0x16: {  	s3 =	sld [smem:$0x3FDB];
	s0 =	simm.s32 @p2 $0x1  }
0x17: {  	s4 =	simm.s32 $0x1BF5;
	[smem:$0x3FBA] =	sst s0  }
0x18: {  	s0 =	sld [smem:$0x3F9D];
	_ =	swait.ge [sflag:s4], $0x0  }
0x19: {  	s7 =	sld [smem:$0x3F9E]  }
0x1a: {  	s8 =	sadd.s32 $0xFFFFE003, lr  }
0x1b: {  	s9 =	sadd.s32 $0xFFFFFEF7, lr;
	s5 =	simm.s32 $0xFFFFFFFF;
	p2 =	slt.u32 s8, $0xFFFFF086  }
0x1c: {  	p1 =	slt.u32 s9, $0xF7A;
	s5 =	simm.s32 @!p2 $0x0  }
0x1d: {  	s5 =	simm.s32 @p1 $0x1;
	p0 =	seq.s32 s7, s2  }
0x1e: {  	s7 =	smul.u32 @!p0 $0xF7A, s2;
	p2 =	seq.s32 @!p0 s5, $0x0  }
0x1f: {  	s9 =	smul.u32 $0xF7A, s1;
	s8 =	simm.s32 @!p0 $0x1BF5;
	p2 =	por !p2, p0  }
0x20: {  	[sflag:s8] =	ssyncset.s32 @!p0 $0xFFFFF086;
	s6 =	sadd.s32 @!p0 s3, s7;
	s7 =	simm.s32 @!p0 $0x108  }
0x21: {  	s3 =	sadd.s32 s3, s9;
	s6 =	sadd.s32 @!p0 $0x88, s6;
	s7 =	simm.s32 @p2 $0x1082  }
0x22: {  	[simem:s7], [sflag:s8] =	dma.local @!p0 [hbm:s6], $0xF7A  }
0x23: {  	s9 =	sor.u32 $0xD0000000, s2;
	s6 =	simm.s32 $0x108;
	_ =	swait.ge @!p0 [sflag:s8], $0x0  }
0x24: {  	s3 =	sadd.s32 $0x88, s3;
	s6 =	simm.s32 @!p1 $0x1082;
	[sflag:s4] =	ssyncset.s32 $0xFFFFF086  }
0x25: {  	[simem:s6], [sflag:s4] =	dma.local [hbm:s3], $0xF7A  }
0x26: {  	[smem:$0x3F9E] =	sst s1;
	(tag) =	ssettag s2;
	_ =	strace s9  }
0x27: {  	s1 =	sld [smem:$0x3FAE]  }
0x28: {  	s2 =	sld [smem:$0x3FAF]  }
0x29: {  	s4 =	sld [smem:$0x3FB1]  }
0x2a: {  	p0 =	seq.s32 s5, $0x0;
	s5 =	sld [smem:$0x3FB2]  }
0x2b: {  	s6 =	sld [smem:$0x3FB3]  }
0x2c: {  	s7 =	sld [smem:$0x3FB4]  }
0x2d: {  	s3 =	simm.s32 $0x108;
	s8 =	sld [smem:$0x3FB5]  }
0x2e: {  	s3 =	simm.s32 @!p0 $0x1082;
	s9 =	sld [smem:$0x3FB6]  }
0x2f: {  	lr =	sadd.s32 s0, s3;
	s0 =	sld [smem:$0x3FAD]  }
0x30: {  	s3 =	sld [smem:$0x3FB0]  }
0x31: {  	[smem:$0x3FB9] =	sst s10  }
0x32: {  	s10 =	sld [smem:$0x3FB7];
	_ =	sdelay $0x3  }
0x33: {  	p0 =	seq.s32 s10, $0x1;
	s10 =	sld [smem:$0x3FB9];
	_ =	sdelay $0x3  }
0x34: {  	[smem:$0x3FB9] =	sst s10  }
0x35: {  	s10 =	sld [smem:$0x3FB8];
	_ =	sdelay $0x3  }
0x36: {  	p1 =	seq.s32 s10, $0x1;
	s10 =	sld [smem:$0x3FB9];
	_ =	sdelay $0x3  }
0x37: {  	[smem:$0x3FB9] =	sst s10  }
0x38: {  	s10 =	sld [smem:$0x3FBA]  }
0x39: {  	_ = 	snop;
	(pc) =	sbr.ind lr, $3  }
0x3a: {  	_ = 	snop  }
0x3b: {  	_ = 	snop  }
0x3c: {  	p2 =	seq.s32 s10, $0x1;
	s10 =	sld [smem:$0x3FB9]  }
0x3d: {  	_ =	shalt  }
0x3e: {  	_ =	shalt  }
0x3f: {  	_ =	shalt  }
0x40: {  	_ =	shalt  }
0x41: {  	_ =	shalt  }
0x42: {  	_ =	shalt  }
0x43: {  	_ =	shalt  }
0x44: {  	_ =	shalt  }
0x45: {  	_ =	shalt  }
0x46: {  	_ =	shalt  }
0x47: {  	_ =	shalt  }
0x48: {  	_ =	shalt  }
0x49: {  	_ =	shalt  }
0x4a: {  	_ =	shalt  }
0x4b: {  	_ =	shalt  }
0x4c: {  	_ =	shalt  }
0x4d: {  	_ =	shalt  }
0x4e: {  	_ =	shalt  }
0x4f: {  	_ =	shalt  }
0x50: {  	_ =	shalt  }
0x51: {  	_ =	shalt  }
0x52: {  	_ =	shalt  }
0x53: {  	_ =	shalt  }
0x54: {  	_ =	shalt  }
0x55: {  	_ =	shalt  }
0x56: {  	_ =	shalt  }
0x57: {  	_ =	shalt  }
0x58: {  	_ =	shalt  }
0x59: {  	_ =	shalt  }
0x5a: {  	_ =	shalt  }
0x5b: {  	_ =	shalt  }
0x5c: {  	_ =	shalt  }
0x5d: {  	_ =	shalt  }
0x5e: {  	_ =	shalt  }
0x5f: {  	_ =	shalt  }
0x60: {  	_ =	shalt  }
0x61: {  	_ =	shalt  }
0x62: {  	_ =	shalt  }
0x63: {  	_ =	shalt  }
0x64: {  	_ =	shalt  }
0x65: {  	_ =	shalt  }
0x66: {  	_ =	shalt  }
0x67: {  	_ =	shalt  }
0x68: {  	_ =	shalt  }
0x69: {  	_ =	shalt  }
0x6a: {  	_ =	shalt  }
0x6b: {  	_ =	shalt  }
0x6c: {  	_ =	shalt  }
0x6d: {  	_ =	shalt  }
0x6e: {  	_ =	shalt  }
0x6f: {  	_ =	shalt  }
0x70: {  	_ =	shalt  }
0x71: {  	_ =	shalt  }
0x72: {  	_ =	shalt  }
0x73: {  	_ =	shalt  }
0x74: {  	_ =	shalt  }
0x75: {  	_ =	shalt  }
0x76: {  	_ =	shalt  }
0x77: {  	_ =	shalt  }
0x78: {  	_ =	shalt  }
0x79: {  	_ =	shalt  }
0x7a: {  	_ =	shalt  }
0x7b: {  	_ =	shalt  }
0x7c: {  	_ =	shalt  }
0x7d: {  	_ =	shalt  }
0x7e: {  	_ =	shalt  }
0x7f: {  	_ =	shalt  }
0x80: {  	_ =	shalt  }
0x81: {  	_ =	shalt  }
0x82: {  	_ =	shalt  }
0x83: {  	_ =	shalt  }
0x84: {  	_ =	shalt  }
0x85: {  	_ =	shalt  }
0x86: {  	_ =	shalt  }
0x87: {  	_ =	shalt  }
.Lfunc_end0:
.L_simem_size_0:
called_computation_lowered:
.L_overlay_start_0:
0x88: {  	s2 =	sld [smem:$0x3FD9]  }
0x89: {  	s3 =	sld [smem:$0x3FFE];
	_ =	sdelay $0x1  }
0x8a: {  	s1 =	srdreg.scid  }
0x8b: {  	s0 =	sand.u32 $0x1, s1  }
0x8c: {  	s18 =	sshll.u32 s0, $0xA;
	s2 =	sadd.s32 s3, s2  }
0x8d: {  	s2 =	sadd.s32 s2, s18  }
0x8e: {  	[smem:$0x3FC5] =	sst s2  }
0x8f: {  	_ = 	snop  }
0x90: {  	s2 =	sld [smem:$0x3FC9]  }
0x91: {  	s19 =	sld [smem:$0x3FC8]  }
0x92: {  	s4 =	sld [smem:$0x3FC7]  }
0x93: {  	s5 =	sld [smem:$0x3FD0];
	(tm) =	ssettm $0x1  }
0x94: {  	s6 =	sld [smem:$0x3FFB];
	_ =	sdelay $0x3  }
0x95: {  	_ =	strace s6  }
0x96: {  	s6 =	sld [smem:$0x3FFC];
	_ =	sdelay $0x3  }
0x97: {  	_ =	strace s6  }
0x98: {  	s6 =	sld [smem:$0x3FFD];
	_ =	sdelay $0x3  }
0x99: {  	_ =	strace s6  }
0x9a: {  	_ =	strace $0x8FFFFFFF  }
0x9b: {  	s20 =	sld [smem:$0x3FDB];
	_ =	sdelay $0x1  }
0x9c: {  	s7 =	simm.s32 $_scs_section_size  }
0x9d: {  	s8 =	simm.s32 $_size__tile_overlayer_lowered;
	s9 =	simm.s32 $_tile_overlayer_lowered  }
0x9e: {  	s23 =	simm.s32 $0x1BFF;
	s22 =	sshll.u32 s9, $0x1;
	s6 =	sadd.s32 s7, s20  }
0x9f: {  	s10 =	simm.s32 $0x0;
	s21 =	sshll.u32 s8, $0x1;
	s8 =	sadd.s32 s22, s6  }
0xa0: {  	[timem:s10], [sflag:s23] =	dma.local [hbm:s8], s21  }
0xa1: {  	_ =	swait.ge [sflag:s23], s21  }
0xa2: {  	s7 =	ssub.s32 $0x0, s21;
	[sflag:s23] =	ssyncset.done $0x0  }
0xa3: {  	[sflag:s23] =	ssyncadd.s32 s7;
	_ =	sdelay $0x1  }
0xa4: {  	s24 =	simm.s32 $0x1B8B  }
0xa5: {  	_ =	swait.ge [sflag:s24], $0x1  }
0xa6: {  	[sflag:s24] =	ssyncset.done $0x0  }
0xa7: {  	s25 =	simm.s32 $0x1B8E;
	[sflag:s24] =	ssyncadd.s32 $0xFFFFFFFF  }
0xa8: {  	s26 =	simm.s32 $execute0_lowered;
	[smem:$0x3FD2] =	sst s25  }
0xa9: {  	s7 =	sshll.u32 s26, $0x1;
	_ =	strace $0x80000046;
	[dreg:$0x1] =	wrdreg $0xFFFFFFFF  }
0xaa: {  	s28 =	simm.s32 $_size_execute0_lowered;
	s6 =	sadd.s32 s6, s7;
	[dreg:$0x0] =	wrdreg $0x0  }
0xab: {  	s7 =	sshll.u32 s28, $0x1;
	[dreg:$0x2] =	wrdreg s6  }
0xac: {  	[dreg:$0x3] =	wrdreg s7  }
0xad: {  	[dreg:$0x4] =	wrdreg $0xC0  }
0xae: {  	_ =	task [dreg:s10], $0x5FFFF  }
0xaf: {  	[dreg:$0x1] =	wrdreg $0xFFFFFFFF  }
0xb0: {  	[dreg:$0x0] =	wrdreg $0x60  }
0xb1: {  	[dreg:$0x2] =	wrdreg s2  }
0xb2: {  	[dreg:$0x3] =	wrdreg s19  }
0xb3: {  	[dreg:$0x4] =	wrdreg s4  }
0xb4: {  	[dreg:$0x5] =	wrdreg s5  }
0xb5: {  	[dreg:$0x6] =	wrdreg $0x9  }
0xb6: {  	_ =	task.clear_ibuf [dreg:s10], $0x7FFFF;
	_ =	strace $0x90000046  }
0xb7: {  	s29 =	simm.s32 $0x9;
	_ =	strace $0x80000048  }
0xb8: {  	_ =	swait.ge [sflag:s29], $0x1  }
0xb9: {  	[sflag:s29] =	ssyncadd.s32 $0xFFFFFFFF  }
0xba: {  	_ =	strace $0x90000048  }
0xbb: {  	_ =	sfence  }
0xbc: {  	s30 =	sld [smem:$0x0];
	_ =	sdelay $0x2  }
0xbd: {  	s31 =	sshll.u32 s1, $0xD;
	s1 =	sshrl.u32 s1, $0x2  }
0xbe: {  	s3 =	sand.u32 $0x4000, s31;
	s1 =	sadd.s32 s1, s30  }
0xbf: {  	s0 =	sor.u32 s3, s0;
	s1 =	sshll.u32 s1, $0x11  }
0xc0: {  	s0 =	sor.u32 s1, s0  }
0xc1: {  	s0 =	sadd.s32 $0x8F2B, s0  }
0xc2: {  	[sflag:s0] =	ssyncadd.remote.s32 $0x1  }
0xc3: {  	_ =	sfence.sel $0xFFFF  }
0xc4: {  	[dreg:$0x0] =	wrdreg $0xFFFFFFFF;
	(pc) =	sbr.abs _section_cstart, $3  }
0xc5: {  	[dreg:$0x1] =	wrdreg $0xFFFFFFFF  }
0xc6: {  	_ =	task.clear_ibuf [dreg:s10], $0x2FFFF;
	_ =	strace $0x9FFFFFFF  }
0xc7: {  	(tm) =	ssettm $0x7FFFFFFF  }
tec
execute0_lowered:
.L_overlay_start_1:
0x0: {  	(tag) =	ssettag $0x1  }
0x1: {  	s3 =	srdreg.scid;
	s6 =	stileid.u32  }
0x2: {  	s0 =	rddreg [dreg:$0x0];
	s5 =	sand.u32 $0x1, s3;
	s6 =	sshll.u32 s6, $0x1  }
0x3: {  	s1 =	rddreg [dreg:$0x1];
	s6 =	sor.u32 s5, s6  }
0x4: {  	s2 =	rddreg [dreg:$0x2];
	s3 =	simm.s32 $0x0;
	s7 =	smul.u32 $0x68000, s6  }
0x5: {  	[smem:$0x7FF] =	sst s3;
	s5 =	ssub.s32 $0x2, s5;
	s9 =	smul.u32 $0x1A0, s6  }
0x6: {  	s4 =	rddreg [dreg:$0x3];
	_ =	strace $0x80000047;
	s8 =	sshrl.u32 s5, $0x1  }
0x7: {  	s5 =	ssub.s32 s5, s8;
	s7 =	sshrl.u32 s7, $0x3;
	s0 =	sadd.s32 s0, s9  }
0x8: {  	s8 =	sadd.s32 s1, s9;
	[dreg:$0x5] =	wrdreg s0;
	s9 =	sadd.s32 s4, s7  }
0x9: {  	[dreg:$0x6] =	wrdreg s8;
	s10 =	sadd.s32 $0x1000, s9  }
0xa: {  	s11 =	sadd.s32 $0x1800, s9;
	[dreg:$0x7] =	wrdreg s10  }
0xb: {  	s12 =	sadd.s32 $0x2000, s9;
	[dreg:$0x8] =	wrdreg s11  }
0xc: {  	s13 =	sadd.s32 $0x2800, s9;
	[dreg:$0x9] =	wrdreg s12  }
0xd: {  	s14 =	sadd.s32 $0x3000, s9;
	[dreg:$0xa] =	wrdreg s13  }
0xe: {  	s15 =	sadd.s32 $0x3800, s9;
	[dreg:$0xb] =	wrdreg s14  }
0xf: {  	s16 =	sadd.s32 $0x4000, s9;
	[dreg:$0xc] =	wrdreg s15  }
0x10: {  	s6 =	smul.u32 $0xD000, s6;
	s17 =	sadd.s32 $0x4800, s9;
	[dreg:$0xd] =	wrdreg s16  }
0x11: {  	s1 =	smax.u32 s5, $0x1;
	s18 =	sadd.s32 $0x5000, s9;
	[dreg:$0xe] =	wrdreg s17  }
0x12: {  	s5 =	simm.s32 $0x80;
	s19 =	sadd.s32 $0x5800, s9;
	[dreg:$0xf] =	wrdreg s18  }
0x13: {  	s4 =	sadd.s32 s4, s6;
	s20 =	sadd.s32 $0x6000, s9;
	[dreg:$0x10] =	wrdreg s19  }
0x14: {  	s7 =	simm.s32 $0x2700;
	s21 =	sadd.s32 $0x6800, s9;
	[dreg:$0x11] =	wrdreg s20  }
0x15: {  	s8 =	simm.s32 $0x6700;
	s22 =	sadd.s32 $0x7000, s9;
	[dreg:$0x12] =	wrdreg s21  }
0x16: {  	s6 =	simm.s32 $0x4;
	s23 =	sadd.s32 $0x7800, s9;
	[dreg:$0x13] =	wrdreg s22  }
0x17: {  	s24 =	sadd.s32 $0x8000, s9;
	s25 =	sadd.s32 $0x8800, s9;
	[dreg:$0x14] =	wrdreg s23  }
0x18: {  	s26 =	sadd.s32 $0x9000, s9;
	s28 =	sadd.s32 $0xB000, s9;
	[dreg:$0x15] =	wrdreg s24  }
0x19: {  	s29 =	sadd.s32 $0xB800, s9;
	s30 =	sadd.s32 $0xC000, s9;
	[dreg:$0x16] =	wrdreg s25  }
0x1a: {  	s31 =	sadd.s32 $0xC800, s9;
	s0 =	sadd.s32 $0x800, s4;
	[dreg:$0x17] =	wrdreg s26  }
0x1b: {  	s24 =	sadd.s32 $0x9800, s9;
	s25 =	sadd.s32 $0xA000, s9;
	s26 =	sadd.s32 $0xA800, s9  }
0x1c: {  	s23 =	smov.u32 s4;
	s4 =	simm.s32 $0x9;
	s9 =	simm.s32 $0xA700  }
0x1d: {  	s10 =	simm.s32 $0xE700;
	s11 =	simm.s32 $0x1;
	s12 =	simm.s32 $0x5  }
0x1e: {  	s13 =	simm.s32 $0x2;
	s14 =	simm.s32 $0x6;
	s15 =	simm.s32 $0x3  }
0x1f: {  	s16 =	simm.s32 $0x7;
	s17 =	simm.s32 $0x8;
	s18 =	simm.s32 $0x0  }
.LBB2_1:
0x20: {  	s19 =	rddreg [dreg:$0x5]  }
0x21: {  	[tilespmem:s3], [sflag:$0x9] =	stream.linear.gather [hbm4b:s19+s3], $0xD00, $0x38;
	[tilespmem:$0x12700] =	vst v63  }
0x22: {  	_ =	swait.ge [sflag:s4], $0xD00  }
0x23: {  	[sflag:s4] =	ssyncset.done $0x0  }
0x24: {  	s20 =	simm.s32 $0xD00;
	s22 =	rddreg [dreg:$0x6];
	[sflag:s4] =	ssyncadd.s32 $0xFFFFF300  }
0x25: {  	[tilespmem:s20], [sflag:$0x9] =	stream.linear.gather [hbm4b:s22+s3], $0xD00, $0x38;
	[tilespmem:$0x12700] =	vst v63  }
0x26: {  	_ =	swait.ge [sflag:s4], $0xD00  }
0x27: {  	[sflag:s4] =	ssyncset.done $0x0  }
0x28: {  	s19 =	simm.s32 $0x0;
	[sflag:s4] =	ssyncadd.s32 $0xFFFFF300  }
0x29: {  	v0 =	vld [tilespmem:s19+$0x0];
	_ =	sdelay $0x4  }
0x2a: {  	s20 =	simm.s32 $0x10;
	v0 =	vmax.f32 v0, $0.0e+00  }
0x2b: {  	v1 =	vld [tilespmem:s20+$0x0];
	v0 =	vmin.f32 v0, $1.000000000e+00  }
0x2c: {  	v0 =	vmul.f32 $1.000000000e+03, v0;
	_ =	sdelay $0x1  }
0x2d: {  	v2 =	vtrunc.f32 v0;
	v0 =	vld [tilespmem:s19+$0xD00]  }
0x2e: {  	s21 =	simm.s32 $0x80;
	v2 =	vcvt.f32.s32 v2  }
.LBB2_2:
0x2f: {  	s22 =	sshra.s32 s21, $0x2;
	p0 =	sne.s32 s21, $0x33C0;
	s21 =	sadd.s32 $0x40, s21;
	v3 =	vmax.f32 v1, $0.0e+00  }
.Ltmp0:
0x30: {  	v1 =	vld [tilespmem:s22+$0x0];
	v3 =	vmin.f32 v3, $1.000000000e+00;
	v2 =	vadd.s32 $0x4, v2;
	(pc) =	sbr.rel @p0 .LBB2_2-.Ltmp0, $4  }
0x31: {  	v3 =	vmul.f32 $1.000000000e+03, v3;
	vm0 =	vlt.s32 v2, $0x3EB  }
0x32: {  	v2 =	vnsel vm0, $0x3EB, v2;
	vm0 =	veq.s32 v0, $0x0  }
0x33: {  	v3 =	vtrunc.f32 v3;
	v4 =	vsel vm0, v2, v0;
	v0 =	vld [tilespmem:s20+$0xD00]  }
0x34: {  	v2 =	vcvt.f32.s32 v3;
	[tilespmem:s19+$0x1A00] =	vst v4;
	s19 =	smov.u32 s20;
	s20 =	smov.u32 s22  }
0x35: {  	v1 =	vmax.f32 v1, $0.0e+00  }
0x36: {  	v1 =	vmin.f32 v1, $1.000000000e+00  }
0x37: {  	v1 =	vmul.f32 $1.000000000e+03, v1;
	_ =	sdelay $0x1  }
0x38: {  	v3 =	vld [tilespmem:s20+$0xD00];
	v1 =	vtrunc.f32 v1  }
0x39: {  	v1 =	vcvt.f32.s32 v1  }
0x3a: {  	v2 =	vadd.s32 $0x4, v2  }
0x3b: {  	vm0 =	vlt.s32 v2, $0x3EB;
	v1 =	vadd.s32 $0x4, v1  }
0x3c: {  	v2 =	vnsel vm0, $0x3EB, v2;
	vm14 =	veq.s32 v0, $0x0;
	vm1 =	vlt.s32 v1, $0x3EB  }
0x3d: {  	v0 =	vsel vm14, v2, v0;
	vm15 =	veq.s32 v3, $0x0;
	v1 =	vnsel vm1, $0x3EB, v1  }
0x3e: {  	[tilespmem:s19+$0x1A00] =	vst v0;
	v63 =	vsel vm15, v1, v3  }
0x3f: {  	s22 =	simm.s32 $0x1A00;
	[tilespmem:s20+$0x1A00] =	vst v63  }
0x40: {  	[tilespmem:s7], [sflag:$0x1] =	stream.indirect.gather [hbm4b:s2+s5], $0x80, s22, s5, $0xb8;
	[tilespmem:$0x12700] =	vst v63  }
0x41: {  	s20 =	simm.s32 $0x1A80  }
0x42: {  	[tilespmem:s8], [sflag:$0x2] =	stream.indirect.gather [hbm4b:s2+s5], $0x80, s20, s5, $0xb8;
	[tilespmem:$0x12700] =	vst v63  }
0x43: {  	s21 =	simm.s32 $0x1B00  }
0x44: {  	[tilespmem:s9], [sflag:$0x3] =	stream.indirect.gather [hbm4b:s2+s5], $0x80, s21, s5, $0xb8;
	[tilespmem:$0x12700] =	vst v63  }
0x45: {  	s22 =	simm.s32 $0x1B80  }
0x46: {  	[tilespmem:s10], [sflag:$0x4] =	stream.indirect.gather [hbm4b:s2+s5], $0x80, s22, s5, $0xb8;
	[tilespmem:$0x12700] =	vst v63  }
0x47: {  	_ =	swait.ge [sflag:s11], $0x4000  }
0x48: {  	[sflag:s11] =	ssyncset.done $0x0  }
0x49: {  	[sflag:s11] =	ssyncadd.s32 $0xFFFFC000  }
0x4a: {  	[hbm4b:s23+s3] =	stream.linear.scatter [tilespmem:s7], [sflag:$0x5], $0x4000, $0x38;
	[tilespmem:$0x12700] =	vst v63  }
0x4b: {  	_ =	swait.ge [sflag:s12], $0x4000  }
0x4c: {  	[sflag:s12] =	ssyncset.done $0x0  }
0x4d: {  	s20 =	simm.s32 $0x1C00;
	[sflag:s12] =	ssyncadd.s32 $0xFFFFC000  }
0x4e: {  	[tilespmem:s7], [sflag:$0x1] =	stream.indirect.gather [hbm4b:s2+s5], $0x80, s20, s5, $0xb8;
	[tilespmem:$0x12700] =	vst v63  }
0x4f: {  	_ =	swait.ge [sflag:s13], $0x4000  }
0x50: {  	[sflag:s13] =	ssyncset.done $0x0  }
0x51: {  	[sflag:s13] =	ssyncadd.s32 $0xFFFFC000  }
0x52: {  	[hbm4b:s0+s3] =	stream.linear.scatter [tilespmem:s8], [sflag:$0x6], $0x4000, $0x38;
	[tilespmem:$0x12700] =	vst v63  }
0x53: {  	_ =	swait.ge [sflag:s14], $0x4000  }
0x54: {  	[sflag:s14] =	ssyncset.done $0x0  }
0x55: {  	s21 =	simm.s32 $0x1C80;
	[sflag:s14] =	ssyncadd.s32 $0xFFFFC000  }
0x56: {  	[tilespmem:s8], [sflag:$0x2] =	stream.indirect.gather [hbm4b:s2+s5], $0x80, s21, s5, $0xb8;
	[tilespmem:$0x12700] =	vst v63  }
0x57: {  	_ =	swait.ge [sflag:s15], $0x4000  }
0x58: {  	[sflag:s15] =	ssyncset.done $0x0  }
0x59: {  	s22 =	rddreg [dreg:$0x7];
	[sflag:s15] =	ssyncadd.s32 $0xFFFFC000  }
0x5a: {  	[hbm4b:s22+s3] =	stream.linear.scatter [tilespmem:s9], [sflag:$0x7], $0x4000, $0x38;
	[tilespmem:$0x12700] =	vst v63  }
0x5b: {  	_ =	swait.ge [sflag:s16], $0x4000  }
0x5c: {  	[sflag:s16] =	ssyncset.done $0x0  }
0x5d: {  	s20 =	simm.s32 $0x1D00;
	[sflag:s16] =	ssyncadd.s32 $0xFFFFC000  }
0x5e: {  	[tilespmem:s9], [sflag:$0x3] =	stream.indirect.gather [hbm4b:s2+s5], $0x80, s20, s5, $0xb8;
	[tilespmem:$0x12700] =	vst v63  }
0x5f: {  	_ =	swait.ge [sflag:s6], $0x4000  }
0x60: {  	[sflag:s6] =	ssyncset.done $0x0  }
0x61: {  	s21 =	rddreg [dreg:$0x8];
	[sflag:s6] =	ssyncadd.s32 $0xFFFFC000  }
0x62: {  	[hbm4b:s21+s3] =	stream.linear.scatter [tilespmem:s10], [sflag:$0x8], $0x4000, $0x38;
	[tilespmem:$0x12700] =	vst v63  }
0x63: {  	_ =	swait.ge [sflag:s17], $0x4000  }
0x64: {  	[sflag:s17] =	ssyncset.done $0x0  }
0x65: {  	s22 =	simm.s32 $0x1D80;
	[sflag:s17] =	ssyncadd.s32 $0xFFFFC000  }
0x66: {  	[tilespmem:s10], [sflag:$0x4] =	stream.indirect.gather [hbm4b:s2+s5], $0x80, s22, s5, $0xb8;
	[tilespmem:$0x12700] =	vst v63  }
0x67: {  	_ =	swait.ge [sflag:s11], $0x4000  }
0x68: {  	[sflag:s11] =	ssyncset.done $0x0  }
0x69: {  	s20 =	rddreg [dreg:$0x9];
	[sflag:s11] =	ssyncadd.s32 $0xFFFFC000  }
0x6a: {  	[hbm4b:s20+s3] =	stream.linear.scatter [tilespmem:s7], [sflag:$0x5], $0x4000, $0x38;
	[tilespmem:$0x12700] =	vst v63  }
0x6b: {  	_ =	swait.ge [sflag:s12], $0x4000  }
0x6c: {  	[sflag:s12] =	ssyncset.done $0x0  }
0x6d: {  	s21 =	simm.s32 $0x1E00;
	[sflag:s12] =	ssyncadd.s32 $0xFFFFC000  }
0x6e: {  	[tilespmem:s7], [sflag:$0x1] =	stream.indirect.gather [hbm4b:s2+s5], $0x80, s21, s5, $0xb8;
	[tilespmem:$0x12700] =	vst v63  }
0x6f: {  	_ =	swait.ge [sflag:s13], $0x4000  }
0x70: {  	[sflag:s13] =	ssyncset.done $0x0  }
0x71: {  	s22 =	rddreg [dreg:$0xa];
	[sflag:s13] =	ssyncadd.s32 $0xFFFFC000  }
0x72: {  	[hbm4b:s22+s3] =	stream.linear.scatter [tilespmem:s8], [sflag:$0x6], $0x4000, $0x38;
	[tilespmem:$0x12700] =	vst v63  }
0x73: {  	_ =	swait.ge [sflag:s14], $0x4000  }
0x74: {  	[sflag:s14] =	ssyncset.done $0x0  }
0x75: {  	s20 =	simm.s32 $0x1E80;
	[sflag:s14] =	ssyncadd.s32 $0xFFFFC000  }
0x76: {  	[tilespmem:s8], [sflag:$0x2] =	stream.indirect.gather [hbm4b:s2+s5], $0x80, s20, s5, $0xb8;
	[tilespmem:$0x12700] =	vst v63  }
0x77: {  	_ =	swait.ge [sflag:s15], $0x4000  }
0x78: {  	[sflag:s15] =	ssyncset.done $0x0  }
0x79: {  	s21 =	rddreg [dreg:$0xb];
	[sflag:s15] =	ssyncadd.s32 $0xFFFFC000  }
0x7a: {  	[hbm4b:s21+s3] =	stream.linear.scatter [tilespmem:s9], [sflag:$0x7], $0x4000, $0x38;
	[tilespmem:$0x12700] =	vst v63  }
0x7b: {  	_ =	swait.ge [sflag:s16], $0x4000  }
0x7c: {  	[sflag:s16] =	ssyncset.done $0x0  }
0x7d: {  	s22 =	simm.s32 $0x1F00;
	[sflag:s16] =	ssyncadd.s32 $0xFFFFC000  }
0x7e: {  	[tilespmem:s9], [sflag:$0x3] =	stream.indirect.gather [hbm4b:s2+s5], $0x80, s22, s5, $0xb8;
	[tilespmem:$0x12700] =	vst v63  }
0x7f: {  	_ =	swait.ge [sflag:s6], $0x4000  }
0x80: {  	[sflag:s6] =	ssyncset.done $0x0  }
0x81: {  	s20 =	rddreg [dreg:$0xc];
	[sflag:s6] =	ssyncadd.s32 $0xFFFFC000  }
0x82: {  	[hbm4b:s20+s3] =	stream.linear.scatter [tilespmem:s10], [sflag:$0x8], $0x4000, $0x38;
	[tilespmem:$0x12700] =	vst v63  }
0x83: {  	_ =	swait.ge [sflag:s17], $0x4000  }
0x84: {  	[sflag:s17] =	ssyncset.done $0x0  }
0x85: {  	s21 =	simm.s32 $0x1F80;
	[sflag:s17] =	ssyncadd.s32 $0xFFFFC000  }
0x86: {  	[tilespmem:s10], [sflag:$0x4] =	stream.indirect.gather [hbm4b:s2+s5], $0x80, s21, s5, $0xb8;
	[tilespmem:$0x12700] =	vst v63  }
0x87: {  	_ =	swait.ge [sflag:s11], $0x4000  }
0x88: {  	[sflag:s11] =	ssyncset.done $0x0  }
0x89: {  	s22 =	rddreg [dreg:$0xd];
	[sflag:s11] =	ssyncadd.s32 $0xFFFFC000  }
0x8a: {  	[hbm4b:s22+s3] =	stream.linear.scatter [tilespmem:s7], [sflag:$0x5], $0x4000, $0x38;
	[tilespmem:$0x12700] =	vst v63  }
0x8b: {  	_ =	swait.ge [sflag:s12], $0x4000  }
0x8c: {  	[sflag:s12] =	ssyncset.done $0x0  }
0x8d: {  	s20 =	simm.s32 $0x2000;
	[sflag:s12] =	ssyncadd.s32 $0xFFFFC000  }
0x8e: {  	[tilespmem:s7], [sflag:$0x1] =	stream.indirect.gather [hbm4b:s2+s5], $0x80, s20, s5, $0xb8;
	[tilespmem:$0x12700] =	vst v63  }
0x8f: {  	_ =	swait.ge [sflag:s13], $0x4000  }
0x90: {  	[sflag:s13] =	ssyncset.done $0x0  }
0x91: {  	s21 =	rddreg [dreg:$0xe];
	[sflag:s13] =	ssyncadd.s32 $0xFFFFC000  }
0x92: {  	[hbm4b:s21+s3] =	stream.linear.scatter [tilespmem:s8], [sflag:$0x6], $0x4000, $0x38;
	[tilespmem:$0x12700] =	vst v63  }
0x93: {  	_ =	swait.ge [sflag:s14], $0x4000  }
0x94: {  	[sflag:s14] =	ssyncset.done $0x0  }
0x95: {  	s22 =	simm.s32 $0x2080;
	[sflag:s14] =	ssyncadd.s32 $0xFFFFC000  }
0x96: {  	[tilespmem:s8], [sflag:$0x2] =	stream.indirect.gather [hbm4b:s2+s5], $0x80, s22, s5, $0xb8;
	[tilespmem:$0x12700] =	vst v63  }
0x97: {  	_ =	swait.ge [sflag:s15], $0x4000  }
0x98: {  	[sflag:s15] =	ssyncset.done $0x0  }
0x99: {  	s20 =	rddreg [dreg:$0xf];
	[sflag:s15] =	ssyncadd.s32 $0xFFFFC000  }
0x9a: {  	[hbm4b:s20+s3] =	stream.linear.scatter [tilespmem:s9], [sflag:$0x7], $0x4000, $0x38;
	[tilespmem:$0x12700] =	vst v63  }
0x9b: {  	_ =	swait.ge [sflag:s16], $0x4000  }
0x9c: {  	[sflag:s16] =	ssyncset.done $0x0  }
0x9d: {  	s21 =	simm.s32 $0x2100;
	[sflag:s16] =	ssyncadd.s32 $0xFFFFC000  }
0x9e: {  	[tilespmem:s9], [sflag:$0x3] =	stream.indirect.gather [hbm4b:s2+s5], $0x80, s21, s5, $0xb8;
	[tilespmem:$0x12700] =	vst v63  }
0x9f: {  	_ =	swait.ge [sflag:s6], $0x4000  }
0xa0: {  	[sflag:s6] =	ssyncset.done $0x0  }
0xa1: {  	s22 =	rddreg [dreg:$0x10];
	[sflag:s6] =	ssyncadd.s32 $0xFFFFC000  }
0xa2: {  	[hbm4b:s22+s3] =	stream.linear.scatter [tilespmem:s10], [sflag:$0x8], $0x4000, $0x38;
	[tilespmem:$0x12700] =	vst v63  }
0xa3: {  	_ =	swait.ge [sflag:s17], $0x4000  }
0xa4: {  	[sflag:s17] =	ssyncset.done $0x0  }
0xa5: {  	s20 =	simm.s32 $0x2180;
	[sflag:s17] =	ssyncadd.s32 $0xFFFFC000  }
0xa6: {  	[tilespmem:s10], [sflag:$0x4] =	stream.indirect.gather [hbm4b:s2+s5], $0x80, s20, s5, $0xb8;
	[tilespmem:$0x12700] =	vst v63  }
0xa7: {  	_ =	swait.ge [sflag:s11], $0x4000  }
0xa8: {  	[sflag:s11] =	ssyncset.done $0x0  }
0xa9: {  	s21 =	rddreg [dreg:$0x11];
	[sflag:s11] =	ssyncadd.s32 $0xFFFFC000  }
0xaa: {  	[hbm4b:s21+s3] =	stream.linear.scatter [tilespmem:s7], [sflag:$0x5], $0x4000, $0x38;
	[tilespmem:$0x12700] =	vst v63  }
0xab: {  	_ =	swait.ge [sflag:s12], $0x4000  }
0xac: {  	[sflag:s12] =	ssyncset.done $0x0  }
0xad: {  	s22 =	simm.s32 $0x2200;
	[sflag:s12] =	ssyncadd.s32 $0xFFFFC000  }
0xae: {  	[tilespmem:s7], [sflag:$0x1] =	stream.indirect.gather [hbm4b:s2+s5], $0x80, s22, s5, $0xb8;
	[tilespmem:$0x12700] =	vst v63  }
0xaf: {  	_ =	swait.ge [sflag:s13], $0x4000  }
0xb0: {  	[sflag:s13] =	ssyncset.done $0x0  }
0xb1: {  	s20 =	rddreg [dreg:$0x12];
	[sflag:s13] =	ssyncadd.s32 $0xFFFFC000  }
0xb2: {  	[hbm4b:s20+s3] =	stream.linear.scatter [tilespmem:s8], [sflag:$0x6], $0x4000, $0x38;
	[tilespmem:$0x12700] =	vst v63  }
0xb3: {  	_ =	swait.ge [sflag:s14], $0x4000  }
0xb4: {  	[sflag:s14] =	ssyncset.done $0x0  }
0xb5: {  	s21 =	simm.s32 $0x2280;
	[sflag:s14] =	ssyncadd.s32 $0xFFFFC000  }
0xb6: {  	[tilespmem:s8], [sflag:$0x2] =	stream.indirect.gather [hbm4b:s2+s5], $0x80, s21, s5, $0xb8;
	[tilespmem:$0x12700] =	vst v63  }
0xb7: {  	_ =	swait.ge [sflag:s15], $0x4000  }
0xb8: {  	[sflag:s15] =	ssyncset.done $0x0  }
0xb9: {  	s22 =	rddreg [dreg:$0x13];
	[sflag:s15] =	ssyncadd.s32 $0xFFFFC000  }
0xba: {  	[hbm4b:s22+s3] =	stream.linear.scatter [tilespmem:s9], [sflag:$0x7], $0x4000, $0x38;
	[tilespmem:$0x12700] =	vst v63  }
0xbb: {  	_ =	swait.ge [sflag:s16], $0x4000  }
0xbc: {  	[sflag:s16] =	ssyncset.done $0x0  }
0xbd: {  	s20 =	simm.s32 $0x2300;
	[sflag:s16] =	ssyncadd.s32 $0xFFFFC000  }
0xbe: {  	[tilespmem:s9], [sflag:$0x3] =	stream.indirect.gather [hbm4b:s2+s5], $0x80, s20, s5, $0xb8;
	[tilespmem:$0x12700] =	vst v63  }
0xbf: {  	_ =	swait.ge [sflag:s6], $0x4000  }
0xc0: {  	[sflag:s6] =	ssyncset.done $0x0  }
0xc1: {  	s21 =	rddreg [dreg:$0x14];
	[sflag:s6] =	ssyncadd.s32 $0xFFFFC000  }
0xc2: {  	[hbm4b:s21+s3] =	stream.linear.scatter [tilespmem:s10], [sflag:$0x8], $0x4000, $0x38;
	[tilespmem:$0x12700] =	vst v63  }
0xc3: {  	_ =	swait.ge [sflag:s17], $0x4000  }
0xc4: {  	[sflag:s17] =	ssyncset.done $0x0  }
0xc5: {  	s22 =	simm.s32 $0x2380;
	[sflag:s17] =	ssyncadd.s32 $0xFFFFC000  }
0xc6: {  	[tilespmem:s10], [sflag:$0x4] =	stream.indirect.gather [hbm4b:s2+s5], $0x80, s22, s5, $0xb8;
	[tilespmem:$0x12700] =	vst v63  }
0xc7: {  	_ =	swait.ge [sflag:s11], $0x4000  }
0xc8: {  	[sflag:s11] =	ssyncset.done $0x0  }
0xc9: {  	s20 =	rddreg [dreg:$0x15];
	[sflag:s11] =	ssyncadd.s32 $0xFFFFC000  }
0xca: {  	[hbm4b:s20+s3] =	stream.linear.scatter [tilespmem:s7], [sflag:$0x5], $0x4000, $0x38;
	[tilespmem:$0x12700] =	vst v63  }
0xcb: {  	_ =	swait.ge [sflag:s12], $0x4000  }
0xcc: {  	[sflag:s12] =	ssyncset.done $0x0  }
0xcd: {  	s21 =	simm.s32 $0x2400;
	[sflag:s12] =	ssyncadd.s32 $0xFFFFC000  }
0xce: {  	[tilespmem:s7], [sflag:$0x1] =	stream.indirect.gather [hbm4b:s2+s5], $0x80, s21, s5, $0xb8;
	[tilespmem:$0x12700] =	vst v63  }
0xcf: {  	_ =	swait.ge [sflag:s13], $0x4000  }
0xd0: {  	[sflag:s13] =	ssyncset.done $0x0  }
0xd1: {  	s22 =	rddreg [dreg:$0x16];
	[sflag:s13] =	ssyncadd.s32 $0xFFFFC000  }
0xd2: {  	[hbm4b:s22+s3] =	stream.linear.scatter [tilespmem:s8], [sflag:$0x6], $0x4000, $0x38;
	[tilespmem:$0x12700] =	vst v63  }
0xd3: {  	_ =	swait.ge [sflag:s14], $0x4000  }
0xd4: {  	[sflag:s14] =	ssyncset.done $0x0  }
0xd5: {  	s20 =	simm.s32 $0x2480;
	[sflag:s14] =	ssyncadd.s32 $0xFFFFC000  }
0xd6: {  	[tilespmem:s8], [sflag:$0x2] =	stream.indirect.gather [hbm4b:s2+s5], $0x80, s20, s5, $0xb8;
	[tilespmem:$0x12700] =	vst v63  }
0xd7: {  	_ =	swait.ge [sflag:s15], $0x4000  }
0xd8: {  	[sflag:s15] =	ssyncset.done $0x0  }
0xd9: {  	s21 =	rddreg [dreg:$0x17];
	[sflag:s15] =	ssyncadd.s32 $0xFFFFC000  }
0xda: {  	[hbm4b:s21+s3] =	stream.linear.scatter [tilespmem:s9], [sflag:$0x7], $0x4000, $0x38;
	[tilespmem:$0x12700] =	vst v63  }
0xdb: {  	_ =	swait.ge [sflag:s16], $0x4000  }
0xdc: {  	[sflag:s16] =	ssyncset.done $0x0  }
0xdd: {  	s22 =	simm.s32 $0x2500;
	[sflag:s16] =	ssyncadd.s32 $0xFFFFC000  }
0xde: {  	[tilespmem:s9], [sflag:$0x3] =	stream.indirect.gather [hbm4b:s2+s5], $0x80, s22, s5, $0xb8;
	[tilespmem:$0x12700] =	vst v63  }
0xdf: {  	_ =	swait.ge [sflag:s6], $0x4000  }
0xe0: {  	[sflag:s6] =	ssyncset.done $0x0  }
0xe1: {  	[sflag:s6] =	ssyncadd.s32 $0xFFFFC000  }
0xe2: {  	[hbm4b:s24+s3] =	stream.linear.scatter [tilespmem:s10], [sflag:$0x8], $0x4000, $0x38;
	[tilespmem:$0x12700] =	vst v63  }
0xe3: {  	_ =	swait.ge [sflag:s17], $0x4000  }
0xe4: {  	[sflag:s17] =	ssyncset.done $0x0  }
0xe5: {  	s20 =	simm.s32 $0x2580;
	[sflag:s17] =	ssyncadd.s32 $0xFFFFC000  }
0xe6: {  	[tilespmem:s10], [sflag:$0x4] =	stream.indirect.gather [hbm4b:s2+s5], $0x80, s20, s5, $0xb8;
	[tilespmem:$0x12700] =	vst v63  }
0xe7: {  	_ =	swait.ge [sflag:s11], $0x4000  }
0xe8: {  	[sflag:s11] =	ssyncset.done $0x0  }
0xe9: {  	[sflag:s11] =	ssyncadd.s32 $0xFFFFC000  }
0xea: {  	[hbm4b:s25+s3] =	stream.linear.scatter [tilespmem:s7], [sflag:$0x5], $0x4000, $0x38;
	[tilespmem:$0x12700] =	vst v63  }
0xeb: {  	_ =	swait.ge [sflag:s12], $0x4000  }
0xec: {  	[sflag:s12] =	ssyncset.done $0x0  }
0xed: {  	s21 =	simm.s32 $0x2600;
	[sflag:s12] =	ssyncadd.s32 $0xFFFFC000  }
0xee: {  	[tilespmem:s7], [sflag:$0x1] =	stream.indirect.gather [hbm4b:s2+s5], $0x80, s21, s5, $0xb8;
	[tilespmem:$0x12700] =	vst v63  }
0xef: {  	_ =	swait.ge [sflag:s13], $0x4000  }
0xf0: {  	[sflag:s13] =	ssyncset.done $0x0  }
0xf1: {  	[sflag:s13] =	ssyncadd.s32 $0xFFFFC000  }
0xf2: {  	[hbm4b:s26+s3] =	stream.linear.scatter [tilespmem:s8], [sflag:$0x6], $0x4000, $0x38;
	[tilespmem:$0x12700] =	vst v63  }
0xf3: {  	_ =	swait.ge [sflag:s14], $0x4000  }
0xf4: {  	[sflag:s14] =	ssyncset.done $0x0  }
0xf5: {  	s22 =	simm.s32 $0x2680;
	[sflag:s14] =	ssyncadd.s32 $0xFFFFC000  }
0xf6: {  	[tilespmem:s8], [sflag:$0x2] =	stream.indirect.gather [hbm4b:s2+s5], $0x80, s22, s5, $0xb8;
	[tilespmem:$0x12700] =	vst v63  }
0xf7: {  	_ =	swait.ge [sflag:s15], $0x4000  }
0xf8: {  	[sflag:s15] =	ssyncset.done $0x0  }
0xf9: {  	[sflag:s15] =	ssyncadd.s32 $0xFFFFC000  }
0xfa: {  	[hbm4b:s28+s3] =	stream.linear.scatter [tilespmem:s9], [sflag:$0x7], $0x4000, $0x38;
	[tilespmem:$0x12700] =	vst v63  }
0xfb: {  	_ =	swait.ge [sflag:s6], $0x4000  }
0xfc: {  	[sflag:s6] =	ssyncset.done $0x0  }
0xfd: {  	[sflag:s6] =	ssyncadd.s32 $0xFFFFC000  }
0xfe: {  	[hbm4b:s29+s3] =	stream.linear.scatter [tilespmem:s10], [sflag:$0x8], $0x4000, $0x38;
	[tilespmem:$0x12700] =	vst v63  }
0xff: {  	_ =	swait.ge [sflag:s11], $0x4000  }
0x100: {  	[sflag:s11] =	ssyncset.done $0x0  }
0x101: {  	[sflag:s11] =	ssyncadd.s32 $0xFFFFC000  }
0x102: {  	[hbm4b:s30+s3] =	stream.linear.scatter [tilespmem:s7], [sflag:$0x5], $0x4000, $0x38;
	[tilespmem:$0x12700] =	vst v63  }
0x103: {  	_ =	swait.ge [sflag:s13], $0x4000  }
0x104: {  	[sflag:s13] =	ssyncset.done $0x0  }
0x105: {  	[sflag:s13] =	ssyncadd.s32 $0xFFFFC000  }
0x106: {  	[hbm4b:s31+s3] =	stream.linear.scatter [tilespmem:s8], [sflag:$0x6], $0x4000, $0x38;
	[tilespmem:$0x12700] =	vst v63  }
0x107: {  	_ =	swait.ge [sflag:s16], $0x4000  }
0x108: {  	[sflag:s16] =	ssyncset.done $0x0  }
0x109: {  	[sflag:s16] =	ssyncadd.s32 $0xFFFFC000  }
0x10a: {  	_ =	swait.ge [sflag:s17], $0x4000  }
0x10b: {  	[sflag:s17] =	ssyncset.done $0x0  }
0x10c: {  	s18 =	sadd.s32 $0x1, s18;
	[sflag:s17] =	ssyncadd.s32 $0xFFFFC000  }
0x10d: {  	p0 =	sne.s32 s18, s1;
	_ =	swait.ge [sflag:s12], $0x4000  }
.Ltmp1:
0x10e: {  	[sflag:s12] =	ssyncset.done $0x0;
	(pc) =	sbr.rel @p0 .LBB2_1-.Ltmp1, $4  }
0x10f: {  	[sflag:s12] =	ssyncadd.s32 $0xFFFFC000  }
0x110: {  	_ =	swait.ge [sflag:s14], $0x4000  }
0x111: {  	[sflag:s14] =	ssyncset.done $0x0  }
0x112: {  	[sflag:s14] =	ssyncadd.s32 $0xFFFFC000  }
0x113: {  	_ =	sfence.sel $0x180000  }
0x114: {  	[bflag:$0x0] =	sbarrier.arrive $0xFFFF  }
0x115: {  	_ =	strace $0x90000047  }
0x116: {  	s0 =	stileid.u32;
	[bflag:$0x2] =	sbarrier.arrive $0xFFFF  }
0x117: {  	p0 =	sne.s32 s0, $0x0;
	s0 =	rddreg [dreg:$0x4]  }
0x118: {  	s0 =	sadd.s32 @!p0 $0x100000, s0  }
0x119: {  	[sflag:s0] =	ssyncadd.tile.s32 @!p0 $0x1;
	_ =	shalt  }
.Lfunc_end2:
_tile_overlayer_lowered:
.L_overlay_start_2:
0x11a: {  	(tag) =	ssettag $0x2  }
0x11b: {  	s0 =	rddreg [dreg:$0x0];
	s2 =	stileid.u32  }
0x11c: {  	s1 =	rddreg [dreg:$0x1];
	p0 =	sne.s32 s2, $0x0  }
0x11d: {  	s3 =	rddreg [dreg:$0x2];
	[bflag:$0x3] =	sbarrier.arrive $0xFFFF;
	s2 =	simm.s32 @!p0 $0x1C09  }
0x11e: {  	[timem:s3], [sflag:s2] =	dma.local @!p0 [hbm:s0], s1  }
0x11f: {  	s0 =	simm.s32 @!p0 $0x9  }
0x120: {  	_ =	swait.ge @!p0 [sflag:s0], s1  }
0x121: {  	s1 =	ssub.s32 @!p0 $0x0, s1;
	[sflag:s0] =	ssyncset.done @!p0 $0x0  }
0x122: {  	[sflag:s0] =	ssyncadd.s32 @!p0 s1  }
0x123: {  	[bflag:$0x3] =	sbarrier.arrive $0xFFFF  }
0x124: {  	_ =	shalt  }

</sc_bundles>
